<compile_context>
chip_gen: v7x
topology: tpu7x:2x2x1
jax: 0.10.2.dev20260603
libtpu: 0.0.44.dev20260713+nightly
codegen_flags: <defaults>
</compile_context>

<pallas_src>
import jax
import jax.numpy as jnp
from jax import lax
from jax.experimental import pallas as pl
from jax.experimental.pallas import tpu as pltpu
from jax.experimental.pallas import tpu_sc as plsc

KTOP = 64
N = 32768
ROWS = 128
LANES = 16
NV = N // LANES
GB = 64
NG = NV // GB
NCH = 2
CL = 32
NC, NS = 2, 16
NW = NC * NS
RPW = ROWS // NW
UNROLL = 16

_NEG_INF = float("-inf")
_BIG_I = 2**30


def _sc_body(x_hbm, v_hbm, i_hbm, xb, vbuf, ibuf, cref, outv, outi, sem):
    wid = lax.axis_index("s") * NC + lax.axis_index("c")
    lane = lax.iota(jnp.int32, LANES)
    zero16i = jnp.zeros((LANES,), jnp.int32)
    neginf16 = jnp.full((LANES,), _NEG_INF, jnp.float32)
    zero16f = jnp.zeros((LANES,), jnp.float32)
    bigi16 = jnp.full((LANES,), _BIG_I, jnp.int32)

    row0 = wid * RPW
    pltpu.async_copy(x_hbm.at[row0], xb.at[pl.ds(0, N)], sem)

    def do_row(r, _):
        row = row0 + r
        base = (r & 1) * N
        def init_body(j, _):
            vbuf[j] = neginf16
            return 0
        lax.fori_loop(0, NCH * CL, init_body, 0)

        pltpu.make_async_copy(
            x_hbm.at[row], xb.at[pl.ds(base, N)], sem).wait()

        @pl.when(r + 1 < RPW)
        def _():
            nbase = ((r + 1) & 1) * N
            pltpu.async_copy(
                x_hbm.at[row + 1], xb.at[pl.ds(nbase, N)], sem)

        def collect(tvec):
            def col_body(i0, curs):
                curs = list(curs)
                bi = i0 * UNROLL
                vs = [xb[pl.ds(base + (bi + u) * LANES, LANES)]
                      for u in range(UNROLL)]
                for u in range(UNROLL):
                    ch = u & (NCH - 1)
                    v = vs[u]
                    msk = v >= tvec
                    idx = lane + (bi + u) * LANES
                    addr = (curs[ch] & (CL - 1)) + ch * CL
                    plsc.store_scatter(ibuf, [addr, lane], idx, mask=msk)
                    curs[ch] = curs[ch] + msk.astype(jnp.int32)
                return tuple(curs)
            return lax.fori_loop(0, NV // UNROLL, col_body, (zero16i,) * NCH)

        tspec = jnp.full((LANES,), 2.7, jnp.float32)
        curs = collect(tspec)
        csum = curs[0]
        cmax = curs[0]
        for ch in range(1, NCH):
            csum = csum + curs[ch]
            cmax = jnp.maximum(cmax, curs[ch])
        ok = (jnp.sum(csum) >= KTOP) & (jnp.max(cmax) <= CL)
        for ch in range(NCH):
            cref[ch] = curs[ch]

        @pl.when(jnp.logical_not(ok))
        def _():
            def g_body(g, tops):
                t0, t1, t2, t3 = tops
                m = xb[pl.ds(base + g * (GB * LANES), LANES)]
                for j in range(1, GB):
                    m = jnp.maximum(
                        m, xb[pl.ds(base + g * (GB * LANES) + j * LANES, LANES)])
                hi = jnp.maximum(t0, m)
                m = jnp.minimum(t0, m)
                t0 = hi
                hi = jnp.maximum(t1, m)
                m = jnp.minimum(t1, m)
                t1 = hi
                hi = jnp.maximum(t2, m)
                m = jnp.minimum(t2, m)
                t2 = hi
                t3 = jnp.maximum(t3, m)
                return t0, t1, t2, t3

            _, _, _, t3 = lax.fori_loop(
                0, NG, g_body, (neginf16, neginf16, neginf16, neginf16))
            tvec = jnp.zeros((LANES,), jnp.float32) + jnp.min(t3)
            curs2 = collect(tvec)
            for ch in range(NCH):
                cref[ch] = curs2[ch]

        curs = tuple(cref[ch] for ch in range(NCH))

        for ch in range(NCH):
            cur_c = curs[ch]
            lmax_c = jnp.minimum(jnp.max(cur_c), CL)

            def mat_body(j, _, ch=ch, cur_c=cur_c):
                idx = ibuf[ch * CL + j]
                ok = cur_c > j
                v = plsc.load_gather(xb, [base + idx], mask=ok)
                vbuf[ch * CL + j] = jnp.where(ok, v, _NEG_INF)
                return 0

            lax.fori_loop(0, lmax_c, mat_body, 0)

            def sweep(_, carry, ch=ch, lmax_c=lmax_c):
                def ce(j, c):
                    a = ch * CL + j
                    va = vbuf[a]
                    vb = vbuf[a + 1]
                    ia = ibuf[a]
                    ib = ibuf[a + 1]
                    sw = vb > va
                    vbuf[a] = jnp.where(sw, vb, va)
                    vbuf[a + 1] = jnp.where(sw, va, vb)
                    ibuf[a] = jnp.where(sw, ib, ia)
                    ibuf[a + 1] = jnp.where(sw, ia, ib)
                    return c
                return lax.fori_loop(0, lmax_c - 1, ce, carry)

            lax.fori_loop(0, lmax_c, sweep, 0)

        lane0 = lane == 0
        def ext_body(t, st):
            ptrs = list(st)
            hvs, his = [], []
            for ch in range(NCH):
                inb = ptrs[ch] < CL
                hv = plsc.load_gather(vbuf, [ptrs[ch] + ch * CL, lane],
                                      mask=inb)
                hi = plsc.load_gather(ibuf, [ptrs[ch] + ch * CL, lane],
                                      mask=inb)
                hvs.append(jnp.where(inb, hv, _NEG_INF))
                his.append(hi)
            hvm = hvs[0]
            for ch in range(1, NCH):
                hvm = jnp.maximum(hvm, hvs[ch])
            rbest = jnp.max(hvm)
            mm = jnp.where(hvs[0] == rbest, his[0], bigi16)
            for ch in range(1, NCH):
                mm = jnp.minimum(mm, jnp.where(hvs[ch] == rbest, his[ch], bigi16))
            ibest = jnp.min(mm)
            lwin = ibest & (LANES - 1)
            selw = lane == lwin
            for ch in range(NCH):
                upd = selw & (hvs[ch] == rbest) & (his[ch] == ibest)
                ptrs[ch] = ptrs[ch] + upd.astype(jnp.int32)

            tvecidx = zero16i + t
            plsc.store_scatter(outv, [tvecidx], zero16f + rbest, mask=lane0)
            plsc.store_scatter(outi, [tvecidx], zero16i + ibest, mask=lane0)
            return tuple(ptrs)

        st0 = (zero16i,) * NCH
        lax.fori_loop(0, KTOP, ext_body, st0)

        pltpu.sync_copy(outv, v_hbm.at[row])
        pltpu.sync_copy(outi, i_hbm.at[row])
        return 0

    lax.fori_loop(0, RPW, do_row, 0)


def kernel(x):
    mesh = plsc.VectorSubcoreMesh(
        core_axis_name="c", subcore_axis_name="s", num_cores=NC, num_subcores=NS)
    f = pl.kernel(
        _sc_body,
        out_type=(
            jax.ShapeDtypeStruct((ROWS, KTOP), jnp.float32),
            jax.ShapeDtypeStruct((ROWS, KTOP), jnp.int32),
        ),
        mesh=mesh,
        compiler_params=pltpu.CompilerParams(needs_layout_passes=False, use_tc_tiling_on_sc=True),
        scratch_types=[
            pltpu.VMEM((2 * N,), jnp.float32),
            pltpu.VMEM((NCH * CL, LANES), jnp.float32),
            pltpu.VMEM((NCH * CL, LANES), jnp.int32),
            pltpu.VMEM((NCH, LANES), jnp.int32),
            pltpu.VMEM((KTOP,), jnp.float32),
            pltpu.VMEM((KTOP,), jnp.int32),
            pltpu.SemaphoreType.DMA,
        ],
    )
    return f(x)

# --- scband reference (transcript-rebuilt; emitter-appended) ---
"""Pipeline reference for scband-top-k-46093589021185 (READ-ONLY COPY).

The authoritative reference and input builder live on the scoring server;
editing this copy changes nothing except your own understanding.
"""

import jax, jax.numpy as jnp
import numpy as np

K = 64

def setup_inputs(seed: int = 0) -> dict:
    key = jax.random.key(seed)
    x = jax.random.normal(key, (128, 32768), dtype=jnp.float32)
    return {"x": x}

def reference(x):
    # torch.topk(x, k=64, dim=-1, largest=True, sorted=True)
    # jax.lax.top_k operates on the last axis, returns values sorted descending
    # with corresponding indices, matching largest=True, sorted=True.
    values, indices = jax.lax.top_k(x, K)
    return (values, indices)

if __name__ == "__main__":
    import jax
    _d = setup_inputs()
    print(jax.jit(kernel)(*tuple(_d.values())))

</pallas_src>

<mosaic_0001>
#map = affine_map<(d0, d1) -> (0, 0)>
module attributes {stable_mosaic.version = 14 : i64} {
  func.func @_sc_body(%arg0: i32, %arg1: i32, %arg2: memref<128x32768xf32, #tpu.memory_space<hbm>>, %arg3: memref<128x64xf32, #tpu.memory_space<hbm>>, %arg4: memref<128x64xi32, #tpu.memory_space<hbm>>, %arg5: memref<65536xf32, #tpu.memory_space<vmem>>, %arg6: memref<64x16xf32, #tpu.memory_space<vmem>>, %arg7: memref<64x16xi32, #tpu.memory_space<vmem>>, %arg8: memref<2x16xi32, #tpu.memory_space<vmem>>, %arg9: memref<64xf32, #tpu.memory_space<vmem>>, %arg10: memref<64xi32, #tpu.memory_space<vmem>>, %arg11: memref<!tpu.dma_semaphore, #tpu.memory_space<semaphore_mem>>) attributes {dimension_semantics = [#tpu.dimension_semantics<core_parallel>, #tpu.dimension_semantics<subcore_parallel>], iteration_bounds = array<i64: 2, 16>, scalar_prefetch = 0 : i64, scratch_operands = 7 : i64, tpu.core_type = #tpu.core_type<sc_vector_subcore>, window_params = [{transform_indices = #map}, {transform_indices = #map}, {transform_indices = #map}]} {
    %mul3A = arith.constant 2 : i32
    %mul3A_0 = arith.muli %arg1, %mul3A : i32
    %add3A = arith.addi %mul3A_0, %arg0 : i32
    %iota3A = tpu.iota {dimensions = array<i32: 0>} : vector<16xi32>
    %broadcast_in_dim3A = arith.constant 0 : i32
    %broadcast_in_dim3A_1 = vector.broadcast %broadcast_in_dim3A : i32 to vector<16xi32>
    %broadcast_in_dim3A_2 = arith.constant 0xFF800000 : f32
    %broadcast_in_dim3A_3 = vector.broadcast %broadcast_in_dim3A_2 : f32 to vector<16xf32>
    %broadcast_in_dim3A_4 = arith.constant 0.000000e+00 : f32
    %broadcast_in_dim3A_5 = vector.broadcast %broadcast_in_dim3A_4 : f32 to vector<16xf32>
    %broadcast_in_dim3A_6 = arith.constant 1073741824 : i32
    %broadcast_in_dim3A_7 = vector.broadcast %broadcast_in_dim3A_6 : i32 to vector<16xi32>
    %mul3A_8 = arith.constant 4 : i32
    %mul3A_9 = arith.muli %add3A, %mul3A_8 : i32
    %dma_start3A = arith.constant 0 : i32
    %dma_start3A_10 = tpu.memref_slice %arg5[%dma_start3A] : memref<65536xf32, #tpu.memory_space<vmem>> -> memref<32768xf32, #tpu.memory_space<vmem>>
    %dma_start3A_11 = arith.constant 0 : i32
    %dma_start3A_12 = tpu.memref_slice %arg2[%mul3A_9, %dma_start3A_11] : memref<128x32768xf32, #tpu.memory_space<hbm>> -> memref<1x32768xf32, #tpu.memory_space<hbm>>
    %dma_start3A_13 = tpu.memref_squeeze %dma_start3A_12 : memref<1x32768xf32, #tpu.memory_space<hbm>> -> memref<32768xf32, #tpu.memory_space<hbm>>
    %dma_start3A_14 = arith.constant 0 : i32
    %dma_start3A_15 = tpu.memref_slice %arg5[%dma_start3A_14] : memref<65536xf32, #tpu.memory_space<vmem>> -> memref<32768xf32, #tpu.memory_space<vmem>>
    %dma_start3A_16 = arith.constant 0 : i32
    %dma_start3A_17 = tpu.memref_slice %arg2[%mul3A_9, %dma_start3A_16] : memref<128x32768xf32, #tpu.memory_space<hbm>> -> memref<1x32768xf32, #tpu.memory_space<hbm>>
    %dma_start3A_18 = tpu.memref_squeeze %dma_start3A_17 : memref<1x32768xf32, #tpu.memory_space<hbm>> -> memref<32768xf32, #tpu.memory_space<hbm>>
    tpu.enqueue_dma source(%dma_start3A_18 : memref<32768xf32, #tpu.memory_space<hbm>>) target(%dma_start3A_15 : memref<32768xf32, #tpu.memory_space<vmem>>) target_semaphore(%arg11 : memref<!tpu.dma_semaphore, #tpu.memory_space<semaphore_mem>>)
    %scan3A = arith.constant 0 : i32
    %scan3A_19 = arith.constant 0 : i32
    %scan3A_20 = arith.constant 4 : i32
    %scan3A_21 = arith.addi %scan3A_19, %scan3A_20 : i32
    %scan3A_22 = arith.constant 1 : i32
    %scan3A_23 = scf.for %scan3A_25 = %scan3A_19 to %scan3A_21 step %scan3A_22 iter_args(%scan3A_26 = %scan3A) -> (i32)  : i32 {
      %add3A_27 = arith.addi %mul3A_9, %scan3A_25 : i32
      %and3A = arith.constant 1 : i32
      %and3A_28 = arith.andi %scan3A_25, %and3A : i32
      %mul3A_29 = arith.constant 32768 : i32
      %mul3A_30 = arith.muli %and3A_28, %mul3A_29 : i32
      %scan3A_31 = arith.constant 0 : i32
      %scan3A_32 = arith.constant 0 : i32
      %scan3A_33 = arith.constant 64 : i32
      %scan3A_34 = arith.addi %scan3A_32, %scan3A_33 : i32
      %scan3A_35 = arith.constant 1 : i32
      %scan3A_36 = scf.for %scan3A_160 = %scan3A_32 to %scan3A_34 step %scan3A_35 iter_args(%scan3A_161 = %scan3A_31) -> (i32)  : i32 {
        %swap3A_162 = arith.index_cast %scan3A_160 : i32 to index
        %swap3A_163 = arith.constant 0 : index
        %swap3A_164 = tpu.vector_load %arg6[%swap3A_162, %swap3A_163] {strides = array<i32>} : memref<64x16xf32, #tpu.memory_space<vmem>>, vector<16xf32>,
        tpu.vector_store %arg6[%swap3A_162, %swap3A_163], %broadcast_in_dim3A_3 {strides = array<i32>} : memref<64x16xf32, #tpu.memory_space<vmem>>, vector<16xf32>,
        %scan3A_165 = arith.constant 0 : i32
        scf.yield %scan3A_165 : i32
      }
      %scan3A_37 = arith.constant 64 : i32
      %dma_wait3A = tpu.memref_slice %arg5[%mul3A_30] : memref<65536xf32, #tpu.memory_space<vmem>> -> memref<32768xf32, #tpu.memory_space<vmem>>
      %dma_wait3A_38 = arith.constant 0 : i32
      %dma_wait3A_39 = tpu.memref_slice %arg2[%add3A_27, %dma_wait3A_38] : memref<128x32768xf32, #tpu.memory_space<hbm>> -> memref<1x32768xf32, #tpu.memory_space<hbm>>
      %dma_wait3A_40 = tpu.memref_squeeze %dma_wait3A_39 : memref<1x32768xf32, #tpu.memory_space<hbm>> -> memref<32768xf32, #tpu.memory_space<hbm>>
      %dma_wait3A_41 = tpu.memref_slice %arg5[%mul3A_30] : memref<65536xf32, #tpu.memory_space<vmem>> -> memref<32768xf32, #tpu.memory_space<vmem>>
      %dma_wait3A_42 = arith.constant 0 : i32
      %dma_wait3A_43 = tpu.memref_slice %arg2[%add3A_27, %dma_wait3A_42] : memref<128x32768xf32, #tpu.memory_space<hbm>> -> memref<1x32768xf32, #tpu.memory_space<hbm>>
      %dma_wait3A_44 = tpu.memref_squeeze %dma_wait3A_43 : memref<1x32768xf32, #tpu.memory_space<hbm>> -> memref<32768xf32, #tpu.memory_space<hbm>>
      tpu.wait_dma2 semaphore(%arg11 : memref<!tpu.dma_semaphore, #tpu.memory_space<semaphore_mem>>) src(%dma_wait3A_44 : memref<32768xf32, #tpu.memory_space<hbm>>) dst(%dma_wait3A_41 : memref<32768xf32, #tpu.memory_space<vmem>>)
      %add3A_45 = arith.constant 1 : i32
      %add3A_46 = arith.addi %scan3A_25, %add3A_45 : i32
      %lt3A = arith.constant 4 : i32
      %lt3A_47 = arith.cmpi slt, %add3A_46, %lt3A : i32
      %convert_element_type3A = arith.extui %lt3A_47 : i1 to i32
      %cond3A = arith.constant 0 : i32
      %cond3A_48 = arith.cmpi ne, %convert_element_type3A, %cond3A : i32
      scf.if %cond3A_48 {
        %add3A_160 = arith.constant 1 : i32
        %add3A_161 = arith.addi %scan3A_25, %add3A_160 : i32
        %and3A_162 = arith.constant 1 : i32
        %and3A_163 = arith.andi %add3A_161, %and3A_162 : i32
        %mul3A_164 = arith.constant 32768 : i32
        %mul3A_165 = arith.muli %and3A_163, %mul3A_164 : i32
        %add3A_166 = arith.constant 1 : i32
        %add3A_167 = arith.addi %add3A_27, %add3A_166 : i32
        %dma_start3A_168 = tpu.memref_slice %arg5[%mul3A_165] : memref<65536xf32, #tpu.memory_space<vmem>> -> memref<32768xf32, #tpu.memory_space<vmem>>
        %dma_start3A_169 = arith.constant 0 : i32
        %dma_start3A_170 = tpu.memref_slice %arg2[%add3A_167, %dma_start3A_169] : memref<128x32768xf32, #tpu.memory_space<hbm>> -> memref<1x32768xf32, #tpu.memory_space<hbm>>
        %dma_start3A_171 = tpu.memref_squeeze %dma_start3A_170 : memref<1x32768xf32, #tpu.memory_space<hbm>> -> memref<32768xf32, #tpu.memory_space<hbm>>
        %dma_start3A_172 = tpu.memref_slice %arg5[%mul3A_165] : memref<65536xf32, #tpu.memory_space<vmem>> -> memref<32768xf32, #tpu.memory_space<vmem>>
        %dma_start3A_173 = arith.constant 0 : i32
        %dma_start3A_174 = tpu.memref_slice %arg2[%add3A_167, %dma_start3A_173] : memref<128x32768xf32, #tpu.memory_space<hbm>> -> memref<1x32768xf32, #tpu.memory_space<hbm>>
        %dma_start3A_175 = tpu.memref_squeeze %dma_start3A_174 : memref<1x32768xf32, #tpu.memory_space<hbm>> -> memref<32768xf32, #tpu.memory_space<hbm>>
        tpu.enqueue_dma source(%dma_start3A_175 : memref<32768xf32, #tpu.memory_space<hbm>>) target(%dma_start3A_172 : memref<32768xf32, #tpu.memory_space<vmem>>) target_semaphore(%arg11 : memref<!tpu.dma_semaphore, #tpu.memory_space<semaphore_mem>>)
      } else {
      }
      %broadcast_in_dim3A_49 = arith.constant 2.700000e+00 : f32
      %broadcast_in_dim3A_50 = vector.broadcast %broadcast_in_dim3A_49 : f32 to vector<16xf32>
      %scan3A_51 = arith.constant 0 : i32
      %scan3A_52 = arith.constant 128 : i32
      %scan3A_53 = arith.addi %scan3A_51, %scan3A_52 : i32
      %scan3A_54 = arith.constant 1 : i32
      %scan3A_55:2 = scf.for %scan3A_160 = %scan3A_51 to %scan3A_53 step %scan3A_54 iter_args(%scan3A_161 = %broadcast_in_dim3A_1, %scan3A_162 = %broadcast_in_dim3A_1) -> (vector<16xi32>, vector<16xi32>)  : i32 {
        %mul3A_163 = arith.constant 16 : i32
        %mul3A_164 = arith.muli %scan3A_160, %mul3A_163 : i32
        %add3A_165 = arith.constant 0 : i32
        %add3A_166 = arith.addi %mul3A_164, %add3A_165 : i32
        %mul3A_167 = arith.constant 16 : i32
        %mul3A_168 = arith.muli %add3A_166, %mul3A_167 : i32
        %add3A_169 = arith.addi %mul3A_30, %mul3A_168 : i32
        %get3A_170 = arith.index_cast %add3A_169 : i32 to index
        %get3A_171 = tpu.vector_load %arg5[%get3A_170] {strides = array<i32>} : memref<65536xf32, #tpu.memory_space<vmem>>, vector<16xf32>,
        %add3A_172 = arith.constant 1 : i32
        %add3A_173 = arith.addi %mul3A_164, %add3A_172 : i32
        %mul3A_174 = arith.constant 16 : i32
        %mul3A_175 = arith.muli %add3A_173, %mul3A_174 : i32
        %add3A_176 = arith.addi %mul3A_30, %mul3A_175 : i32
        %get3A_177 = arith.index_cast %add3A_176 : i32 to index
        %get3A_178 = tpu.vector_load %arg5[%get3A_177] {strides = array<i32>} : memref<65536xf32, #tpu.memory_space<vmem>>, vector<16xf32>,
        %add3A_179 = arith.constant 2 : i32
        %add3A_180 = arith.addi %mul3A_164, %add3A_179 : i32
        %mul3A_181 = arith.constant 16 : i32
        %mul3A_182 = arith.muli %add3A_180, %mul3A_181 : i32
        %add3A_183 = arith.addi %mul3A_30, %mul3A_182 : i32
        %get3A_184 = arith.index_cast %add3A_183 : i32 to index
        %get3A_185 = tpu.vector_load %arg5[%get3A_184] {strides = array<i32>} : memref<65536xf32, #tpu.memory_space<vmem>>, vector<16xf32>,
        %add3A_186 = arith.constant 3 : i32
        %add3A_187 = arith.addi %mul3A_164, %add3A_186 : i32
        %mul3A_188 = arith.constant 16 : i32
        %mul3A_189 = arith.muli %add3A_187, %mul3A_188 : i32
        %add3A_190 = arith.addi %mul3A_30, %mul3A_189 : i32
        %get3A_191 = arith.index_cast %add3A_190 : i32 to index
        %get3A_192 = tpu.vector_load %arg5[%get3A_191] {strides = array<i32>} : memref<65536xf32, #tpu.memory_space<vmem>>, vector<16xf32>,
        %add3A_193 = arith.constant 4 : i32
        %add3A_194 = arith.addi %mul3A_164, %add3A_193 : i32
        %mul3A_195 = arith.constant 16 : i32
        %mul3A_196 = arith.muli %add3A_194, %mul3A_195 : i32
        %add3A_197 = arith.addi %mul3A_30, %mul3A_196 : i32
        %get3A_198 = arith.index_cast %add3A_197 : i32 to index
        %get3A_199 = tpu.vector_load %arg5[%get3A_198] {strides = array<i32>} : memref<65536xf32, #tpu.memory_space<vmem>>, vector<16xf32>,
        %add3A_200 = arith.constant 5 : i32
        %add3A_201 = arith.addi %mul3A_164, %add3A_200 : i32
        %mul3A_202 = arith.constant 16 : i32
        %mul3A_203 = arith.muli %add3A_201, %mul3A_202 : i32
        %add3A_204 = arith.addi %mul3A_30, %mul3A_203 : i32
        %get3A_205 = arith.index_cast %add3A_204 : i32 to index
        %get3A_206 = tpu.vector_load %arg5[%get3A_205] {strides = array<i32>} : memref<65536xf32, #tpu.memory_space<vmem>>, vector<16xf32>,
        %add3A_207 = arith.constant 6 : i32
        %add3A_208 = arith.addi %mul3A_164, %add3A_207 : i32
        %mul3A_209 = arith.constant 16 : i32
        %mul3A_210 = arith.muli %add3A_208, %mul3A_209 : i32
        %add3A_211 = arith.addi %mul3A_30, %mul3A_210 : i32
        %get3A_212 = arith.index_cast %add3A_211 : i32 to index
        %get3A_213 = tpu.vector_load %arg5[%get3A_212] {strides = array<i32>} : memref<65536xf32, #tpu.memory_space<vmem>>, vector<16xf32>,
        %add3A_214 = arith.constant 7 : i32
        %add3A_215 = arith.addi %mul3A_164, %add3A_214 : i32
        %mul3A_216 = arith.constant 16 : i32
        %mul3A_217 = arith.muli %add3A_215, %mul3A_216 : i32
        %add3A_218 = arith.addi %mul3A_30, %mul3A_217 : i32
        %get3A_219 = arith.index_cast %add3A_218 : i32 to index
        %get3A_220 = tpu.vector_load %arg5[%get3A_219] {strides = array<i32>} : memref<65536xf32, #tpu.memory_space<vmem>>, vector<16xf32>,
        %add3A_221 = arith.constant 8 : i32
        %add3A_222 = arith.addi %mul3A_164, %add3A_221 : i32
        %mul3A_223 = arith.constant 16 : i32
        %mul3A_224 = arith.muli %add3A_222, %mul3A_223 : i32
        %add3A_225 = arith.addi %mul3A_30, %mul3A_224 : i32
        %get3A_226 = arith.index_cast %add3A_225 : i32 to index
        %get3A_227 = tpu.vector_load %arg5[%get3A_226] {strides = array<i32>} : memref<65536xf32, #tpu.memory_space<vmem>>, vector<16xf32>,
        %add3A_228 = arith.constant 9 : i32
        %add3A_229 = arith.addi %mul3A_164, %add3A_228 : i32
        %mul3A_230 = arith.constant 16 : i32
        %mul3A_231 = arith.muli %add3A_229, %mul3A_230 : i32
        %add3A_232 = arith.addi %mul3A_30, %mul3A_231 : i32
        %get3A_233 = arith.index_cast %add3A_232 : i32 to index
        %get3A_234 = tpu.vector_load %arg5[%get3A_233] {strides = array<i32>} : memref<65536xf32, #tpu.memory_space<vmem>>, vector<16xf32>,
        %add3A_235 = arith.constant 10 : i32
        %add3A_236 = arith.addi %mul3A_164, %add3A_235 : i32
        %mul3A_237 = arith.constant 16 : i32
        %mul3A_238 = arith.muli %add3A_236, %mul3A_237 : i32
        %add3A_239 = arith.addi %mul3A_30, %mul3A_238 : i32
        %get3A_240 = arith.index_cast %add3A_239 : i32 to index
        %get3A_241 = tpu.vector_load %arg5[%get3A_240] {strides = array<i32>} : memref<65536xf32, #tpu.memory_space<vmem>>, vector<16xf32>,
        %add3A_242 = arith.constant 11 : i32
        %add3A_243 = arith.addi %mul3A_164, %add3A_242 : i32
        %mul3A_244 = arith.constant 16 : i32
        %mul3A_245 = arith.muli %add3A_243, %mul3A_244 : i32
        %add3A_246 = arith.addi %mul3A_30, %mul3A_245 : i32
        %get3A_247 = arith.index_cast %add3A_246 : i32 to index
        %get3A_248 = tpu.vector_load %arg5[%get3A_247] {strides = array<i32>} : memref<65536xf32, #tpu.memory_space<vmem>>, vector<16xf32>,
        %add3A_249 = arith.constant 12 : i32
        %add3A_250 = arith.addi %mul3A_164, %add3A_249 : i32
        %mul3A_251 = arith.constant 16 : i32
        %mul3A_252 = arith.muli %add3A_250, %mul3A_251 : i32
        %add3A_253 = arith.addi %mul3A_30, %mul3A_252 : i32
        %get3A_254 = arith.index_cast %add3A_253 : i32 to index
        %get3A_255 = tpu.vector_load %arg5[%get3A_254] {strides = array<i32>} : memref<65536xf32, #tpu.memory_space<vmem>>, vector<16xf32>,
        %add3A_256 = arith.constant 13 : i32
        %add3A_257 = arith.addi %mul3A_164, %add3A_256 : i32
        %mul3A_258 = arith.constant 16 : i32
        %mul3A_259 = arith.muli %add3A_257, %mul3A_258 : i32
        %add3A_260 = arith.addi %mul3A_30, %mul3A_259 : i32
        %get3A_261 = arith.index_cast %add3A_260 : i32 to index
        %get3A_262 = tpu.vector_load %arg5[%get3A_261] {strides = array<i32>} : memref<65536xf32, #tpu.memory_space<vmem>>, vector<16xf32>,
        %add3A_263 = arith.constant 14 : i32
        %add3A_264 = arith.addi %mul3A_164, %add3A_263 : i32
        %mul3A_265 = arith.constant 16 : i32
        %mul3A_266 = arith.muli %add3A_264, %mul3A_265 : i32
        %add3A_267 = arith.addi %mul3A_30, %mul3A_266 : i32
        %get3A_268 = arith.index_cast %add3A_267 : i32 to index
        %get3A_269 = tpu.vector_load %arg5[%get3A_268] {strides = array<i32>} : memref<65536xf32, #tpu.memory_space<vmem>>, vector<16xf32>,
        %add3A_270 = arith.constant 15 : i32
        %add3A_271 = arith.addi %mul3A_164, %add3A_270 : i32
        %mul3A_272 = arith.constant 16 : i32
        %mul3A_273 = arith.muli %add3A_271, %mul3A_272 : i32
        %add3A_274 = arith.addi %mul3A_30, %mul3A_273 : i32
        %get3A_275 = arith.index_cast %add3A_274 : i32 to index
        %get3A_276 = tpu.vector_load %arg5[%get3A_275] {strides = array<i32>} : memref<65536xf32, #tpu.memory_space<vmem>>, vector<16xf32>,
        %ge3A_277 = arith.cmpf oge, %get3A_171, %broadcast_in_dim3A_50 : vector<16xf32>
        %add3A_278 = arith.constant 0 : i32
        %add3A_279 = arith.addi %mul3A_164, %add3A_278 : i32
        %mul3A_280 = arith.constant 16 : i32
        %mul3A_281 = arith.muli %add3A_279, %mul3A_280 : i32
        %add3A_282 = vector.broadcast %mul3A_281 : i32 to vector<16xi32>
        %add3A_283 = arith.addi %iota3A, %add3A_282 : vector<16xi32>
        %and3A_284 = arith.constant 31 : i32
        %and3A_285 = vector.broadcast %and3A_284 : i32 to vector<16xi32>
        %and3A_286 = arith.andi %scan3A_161, %and3A_285 : vector<16xi32>
        %add3A_287 = arith.constant 0 : i32
        %add3A_288 = vector.broadcast %add3A_287 : i32 to vector<16xi32>
        %add3A_289 = arith.addi %and3A_286, %add3A_288 : vector<16xi32>
        tpu.vector_store_idx %arg7[%add3A_289, %iota3A], %add3A_283 masked %ge3A_277 : memref<64x16xi32, #tpu.memory_space<vmem>>[vector<16xi32>, vector<16xi32>], vector<16xi32>, vector<16xi1>
        %convert_element_type3A_290 = arith.extui %ge3A_277 : vector<16xi1> to vector<16xi32>
        %add3A_291 = arith.addi %scan3A_161, %convert_element_type3A_290 : vector<16xi32>
        %ge3A_292 = arith.cmpf oge, %get3A_178, %broadcast_in_dim3A_50 : vector<16xf32>
        %add3A_293 = arith.constant 1 : i32
        %add3A_294 = arith.addi %mul3A_164, %add3A_293 : i32
        %mul3A_295 = arith.constant 16 : i32
        %mul3A_296 = arith.muli %add3A_294, %mul3A_295 : i32
        %add3A_297 = vector.broadcast %mul3A_296 : i32 to vector<16xi32>
        %add3A_298 = arith.addi %iota3A, %add3A_297 : vector<16xi32>
        %and3A_299 = arith.constant 31 : i32
        %and3A_300 = vector.broadcast %and3A_299 : i32 to vector<16xi32>
        %and3A_301 = arith.andi %scan3A_162, %and3A_300 : vector<16xi32>
        %add3A_302 = arith.constant 32 : i32
        %add3A_303 = vector.broadcast %add3A_302 : i32 to vector<16xi32>
        %add3A_304 = arith.addi %and3A_301, %add3A_303 : vector<16xi32>
        tpu.vector_store_idx %arg7[%add3A_304, %iota3A], %add3A_298 masked %ge3A_292 : memref<64x16xi32, #tpu.memory_space<vmem>>[vector<16xi32>, vector<16xi32>], vector<16xi32>, vector<16xi1>
        %convert_element_type3A_305 = arith.extui %ge3A_292 : vector<16xi1> to vector<16xi32>
        %add3A_306 = arith.addi %scan3A_162, %convert_element_type3A_305 : vector<16xi32>
        %ge3A_307 = arith.cmpf oge, %get3A_185, %broadcast_in_dim3A_50 : vector<16xf32>
        %add3A_308 = arith.constant 2 : i32
        %add3A_309 = arith.addi %mul3A_164, %add3A_308 : i32
        %mul3A_310 = arith.constant 16 : i32
        %mul3A_311 = arith.muli %add3A_309, %mul3A_310 : i32
        %add3A_312 = vector.broadcast %mul3A_311 : i32 to vector<16xi32>
        %add3A_313 = arith.addi %iota3A, %add3A_312 : vector<16xi32>
        %and3A_314 = arith.constant 31 : i32
        %and3A_315 = vector.broadcast %and3A_314 : i32 to vector<16xi32>
        %and3A_316 = arith.andi %add3A_291, %and3A_315 : vector<16xi32>
        %add3A_317 = arith.constant 0 : i32
        %add3A_318 = vector.broadcast %add3A_317 : i32 to vector<16xi32>
        %add3A_319 = arith.addi %and3A_316, %add3A_318 : vector<16xi32>
        tpu.vector_store_idx %arg7[%add3A_319, %iota3A], %add3A_313 masked %ge3A_307 : memref<64x16xi32, #tpu.memory_space<vmem>>[vector<16xi32>, vector<16xi32>], vector<16xi32>, vector<16xi1>
        %convert_element_type3A_320 = arith.extui %ge3A_307 : vector<16xi1> to vector<16xi32>
        %add3A_321 = arith.addi %add3A_291, %convert_element_type3A_320 : vector<16xi32>
        %ge3A_322 = arith.cmpf oge, %get3A_192, %broadcast_in_dim3A_50 : vector<16xf32>
        %add3A_323 = arith.constant 3 : i32
        %add3A_324 = arith.addi %mul3A_164, %add3A_323 : i32
        %mul3A_325 = arith.constant 16 : i32
        %mul3A_326 = arith.muli %add3A_324, %mul3A_325 : i32
        %add3A_327 = vector.broadcast %mul3A_326 : i32 to vector<16xi32>
        %add3A_328 = arith.addi %iota3A, %add3A_327 : vector<16xi32>
        %and3A_329 = arith.constant 31 : i32
        %and3A_330 = vector.broadcast %and3A_329 : i32 to vector<16xi32>
        %and3A_331 = arith.andi %add3A_306, %and3A_330 : vector<16xi32>
        %add3A_332 = arith.constant 32 : i32
        %add3A_333 = vector.broadcast %add3A_332 : i32 to vector<16xi32>
        %add3A_334 = arith.addi %and3A_331, %add3A_333 : vector<16xi32>
        tpu.vector_store_idx %arg7[%add3A_334, %iota3A], %add3A_328 masked %ge3A_322 : memref<64x16xi32, #tpu.memory_space<vmem>>[vector<16xi32>, vector<16xi32>], vector<16xi32>, vector<16xi1>
        %convert_element_type3A_335 = arith.extui %ge3A_322 : vector<16xi1> to vector<16xi32>
        %add3A_336 = arith.addi %add3A_306, %convert_element_type3A_335 : vector<16xi32>
        %ge3A_337 = arith.cmpf oge, %get3A_199, %broadcast_in_dim3A_50 : vector<16xf32>
        %add3A_338 = arith.constant 4 : i32
        %add3A_339 = arith.addi %mul3A_164, %add3A_338 : i32
        %mul3A_340 = arith.constant 16 : i32
        %mul3A_341 = arith.muli %add3A_339, %mul3A_340 : i32
        %add3A_342 = vector.broadcast %mul3A_341 : i32 to vector<16xi32>
        %add3A_343 = arith.addi %iota3A, %add3A_342 : vector<16xi32>
        %and3A_344 = arith.constant 31 : i32
        %and3A_345 = vector.broadcast %and3A_344 : i32 to vector<16xi32>
        %and3A_346 = arith.andi %add3A_321, %and3A_345 : vector<16xi32>
        %add3A_347 = arith.constant 0 : i32
        %add3A_348 = vector.broadcast %add3A_347 : i32 to vector<16xi32>
        %add3A_349 = arith.addi %and3A_346, %add3A_348 : vector<16xi32>
        tpu.vector_store_idx %arg7[%add3A_349, %iota3A], %add3A_343 masked %ge3A_337 : memref<64x16xi32, #tpu.memory_space<vmem>>[vector<16xi32>, vector<16xi32>], vector<16xi32>, vector<16xi1>
        %convert_element_type3A_350 = arith.extui %ge3A_337 : vector<16xi1> to vector<16xi32>
        %add3A_351 = arith.addi %add3A_321, %convert_element_type3A_350 : vector<16xi32>
        %ge3A_352 = arith.cmpf oge, %get3A_206, %broadcast_in_dim3A_50 : vector<16xf32>
        %add3A_353 = arith.constant 5 : i32
        %add3A_354 = arith.addi %mul3A_164, %add3A_353 : i32
        %mul3A_355 = arith.constant 16 : i32
        %mul3A_356 = arith.muli %add3A_354, %mul3A_355 : i32
        %add3A_357 = vector.broadcast %mul3A_356 : i32 to vector<16xi32>
        %add3A_358 = arith.addi %iota3A, %add3A_357 : vector<16xi32>
        %and3A_359 = arith.constant 31 : i32
        %and3A_360 = vector.broadcast %and3A_359 : i32 to vector<16xi32>
        %and3A_361 = arith.andi %add3A_336, %and3A_360 : vector<16xi32>
        %add3A_362 = arith.constant 32 : i32
        %add3A_363 = vector.broadcast %add3A_362 : i32 to vector<16xi32>
        %add3A_364 = arith.addi %and3A_361, %add3A_363 : vector<16xi32>
        tpu.vector_store_idx %arg7[%add3A_364, %iota3A], %add3A_358 masked %ge3A_352 : memref<64x16xi32, #tpu.memory_space<vmem>>[vector<16xi32>, vector<16xi32>], vector<16xi32>, vector<16xi1>
        %convert_element_type3A_365 = arith.extui %ge3A_352 : vector<16xi1> to vector<16xi32>
        %add3A_366 = arith.addi %add3A_336, %convert_element_type3A_365 : vector<16xi32>
        %ge3A_367 = arith.cmpf oge, %get3A_213, %broadcast_in_dim3A_50 : vector<16xf32>
        %add3A_368 = arith.constant 6 : i32
        %add3A_369 = arith.addi %mul3A_164, %add3A_368 : i32
        %mul3A_370 = arith.constant 16 : i32
        %mul3A_371 = arith.muli %add3A_369, %mul3A_370 : i32
        %add3A_372 = vector.broadcast %mul3A_371 : i32 to vector<16xi32>
        %add3A_373 = arith.addi %iota3A, %add3A_372 : vector<16xi32>
        %and3A_374 = arith.constant 31 : i32
        %and3A_375 = vector.broadcast %and3A_374 : i32 to vector<16xi32>
        %and3A_376 = arith.andi %add3A_351, %and3A_375 : vector<16xi32>
        %add3A_377 = arith.constant 0 : i32
        %add3A_378 = vector.broadcast %add3A_377 : i32 to vector<16xi32>
        %add3A_379 = arith.addi %and3A_376, %add3A_378 : vector<16xi32>
        tpu.vector_store_idx %arg7[%add3A_379, %iota3A], %add3A_373 masked %ge3A_367 : memref<64x16xi32, #tpu.memory_space<vmem>>[vector<16xi32>, vector<16xi32>], vector<16xi32>, vector<16xi1>
        %convert_element_type3A_380 = arith.extui %ge3A_367 : vector<16xi1> to vector<16xi32>
        %add3A_381 = arith.addi %add3A_351, %convert_element_type3A_380 : vector<16xi32>
        %ge3A_382 = arith.cmpf oge, %get3A_220, %broadcast_in_dim3A_50 : vector<16xf32>
        %add3A_383 = arith.constant 7 : i32
        %add3A_384 = arith.addi %mul3A_164, %add3A_383 : i32
        %mul3A_385 = arith.constant 16 : i32
        %mul3A_386 = arith.muli %add3A_384, %mul3A_385 : i32
        %add3A_387 = vector.broadcast %mul3A_386 : i32 to vector<16xi32>
        %add3A_388 = arith.addi %iota3A, %add3A_387 : vector<16xi32>
        %and3A_389 = arith.constant 31 : i32
        %and3A_390 = vector.broadcast %and3A_389 : i32 to vector<16xi32>
        %and3A_391 = arith.andi %add3A_366, %and3A_390 : vector<16xi32>
        %add3A_392 = arith.constant 32 : i32
        %add3A_393 = vector.broadcast %add3A_392 : i32 to vector<16xi32>
        %add3A_394 = arith.addi %and3A_391, %add3A_393 : vector<16xi32>
        tpu.vector_store_idx %arg7[%add3A_394, %iota3A], %add3A_388 masked %ge3A_382 : memref<64x16xi32, #tpu.memory_space<vmem>>[vector<16xi32>, vector<16xi32>], vector<16xi32>, vector<16xi1>
        %convert_element_type3A_395 = arith.extui %ge3A_382 : vector<16xi1> to vector<16xi32>
        %add3A_396 = arith.addi %add3A_366, %convert_element_type3A_395 : vector<16xi32>
        %ge3A_397 = arith.cmpf oge, %get3A_227, %broadcast_in_dim3A_50 : vector<16xf32>
        %add3A_398 = arith.constant 8 : i32
        %add3A_399 = arith.addi %mul3A_164, %add3A_398 : i32
        %mul3A_400 = arith.constant 16 : i32
        %mul3A_401 = arith.muli %add3A_399, %mul3A_400 : i32
        %add3A_402 = vector.broadcast %mul3A_401 : i32 to vector<16xi32>
        %add3A_403 = arith.addi %iota3A, %add3A_402 : vector<16xi32>
        %and3A_404 = arith.constant 31 : i32
        %and3A_405 = vector.broadcast %and3A_404 : i32 to vector<16xi32>
        %and3A_406 = arith.andi %add3A_381, %and3A_405 : vector<16xi32>
        %add3A_407 = arith.constant 0 : i32
        %add3A_408 = vector.broadcast %add3A_407 : i32 to vector<16xi32>
        %add3A_409 = arith.addi %and3A_406, %add3A_408 : vector<16xi32>
        tpu.vector_store_idx %arg7[%add3A_409, %iota3A], %add3A_403 masked %ge3A_397 : memref<64x16xi32, #tpu.memory_space<vmem>>[vector<16xi32>, vector<16xi32>], vector<16xi32>, vector<16xi1>
        %convert_element_type3A_410 = arith.extui %ge3A_397 : vector<16xi1> to vector<16xi32>
        %add3A_411 = arith.addi %add3A_381, %convert_element_type3A_410 : vector<16xi32>
        %ge3A_412 = arith.cmpf oge, %get3A_234, %broadcast_in_dim3A_50 : vector<16xf32>
        %add3A_413 = arith.constant 9 : i32
        %add3A_414 = arith.addi %mul3A_164, %add3A_413 : i32
        %mul3A_415 = arith.constant 16 : i32
        %mul3A_416 = arith.muli %add3A_414, %mul3A_415 : i32
        %add3A_417 = vector.broadcast %mul3A_416 : i32 to vector<16xi32>
        %add3A_418 = arith.addi %iota3A, %add3A_417 : vector<16xi32>
        %and3A_419 = arith.constant 31 : i32
        %and3A_420 = vector.broadcast %and3A_419 : i32 to vector<16xi32>
        %and3A_421 = arith.andi %add3A_396, %and3A_420 : vector<16xi32>
        %add3A_422 = arith.constant 32 : i32
        %add3A_423 = vector.broadcast %add3A_422 : i32 to vector<16xi32>
        %add3A_424 = arith.addi %and3A_421, %add3A_423 : vector<16xi32>
        tpu.vector_store_idx %arg7[%add3A_424, %iota3A], %add3A_418 masked %ge3A_412 : memref<64x16xi32, #tpu.memory_space<vmem>>[vector<16xi32>, vector<16xi32>], vector<16xi32>, vector<16xi1>
        %convert_element_type3A_425 = arith.extui %ge3A_412 : vector<16xi1> to vector<16xi32>
        %add3A_426 = arith.addi %add3A_396, %convert_element_type3A_425 : vector<16xi32>
        %ge3A_427 = arith.cmpf oge, %get3A_241, %broadcast_in_dim3A_50 : vector<16xf32>
        %add3A_428 = arith.constant 10 : i32
        %add3A_429 = arith.addi %mul3A_164, %add3A_428 : i32
        %mul3A_430 = arith.constant 16 : i32
        %mul3A_431 = arith.muli %add3A_429, %mul3A_430 : i32
        %add3A_432 = vector.broadcast %mul3A_431 : i32 to vector<16xi32>
        %add3A_433 = arith.addi %iota3A, %add3A_432 : vector<16xi32>
        %and3A_434 = arith.constant 31 : i32
        %and3A_435 = vector.broadcast %and3A_434 : i32 to vector<16xi32>
        %and3A_436 = arith.andi %add3A_411, %and3A_435 : vector<16xi32>
        %add3A_437 = arith.constant 0 : i32
        %add3A_438 = vector.broadcast %add3A_437 : i32 to vector<16xi32>
        %add3A_439 = arith.addi %and3A_436, %add3A_438 : vector<16xi32>
        tpu.vector_store_idx %arg7[%add3A_439, %iota3A], %add3A_433 masked %ge3A_427 : memref<64x16xi32, #tpu.memory_space<vmem>>[vector<16xi32>, vector<16xi32>], vector<16xi32>, vector<16xi1>
        %convert_element_type3A_440 = arith.extui %ge3A_427 : vector<16xi1> to vector<16xi32>
        %add3A_441 = arith.addi %add3A_411, %convert_element_type3A_440 : vector<16xi32>
        %ge3A_442 = arith.cmpf oge, %get3A_248, %broadcast_in_dim3A_50 : vector<16xf32>
        %add3A_443 = arith.constant 11 : i32
        %add3A_444 = arith.addi %mul3A_164, %add3A_443 : i32
        %mul3A_445 = arith.constant 16 : i32
        %mul3A_446 = arith.muli %add3A_444, %mul3A_445 : i32
        %add3A_447 = vector.broadcast %mul3A_446 : i32 to vector<16xi32>
        %add3A_448 = arith.addi %iota3A, %add3A_447 : vector<16xi32>
        %and3A_449 = arith.constant 31 : i32
        %and3A_450 = vector.broadcast %and3A_449 : i32 to vector<16xi32>
        %and3A_451 = arith.andi %add3A_426, %and3A_450 : vector<16xi32>
        %add3A_452 = arith.constant 32 : i32
        %add3A_453 = vector.broadcast %add3A_452 : i32 to vector<16xi32>
        %add3A_454 = arith.addi %and3A_451, %add3A_453 : vector<16xi32>
        tpu.vector_store_idx %arg7[%add3A_454, %iota3A], %add3A_448 masked %ge3A_442 : memref<64x16xi32, #tpu.memory_space<vmem>>[vector<16xi32>, vector<16xi32>], vector<16xi32>, vector<16xi1>
        %convert_element_type3A_455 = arith.extui %ge3A_442 : vector<16xi1> to vector<16xi32>
        %add3A_456 = arith.addi %add3A_426, %convert_element_type3A_455 : vector<16xi32>
        %ge3A_457 = arith.cmpf oge, %get3A_255, %broadcast_in_dim3A_50 : vector<16xf32>
        %add3A_458 = arith.constant 12 : i32
        %add3A_459 = arith.addi %mul3A_164, %add3A_458 : i32
        %mul3A_460 = arith.constant 16 : i32
        %mul3A_461 = arith.muli %add3A_459, %mul3A_460 : i32
        %add3A_462 = vector.broadcast %mul3A_461 : i32 to vector<16xi32>
        %add3A_463 = arith.addi %iota3A, %add3A_462 : vector<16xi32>
        %and3A_464 = arith.constant 31 : i32
        %and3A_465 = vector.broadcast %and3A_464 : i32 to vector<16xi32>
        %and3A_466 = arith.andi %add3A_441, %and3A_465 : vector<16xi32>
        %add3A_467 = arith.constant 0 : i32
        %add3A_468 = vector.broadcast %add3A_467 : i32 to vector<16xi32>
        %add3A_469 = arith.addi %and3A_466, %add3A_468 : vector<16xi32>
        tpu.vector_store_idx %arg7[%add3A_469, %iota3A], %add3A_463 masked %ge3A_457 : memref<64x16xi32, #tpu.memory_space<vmem>>[vector<16xi32>, vector<16xi32>], vector<16xi32>, vector<16xi1>
        %convert_element_type3A_470 = arith.extui %ge3A_457 : vector<16xi1> to vector<16xi32>
        %add3A_471 = arith.addi %add3A_441, %convert_element_type3A_470 : vector<16xi32>
        %ge3A_472 = arith.cmpf oge, %get3A_262, %broadcast_in_dim3A_50 : vector<16xf32>
        %add3A_473 = arith.constant 13 : i32
        %add3A_474 = arith.addi %mul3A_164, %add3A_473 : i32
        %mul3A_475 = arith.constant 16 : i32
        %mul3A_476 = arith.muli %add3A_474, %mul3A_475 : i32
        %add3A_477 = vector.broadcast %mul3A_476 : i32 to vector<16xi32>
        %add3A_478 = arith.addi %iota3A, %add3A_477 : vector<16xi32>
        %and3A_479 = arith.constant 31 : i32
        %and3A_480 = vector.broadcast %and3A_479 : i32 to vector<16xi32>
        %and3A_481 = arith.andi %add3A_456, %and3A_480 : vector<16xi32>
        %add3A_482 = arith.constant 32 : i32
        %add3A_483 = vector.broadcast %add3A_482 : i32 to vector<16xi32>
        %add3A_484 = arith.addi %and3A_481, %add3A_483 : vector<16xi32>
        tpu.vector_store_idx %arg7[%add3A_484, %iota3A], %add3A_478 masked %ge3A_472 : memref<64x16xi32, #tpu.memory_space<vmem>>[vector<16xi32>, vector<16xi32>], vector<16xi32>, vector<16xi1>
        %convert_element_type3A_485 = arith.extui %ge3A_472 : vector<16xi1> to vector<16xi32>
        %add3A_486 = arith.addi %add3A_456, %convert_element_type3A_485 : vector<16xi32>
        %ge3A_487 = arith.cmpf oge, %get3A_269, %broadcast_in_dim3A_50 : vector<16xf32>
        %add3A_488 = arith.constant 14 : i32
        %add3A_489 = arith.addi %mul3A_164, %add3A_488 : i32
        %mul3A_490 = arith.constant 16 : i32
        %mul3A_491 = arith.muli %add3A_489, %mul3A_490 : i32
        %add3A_492 = vector.broadcast %mul3A_491 : i32 to vector<16xi32>
        %add3A_493 = arith.addi %iota3A, %add3A_492 : vector<16xi32>
        %and3A_494 = arith.constant 31 : i32
        %and3A_495 = vector.broadcast %and3A_494 : i32 to vector<16xi32>
        %and3A_496 = arith.andi %add3A_471, %and3A_495 : vector<16xi32>
        %add3A_497 = arith.constant 0 : i32
        %add3A_498 = vector.broadcast %add3A_497 : i32 to vector<16xi32>
        %add3A_499 = arith.addi %and3A_496, %add3A_498 : vector<16xi32>
        tpu.vector_store_idx %arg7[%add3A_499, %iota3A], %add3A_493 masked %ge3A_487 : memref<64x16xi32, #tpu.memory_space<vmem>>[vector<16xi32>, vector<16xi32>], vector<16xi32>, vector<16xi1>
        %convert_element_type3A_500 = arith.extui %ge3A_487 : vector<16xi1> to vector<16xi32>
        %add3A_501 = arith.addi %add3A_471, %convert_element_type3A_500 : vector<16xi32>
        %ge3A_502 = arith.cmpf oge, %get3A_276, %broadcast_in_dim3A_50 : vector<16xf32>
        %add3A_503 = arith.constant 15 : i32
        %add3A_504 = arith.addi %mul3A_164, %add3A_503 : i32
        %mul3A_505 = arith.constant 16 : i32
        %mul3A_506 = arith.muli %add3A_504, %mul3A_505 : i32
        %add3A_507 = vector.broadcast %mul3A_506 : i32 to vector<16xi32>
        %add3A_508 = arith.addi %iota3A, %add3A_507 : vector<16xi32>
        %and3A_509 = arith.constant 31 : i32
        %and3A_510 = vector.broadcast %and3A_509 : i32 to vector<16xi32>
        %and3A_511 = arith.andi %add3A_486, %and3A_510 : vector<16xi32>
        %add3A_512 = arith.constant 32 : i32
        %add3A_513 = vector.broadcast %add3A_512 : i32 to vector<16xi32>
        %add3A_514 = arith.addi %and3A_511, %add3A_513 : vector<16xi32>
        tpu.vector_store_idx %arg7[%add3A_514, %iota3A], %add3A_508 masked %ge3A_502 : memref<64x16xi32, #tpu.memory_space<vmem>>[vector<16xi32>, vector<16xi32>], vector<16xi32>, vector<16xi1>
        %convert_element_type3A_515 = arith.extui %ge3A_502 : vector<16xi1> to vector<16xi32>
        %add3A_516 = arith.addi %add3A_486, %convert_element_type3A_515 : vector<16xi32>
        scf.yield %add3A_501, %add3A_516 : vector<16xi32>, vector<16xi32>
      }
      %scan3A_56 = arith.constant 128 : i32
      %add3A_57 = arith.addi %scan3A_55#0, %scan3A_55#1 : vector<16xi32>
      %max3A = arith.maxsi %scan3A_55#0, %scan3A_55#1 : vector<16xi32>
      %reduce_sum3A = arith.constant true
      %reduce_sum3A_58 = vector.broadcast %reduce_sum3A : i1 to vector<16xi1>
      %reduce_sum3A_59 = tpu.scan <sum>, %add3A_57 masked %reduce_sum3A_58 : vector<16xi32>, vector<16xi1> -> vector<16xi32>
      %reduce_sum3A_60 = vector.extract %reduce_sum3A_59[15] : i32 from vector<16xi32>
      %ge3A = arith.constant 64 : i32
      %ge3A_61 = arith.cmpi sge, %reduce_sum3A_60, %ge3A : i32
      %reduce_max3A = arith.constant true
      %reduce_max3A_62 = vector.broadcast %reduce_max3A : i1 to vector<16xi1>
      %reduce_max3A_63 = arith.constant -2147483648 : i32
      %reduce_max3A_64 = vector.broadcast %reduce_max3A_63 : i32 to vector<16xi32>
      %reduce_max3A_65 = arith.xori %max3A, %reduce_max3A_64 : vector<16xi32>
      %reduce_max3A_66 = tpu.scan <max>, %reduce_max3A_65 masked %reduce_max3A_62 : vector<16xi32>, vector<16xi1> -> vector<16xi32>
      %reduce_max3A_67 = arith.xori %reduce_max3A_66, %reduce_max3A_64 : vector<16xi32>
      %reduce_max3A_68 = vector.extract %reduce_max3A_67[15] : i32 from vector<16xi32>
      %le3A = arith.constant 32 : i32
      %le3A_69 = arith.cmpi sle, %reduce_max3A_68, %le3A : i32
      %and3A_70 = arith.andi %ge3A_61, %le3A_69 : i1
      %swap3A = arith.constant 0 : i32
      %swap3A_71 = arith.index_cast %swap3A : i32 to index
      %swap3A_72 = arith.constant 0 : index
      %swap3A_73 = tpu.vector_load %arg8[%swap3A_71, %swap3A_72] {strides = array<i32>} : memref<2x16xi32, #tpu.memory_space<vmem>>, vector<16xi32>,
      tpu.vector_store %arg8[%swap3A_71, %swap3A_72], %scan3A_55#0 {strides = array<i32>} : memref<2x16xi32, #tpu.memory_space<vmem>>, vector<16xi32>,
      %swap3A_74 = arith.constant 1 : i32
      %swap3A_75 = arith.index_cast %swap3A_74 : i32 to index
      %swap3A_76 = arith.constant 0 : index
      %swap3A_77 = tpu.vector_load %arg8[%swap3A_75, %swap3A_76] {strides = array<i32>} : memref<2x16xi32, #tpu.memory_space<vmem>>, vector<16xi32>,
      tpu.vector_store %arg8[%swap3A_75, %swap3A_76], %scan3A_55#1 {strides = array<i32>} : memref<2x16xi32, #tpu.memory_space<vmem>>, vector<16xi32>,
      %not3A = arith.constant true
      %not3A_78 = arith.xori %and3A_70, %not3A : i1
      %convert_element_type3A_79 = arith.extui %not3A_78 : i1 to i32
      %cond3A_80 = arith.constant 0 : i32
      %cond3A_81 = arith.cmpi ne, %convert_element_type3A_79, %cond3A_80 : i32
      scf.if %cond3A_81 {
        %scan3A_160 = arith.constant 0 : i32
        %scan3A_161 = arith.constant 32 : i32
        %scan3A_162 = arith.addi %scan3A_160, %scan3A_161 : i32
        %scan3A_163 = arith.constant 1 : i32
        %scan3A_164:4 = scf.for %scan3A_187 = %scan3A_160 to %scan3A_162 step %scan3A_163 iter_args(%scan3A_188 = %broadcast_in_dim3A_3, %scan3A_189 = %broadcast_in_dim3A_3, %scan3A_190 = %broadcast_in_dim3A_3, %scan3A_191 = %broadcast_in_dim3A_3) -> (vector<16xf32>, vector<16xf32>, vector<16xf32>, vector<16xf32>)  : i32 {
          %mul3A_192 = arith.constant 1024 : i32
          %mul3A_193 = arith.muli %scan3A_187, %mul3A_192 : i32
          %add3A_194 = arith.addi %mul3A_30, %mul3A_193 : i32
          %get3A_195 = arith.index_cast %add3A_194 : i32 to index
          %get3A_196 = tpu.vector_load %arg5[%get3A_195] {strides = array<i32>} : memref<65536xf32, #tpu.memory_space<vmem>>, vector<16xf32>,
          %mul3A_197 = arith.constant 1024 : i32
          %mul3A_198 = arith.muli %scan3A_187, %mul3A_197 : i32
          %add3A_199 = arith.addi %mul3A_30, %mul3A_198 : i32
          %add3A_200 = arith.constant 16 : i32
          %add3A_201 = arith.addi %add3A_199, %add3A_200 : i32
          %get3A_202 = arith.index_cast %add3A_201 : i32 to index
          %get3A_203 = tpu.vector_load %arg5[%get3A_202] {strides = array<i32>} : memref<65536xf32, #tpu.memory_space<vmem>>, vector<16xf32>,
          %max3A_204 = arith.maximumf %get3A_196, %get3A_203 : vector<16xf32>
          %mul3A_205 = arith.constant 1024 : i32
          %mul3A_206 = arith.muli %scan3A_187, %mul3A_205 : i32
          %add3A_207 = arith.addi %mul3A_30, %mul3A_206 : i32
          %add3A_208 = arith.constant 32 : i32
          %add3A_209 = arith.addi %add3A_207, %add3A_208 : i32
          %get3A_210 = arith.index_cast %add3A_209 : i32 to index
          %get3A_211 = tpu.vector_load %arg5[%get3A_210] {strides = array<i32>} : memref<65536xf32, #tpu.memory_space<vmem>>, vector<16xf32>,
          %max3A_212 = arith.maximumf %max3A_204, %get3A_211 : vector<16xf32>
          %mul3A_213 = arith.constant 1024 : i32
          %mul3A_214 = arith.muli %scan3A_187, %mul3A_213 : i32
          %add3A_215 = arith.addi %mul3A_30, %mul3A_214 : i32
          %add3A_216 = arith.constant 48 : i32
          %add3A_217 = arith.addi %add3A_215, %add3A_216 : i32
          %get3A_218 = arith.index_cast %add3A_217 : i32 to index
          %get3A_219 = tpu.vector_load %arg5[%get3A_218] {strides = array<i32>} : memref<65536xf32, #tpu.memory_space<vmem>>, vector<16xf32>,
          %max3A_220 = arith.maximumf %max3A_212, %get3A_219 : vector<16xf32>
          %mul3A_221 = arith.constant 1024 : i32
          %mul3A_222 = arith.muli %scan3A_187, %mul3A_221 : i32
          %add3A_223 = arith.addi %mul3A_30, %mul3A_222 : i32
          %add3A_224 = arith.constant 64 : i32
          %add3A_225 = arith.addi %add3A_223, %add3A_224 : i32
          %get3A_226 = arith.index_cast %add3A_225 : i32 to index
          %get3A_227 = tpu.vector_load %arg5[%get3A_226] {strides = array<i32>} : memref<65536xf32, #tpu.memory_space<vmem>>, vector<16xf32>,
          %max3A_228 = arith.maximumf %max3A_220, %get3A_227 : vector<16xf32>
          %mul3A_229 = arith.constant 1024 : i32
          %mul3A_230 = arith.muli %scan3A_187, %mul3A_229 : i32
          %add3A_231 = arith.addi %mul3A_30, %mul3A_230 : i32
          %add3A_232 = arith.constant 80 : i32
          %add3A_233 = arith.addi %add3A_231, %add3A_232 : i32
          %get3A_234 = arith.index_cast %add3A_233 : i32 to index
          %get3A_235 = tpu.vector_load %arg5[%get3A_234] {strides = array<i32>} : memref<65536xf32, #tpu.memory_space<vmem>>, vector<16xf32>,
          %max3A_236 = arith.maximumf %max3A_228, %get3A_235 : vector<16xf32>
          %mul3A_237 = arith.constant 1024 : i32
          %mul3A_238 = arith.muli %scan3A_187, %mul3A_237 : i32
          %add3A_239 = arith.addi %mul3A_30, %mul3A_238 : i32
          %add3A_240 = arith.constant 96 : i32
          %add3A_241 = arith.addi %add3A_239, %add3A_240 : i32
          %get3A_242 = arith.index_cast %add3A_241 : i32 to index
          %get3A_243 = tpu.vector_load %arg5[%get3A_242] {strides = array<i32>} : memref<65536xf32, #tpu.memory_space<vmem>>, vector<16xf32>,
          %max3A_244 = arith.maximumf %max3A_236, %get3A_243 : vector<16xf32>
          %mul3A_245 = arith.constant 1024 : i32
          %mul3A_246 = arith.muli %scan3A_187, %mul3A_245 : i32
          %add3A_247 = arith.addi %mul3A_30, %mul3A_246 : i32
          %add3A_248 = arith.constant 112 : i32
          %add3A_249 = arith.addi %add3A_247, %add3A_248 : i32
          %get3A_250 = arith.index_cast %add3A_249 : i32 to index
          %get3A_251 = tpu.vector_load %arg5[%get3A_250] {strides = array<i32>} : memref<65536xf32, #tpu.memory_space<vmem>>, vector<16xf32>,
          %max3A_252 = arith.maximumf %max3A_244, %get3A_251 : vector<16xf32>
          %mul3A_253 = arith.constant 1024 : i32
          %mul3A_254 = arith.muli %scan3A_187, %mul3A_253 : i32
          %add3A_255 = arith.addi %mul3A_30, %mul3A_254 : i32
          %add3A_256 = arith.constant 128 : i32
          %add3A_257 = arith.addi %add3A_255, %add3A_256 : i32
          %get3A_258 = arith.index_cast %add3A_257 : i32 to index
          %get3A_259 = tpu.vector_load %arg5[%get3A_258] {strides = array<i32>} : memref<65536xf32, #tpu.memory_space<vmem>>, vector<16xf32>,
          %max3A_260 = arith.maximumf %max3A_252, %get3A_259 : vector<16xf32>
          %mul3A_261 = arith.constant 1024 : i32
          %mul3A_262 = arith.muli %scan3A_187, %mul3A_261 : i32
          %add3A_263 = arith.addi %mul3A_30, %mul3A_262 : i32
          %add3A_264 = arith.constant 144 : i32
          %add3A_265 = arith.addi %add3A_263, %add3A_264 : i32
          %get3A_266 = arith.index_cast %add3A_265 : i32 to index
          %get3A_267 = tpu.vector_load %arg5[%get3A_266] {strides = array<i32>} : memref<65536xf32, #tpu.memory_space<vmem>>, vector<16xf32>,
          %max3A_268 = arith.maximumf %max3A_260, %get3A_267 : vector<16xf32>
          %mul3A_269 = arith.constant 1024 : i32
          %mul3A_270 = arith.muli %scan3A_187, %mul3A_269 : i32
          %add3A_271 = arith.addi %mul3A_30, %mul3A_270 : i32
          %add3A_272 = arith.constant 160 : i32
          %add3A_273 = arith.addi %add3A_271, %add3A_272 : i32
          %get3A_274 = arith.index_cast %add3A_273 : i32 to index
          %get3A_275 = tpu.vector_load %arg5[%get3A_274] {strides = array<i32>} : memref<65536xf32, #tpu.memory_space<vmem>>, vector<16xf32>,
          %max3A_276 = arith.maximumf %max3A_268, %get3A_275 : vector<16xf32>
          %mul3A_277 = arith.constant 1024 : i32
          %mul3A_278 = arith.muli %scan3A_187, %mul3A_277 : i32
          %add3A_279 = arith.addi %mul3A_30, %mul3A_278 : i32
          %add3A_280 = arith.constant 176 : i32
          %add3A_281 = arith.addi %add3A_279, %add3A_280 : i32
          %get3A_282 = arith.index_cast %add3A_281 : i32 to index
          %get3A_283 = tpu.vector_load %arg5[%get3A_282] {strides = array<i32>} : memref<65536xf32, #tpu.memory_space<vmem>>, vector<16xf32>,
          %max3A_284 = arith.maximumf %max3A_276, %get3A_283 : vector<16xf32>
          %mul3A_285 = arith.constant 1024 : i32
          %mul3A_286 = arith.muli %scan3A_187, %mul3A_285 : i32
          %add3A_287 = arith.addi %mul3A_30, %mul3A_286 : i32
          %add3A_288 = arith.constant 192 : i32
          %add3A_289 = arith.addi %add3A_287, %add3A_288 : i32
          %get3A_290 = arith.index_cast %add3A_289 : i32 to index
          %get3A_291 = tpu.vector_load %arg5[%get3A_290] {strides = array<i32>} : memref<65536xf32, #tpu.memory_space<vmem>>, vector<16xf32>,
          %max3A_292 = arith.maximumf %max3A_284, %get3A_291 : vector<16xf32>
          %mul3A_293 = arith.constant 1024 : i32
          %mul3A_294 = arith.muli %scan3A_187, %mul3A_293 : i32
          %add3A_295 = arith.addi %mul3A_30, %mul3A_294 : i32
          %add3A_296 = arith.constant 208 : i32
          %add3A_297 = arith.addi %add3A_295, %add3A_296 : i32
          %get3A_298 = arith.index_cast %add3A_297 : i32 to index
          %get3A_299 = tpu.vector_load %arg5[%get3A_298] {strides = array<i32>} : memref<65536xf32, #tpu.memory_space<vmem>>, vector<16xf32>,
          %max3A_300 = arith.maximumf %max3A_292, %get3A_299 : vector<16xf32>
          %mul3A_301 = arith.constant 1024 : i32
          %mul3A_302 = arith.muli %scan3A_187, %mul3A_301 : i32
          %add3A_303 = arith.addi %mul3A_30, %mul3A_302 : i32
          %add3A_304 = arith.constant 224 : i32
          %add3A_305 = arith.addi %add3A_303, %add3A_304 : i32
          %get3A_306 = arith.index_cast %add3A_305 : i32 to index
          %get3A_307 = tpu.vector_load %arg5[%get3A_306] {strides = array<i32>} : memref<65536xf32, #tpu.memory_space<vmem>>, vector<16xf32>,
          %max3A_308 = arith.maximumf %max3A_300, %get3A_307 : vector<16xf32>
          %mul3A_309 = arith.constant 1024 : i32
          %mul3A_310 = arith.muli %scan3A_187, %mul3A_309 : i32
          %add3A_311 = arith.addi %mul3A_30, %mul3A_310 : i32
          %add3A_312 = arith.constant 240 : i32
          %add3A_313 = arith.addi %add3A_311, %add3A_312 : i32
          %get3A_314 = arith.index_cast %add3A_313 : i32 to index
          %get3A_315 = tpu.vector_load %arg5[%get3A_314] {strides = array<i32>} : memref<65536xf32, #tpu.memory_space<vmem>>, vector<16xf32>,
          %max3A_316 = arith.maximumf %max3A_308, %get3A_315 : vector<16xf32>
          %mul3A_317 = arith.constant 1024 : i32
          %mul3A_318 = arith.muli %scan3A_187, %mul3A_317 : i32
          %add3A_319 = arith.addi %mul3A_30, %mul3A_318 : i32
          %add3A_320 = arith.constant 256 : i32
          %add3A_321 = arith.addi %add3A_319, %add3A_320 : i32
          %get3A_322 = arith.index_cast %add3A_321 : i32 to index
          %get3A_323 = tpu.vector_load %arg5[%get3A_322] {strides = array<i32>} : memref<65536xf32, #tpu.memory_space<vmem>>, vector<16xf32>,
          %max3A_324 = arith.maximumf %max3A_316, %get3A_323 : vector<16xf32>
          %mul3A_325 = arith.constant 1024 : i32
          %mul3A_326 = arith.muli %scan3A_187, %mul3A_325 : i32
          %add3A_327 = arith.addi %mul3A_30, %mul3A_326 : i32
          %add3A_328 = arith.constant 272 : i32
          %add3A_329 = arith.addi %add3A_327, %add3A_328 : i32
          %get3A_330 = arith.index_cast %add3A_329 : i32 to index
          %get3A_331 = tpu.vector_load %arg5[%get3A_330] {strides = array<i32>} : memref<65536xf32, #tpu.memory_space<vmem>>, vector<16xf32>,
          %max3A_332 = arith.maximumf %max3A_324, %get3A_331 : vector<16xf32>
          %mul3A_333 = arith.constant 1024 : i32
          %mul3A_334 = arith.muli %scan3A_187, %mul3A_333 : i32
          %add3A_335 = arith.addi %mul3A_30, %mul3A_334 : i32
          %add3A_336 = arith.constant 288 : i32
          %add3A_337 = arith.addi %add3A_335, %add3A_336 : i32
          %get3A_338 = arith.index_cast %add3A_337 : i32 to index
          %get3A_339 = tpu.vector_load %arg5[%get3A_338] {strides = array<i32>} : memref<65536xf32, #tpu.memory_space<vmem>>, vector<16xf32>,
          %max3A_340 = arith.maximumf %max3A_332, %get3A_339 : vector<16xf32>
          %mul3A_341 = arith.constant 1024 : i32
          %mul3A_342 = arith.muli %scan3A_187, %mul3A_341 : i32
          %add3A_343 = arith.addi %mul3A_30, %mul3A_342 : i32
          %add3A_344 = arith.constant 304 : i32
          %add3A_345 = arith.addi %add3A_343, %add3A_344 : i32
          %get3A_346 = arith.index_cast %add3A_345 : i32 to index
          %get3A_347 = tpu.vector_load %arg5[%get3A_346] {strides = array<i32>} : memref<65536xf32, #tpu.memory_space<vmem>>, vector<16xf32>,
          %max3A_348 = arith.maximumf %max3A_340, %get3A_347 : vector<16xf32>
          %mul3A_349 = arith.constant 1024 : i32
          %mul3A_350 = arith.muli %scan3A_187, %mul3A_349 : i32
          %add3A_351 = arith.addi %mul3A_30, %mul3A_350 : i32
          %add3A_352 = arith.constant 320 : i32
          %add3A_353 = arith.addi %add3A_351, %add3A_352 : i32
          %get3A_354 = arith.index_cast %add3A_353 : i32 to index
          %get3A_355 = tpu.vector_load %arg5[%get3A_354] {strides = array<i32>} : memref<65536xf32, #tpu.memory_space<vmem>>, vector<16xf32>,
          %max3A_356 = arith.maximumf %max3A_348, %get3A_355 : vector<16xf32>
          %mul3A_357 = arith.constant 1024 : i32
          %mul3A_358 = arith.muli %scan3A_187, %mul3A_357 : i32
          %add3A_359 = arith.addi %mul3A_30, %mul3A_358 : i32
          %add3A_360 = arith.constant 336 : i32
          %add3A_361 = arith.addi %add3A_359, %add3A_360 : i32
          %get3A_362 = arith.index_cast %add3A_361 : i32 to index
          %get3A_363 = tpu.vector_load %arg5[%get3A_362] {strides = array<i32>} : memref<65536xf32, #tpu.memory_space<vmem>>, vector<16xf32>,
          %max3A_364 = arith.maximumf %max3A_356, %get3A_363 : vector<16xf32>
          %mul3A_365 = arith.constant 1024 : i32
          %mul3A_366 = arith.muli %scan3A_187, %mul3A_365 : i32
          %add3A_367 = arith.addi %mul3A_30, %mul3A_366 : i32
          %add3A_368 = arith.constant 352 : i32
          %add3A_369 = arith.addi %add3A_367, %add3A_368 : i32
          %get3A_370 = arith.index_cast %add3A_369 : i32 to index
          %get3A_371 = tpu.vector_load %arg5[%get3A_370] {strides = array<i32>} : memref<65536xf32, #tpu.memory_space<vmem>>, vector<16xf32>,
          %max3A_372 = arith.maximumf %max3A_364, %get3A_371 : vector<16xf32>
          %mul3A_373 = arith.constant 1024 : i32
          %mul3A_374 = arith.muli %scan3A_187, %mul3A_373 : i32
          %add3A_375 = arith.addi %mul3A_30, %mul3A_374 : i32
          %add3A_376 = arith.constant 368 : i32
          %add3A_377 = arith.addi %add3A_375, %add3A_376 : i32
          %get3A_378 = arith.index_cast %add3A_377 : i32 to index
          %get3A_379 = tpu.vector_load %arg5[%get3A_378] {strides = array<i32>} : memref<65536xf32, #tpu.memory_space<vmem>>, vector<16xf32>,
          %max3A_380 = arith.maximumf %max3A_372, %get3A_379 : vector<16xf32>
          %mul3A_381 = arith.constant 1024 : i32
          %mul3A_382 = arith.muli %scan3A_187, %mul3A_381 : i32
          %add3A_383 = arith.addi %mul3A_30, %mul3A_382 : i32
          %add3A_384 = arith.constant 384 : i32
          %add3A_385 = arith.addi %add3A_383, %add3A_384 : i32
          %get3A_386 = arith.index_cast %add3A_385 : i32 to index
          %get3A_387 = tpu.vector_load %arg5[%get3A_386] {strides = array<i32>} : memref<65536xf32, #tpu.memory_space<vmem>>, vector<16xf32>,
          %max3A_388 = arith.maximumf %max3A_380, %get3A_387 : vector<16xf32>
          %mul3A_389 = arith.constant 1024 : i32
          %mul3A_390 = arith.muli %scan3A_187, %mul3A_389 : i32
          %add3A_391 = arith.addi %mul3A_30, %mul3A_390 : i32
          %add3A_392 = arith.constant 400 : i32
          %add3A_393 = arith.addi %add3A_391, %add3A_392 : i32
          %get3A_394 = arith.index_cast %add3A_393 : i32 to index
          %get3A_395 = tpu.vector_load %arg5[%get3A_394] {strides = array<i32>} : memref<65536xf32, #tpu.memory_space<vmem>>, vector<16xf32>,
          %max3A_396 = arith.maximumf %max3A_388, %get3A_395 : vector<16xf32>
          %mul3A_397 = arith.constant 1024 : i32
          %mul3A_398 = arith.muli %scan3A_187, %mul3A_397 : i32
          %add3A_399 = arith.addi %mul3A_30, %mul3A_398 : i32
          %add3A_400 = arith.constant 416 : i32
          %add3A_401 = arith.addi %add3A_399, %add3A_400 : i32
          %get3A_402 = arith.index_cast %add3A_401 : i32 to index
          %get3A_403 = tpu.vector_load %arg5[%get3A_402] {strides = array<i32>} : memref<65536xf32, #tpu.memory_space<vmem>>, vector<16xf32>,
          %max3A_404 = arith.maximumf %max3A_396, %get3A_403 : vector<16xf32>
          %mul3A_405 = arith.constant 1024 : i32
          %mul3A_406 = arith.muli %scan3A_187, %mul3A_405 : i32
          %add3A_407 = arith.addi %mul3A_30, %mul3A_406 : i32
          %add3A_408 = arith.constant 432 : i32
          %add3A_409 = arith.addi %add3A_407, %add3A_408 : i32
          %get3A_410 = arith.index_cast %add3A_409 : i32 to index
          %get3A_411 = tpu.vector_load %arg5[%get3A_410] {strides = array<i32>} : memref<65536xf32, #tpu.memory_space<vmem>>, vector<16xf32>,
          %max3A_412 = arith.maximumf %max3A_404, %get3A_411 : vector<16xf32>
          %mul3A_413 = arith.constant 1024 : i32
          %mul3A_414 = arith.muli %scan3A_187, %mul3A_413 : i32
          %add3A_415 = arith.addi %mul3A_30, %mul3A_414 : i32
          %add3A_416 = arith.constant 448 : i32
          %add3A_417 = arith.addi %add3A_415, %add3A_416 : i32
          %get3A_418 = arith.index_cast %add3A_417 : i32 to index
          %get3A_419 = tpu.vector_load %arg5[%get3A_418] {strides = array<i32>} : memref<65536xf32, #tpu.memory_space<vmem>>, vector<16xf32>,
          %max3A_420 = arith.maximumf %max3A_412, %get3A_419 : vector<16xf32>
          %mul3A_421 = arith.constant 1024 : i32
          %mul3A_422 = arith.muli %scan3A_187, %mul3A_421 : i32
          %add3A_423 = arith.addi %mul3A_30, %mul3A_422 : i32
          %add3A_424 = arith.constant 464 : i32
          %add3A_425 = arith.addi %add3A_423, %add3A_424 : i32
          %get3A_426 = arith.index_cast %add3A_425 : i32 to index
          %get3A_427 = tpu.vector_load %arg5[%get3A_426] {strides = array<i32>} : memref<65536xf32, #tpu.memory_space<vmem>>, vector<16xf32>,
          %max3A_428 = arith.maximumf %max3A_420, %get3A_427 : vector<16xf32>
          %mul3A_429 = arith.constant 1024 : i32
          %mul3A_430 = arith.muli %scan3A_187, %mul3A_429 : i32
          %add3A_431 = arith.addi %mul3A_30, %mul3A_430 : i32
          %add3A_432 = arith.constant 480 : i32
          %add3A_433 = arith.addi %add3A_431, %add3A_432 : i32
          %get3A_434 = arith.index_cast %add3A_433 : i32 to index
          %get3A_435 = tpu.vector_load %arg5[%get3A_434] {strides = array<i32>} : memref<65536xf32, #tpu.memory_space<vmem>>, vector<16xf32>,
          %max3A_436 = arith.maximumf %max3A_428, %get3A_435 : vector<16xf32>
          %mul3A_437 = arith.constant 1024 : i32
          %mul3A_438 = arith.muli %scan3A_187, %mul3A_437 : i32
          %add3A_439 = arith.addi %mul3A_30, %mul3A_438 : i32
          %add3A_440 = arith.constant 496 : i32
          %add3A_441 = arith.addi %add3A_439, %add3A_440 : i32
          %get3A_442 = arith.index_cast %add3A_441 : i32 to index
          %get3A_443 = tpu.vector_load %arg5[%get3A_442] {strides = array<i32>} : memref<65536xf32, #tpu.memory_space<vmem>>, vector<16xf32>,
          %max3A_444 = arith.maximumf %max3A_436, %get3A_443 : vector<16xf32>
          %mul3A_445 = arith.constant 1024 : i32
          %mul3A_446 = arith.muli %scan3A_187, %mul3A_445 : i32
          %add3A_447 = arith.addi %mul3A_30, %mul3A_446 : i32
          %add3A_448 = arith.constant 512 : i32
          %add3A_449 = arith.addi %add3A_447, %add3A_448 : i32
          %get3A_450 = arith.index_cast %add3A_449 : i32 to index
          %get3A_451 = tpu.vector_load %arg5[%get3A_450] {strides = array<i32>} : memref<65536xf32, #tpu.memory_space<vmem>>, vector<16xf32>,
          %max3A_452 = arith.maximumf %max3A_444, %get3A_451 : vector<16xf32>
          %mul3A_453 = arith.constant 1024 : i32
          %mul3A_454 = arith.muli %scan3A_187, %mul3A_453 : i32
          %add3A_455 = arith.addi %mul3A_30, %mul3A_454 : i32
          %add3A_456 = arith.constant 528 : i32
          %add3A_457 = arith.addi %add3A_455, %add3A_456 : i32
          %get3A_458 = arith.index_cast %add3A_457 : i32 to index
          %get3A_459 = tpu.vector_load %arg5[%get3A_458] {strides = array<i32>} : memref<65536xf32, #tpu.memory_space<vmem>>, vector<16xf32>,
          %max3A_460 = arith.maximumf %max3A_452, %get3A_459 : vector<16xf32>
          %mul3A_461 = arith.constant 1024 : i32
          %mul3A_462 = arith.muli %scan3A_187, %mul3A_461 : i32
          %add3A_463 = arith.addi %mul3A_30, %mul3A_462 : i32
          %add3A_464 = arith.constant 544 : i32
          %add3A_465 = arith.addi %add3A_463, %add3A_464 : i32
          %get3A_466 = arith.index_cast %add3A_465 : i32 to index
          %get3A_467 = tpu.vector_load %arg5[%get3A_466] {strides = array<i32>} : memref<65536xf32, #tpu.memory_space<vmem>>, vector<16xf32>,
          %max3A_468 = arith.maximumf %max3A_460, %get3A_467 : vector<16xf32>
          %mul3A_469 = arith.constant 1024 : i32
          %mul3A_470 = arith.muli %scan3A_187, %mul3A_469 : i32
          %add3A_471 = arith.addi %mul3A_30, %mul3A_470 : i32
          %add3A_472 = arith.constant 560 : i32
          %add3A_473 = arith.addi %add3A_471, %add3A_472 : i32
          %get3A_474 = arith.index_cast %add3A_473 : i32 to index
          %get3A_475 = tpu.vector_load %arg5[%get3A_474] {strides = array<i32>} : memref<65536xf32, #tpu.memory_space<vmem>>, vector<16xf32>,
          %max3A_476 = arith.maximumf %max3A_468, %get3A_475 : vector<16xf32>
          %mul3A_477 = arith.constant 1024 : i32
          %mul3A_478 = arith.muli %scan3A_187, %mul3A_477 : i32
          %add3A_479 = arith.addi %mul3A_30, %mul3A_478 : i32
          %add3A_480 = arith.constant 576 : i32
          %add3A_481 = arith.addi %add3A_479, %add3A_480 : i32
          %get3A_482 = arith.index_cast %add3A_481 : i32 to index
          %get3A_483 = tpu.vector_load %arg5[%get3A_482] {strides = array<i32>} : memref<65536xf32, #tpu.memory_space<vmem>>, vector<16xf32>,
          %max3A_484 = arith.maximumf %max3A_476, %get3A_483 : vector<16xf32>
          %mul3A_485 = arith.constant 1024 : i32
          %mul3A_486 = arith.muli %scan3A_187, %mul3A_485 : i32
          %add3A_487 = arith.addi %mul3A_30, %mul3A_486 : i32
          %add3A_488 = arith.constant 592 : i32
          %add3A_489 = arith.addi %add3A_487, %add3A_488 : i32
          %get3A_490 = arith.index_cast %add3A_489 : i32 to index
          %get3A_491 = tpu.vector_load %arg5[%get3A_490] {strides = array<i32>} : memref<65536xf32, #tpu.memory_space<vmem>>, vector<16xf32>,
          %max3A_492 = arith.maximumf %max3A_484, %get3A_491 : vector<16xf32>
          %mul3A_493 = arith.constant 1024 : i32
          %mul3A_494 = arith.muli %scan3A_187, %mul3A_493 : i32
          %add3A_495 = arith.addi %mul3A_30, %mul3A_494 : i32
          %add3A_496 = arith.constant 608 : i32
          %add3A_497 = arith.addi %add3A_495, %add3A_496 : i32
          %get3A_498 = arith.index_cast %add3A_497 : i32 to index
          %get3A_499 = tpu.vector_load %arg5[%get3A_498] {strides = array<i32>} : memref<65536xf32, #tpu.memory_space<vmem>>, vector<16xf32>,
          %max3A_500 = arith.maximumf %max3A_492, %get3A_499 : vector<16xf32>
          %mul3A_501 = arith.constant 1024 : i32
          %mul3A_502 = arith.muli %scan3A_187, %mul3A_501 : i32
          %add3A_503 = arith.addi %mul3A_30, %mul3A_502 : i32
          %add3A_504 = arith.constant 624 : i32
          %add3A_505 = arith.addi %add3A_503, %add3A_504 : i32
          %get3A_506 = arith.index_cast %add3A_505 : i32 to index
          %get3A_507 = tpu.vector_load %arg5[%get3A_506] {strides = array<i32>} : memref<65536xf32, #tpu.memory_space<vmem>>, vector<16xf32>,
          %max3A_508 = arith.maximumf %max3A_500, %get3A_507 : vector<16xf32>
          %mul3A_509 = arith.constant 1024 : i32
          %mul3A_510 = arith.muli %scan3A_187, %mul3A_509 : i32
          %add3A_511 = arith.addi %mul3A_30, %mul3A_510 : i32
          %add3A_512 = arith.constant 640 : i32
          %add3A_513 = arith.addi %add3A_511, %add3A_512 : i32
          %get3A_514 = arith.index_cast %add3A_513 : i32 to index
          %get3A_515 = tpu.vector_load %arg5[%get3A_514] {strides = array<i32>} : memref<65536xf32, #tpu.memory_space<vmem>>, vector<16xf32>,
          %max3A_516 = arith.maximumf %max3A_508, %get3A_515 : vector<16xf32>
          %mul3A_517 = arith.constant 1024 : i32
          %mul3A_518 = arith.muli %scan3A_187, %mul3A_517 : i32
          %add3A_519 = arith.addi %mul3A_30, %mul3A_518 : i32
          %add3A_520 = arith.constant 656 : i32
          %add3A_521 = arith.addi %add3A_519, %add3A_520 : i32
          %get3A_522 = arith.index_cast %add3A_521 : i32 to index
          %get3A_523 = tpu.vector_load %arg5[%get3A_522] {strides = array<i32>} : memref<65536xf32, #tpu.memory_space<vmem>>, vector<16xf32>,
          %max3A_524 = arith.maximumf %max3A_516, %get3A_523 : vector<16xf32>
          %mul3A_525 = arith.constant 1024 : i32
          %mul3A_526 = arith.muli %scan3A_187, %mul3A_525 : i32
          %add3A_527 = arith.addi %mul3A_30, %mul3A_526 : i32
          %add3A_528 = arith.constant 672 : i32
          %add3A_529 = arith.addi %add3A_527, %add3A_528 : i32
          %get3A_530 = arith.index_cast %add3A_529 : i32 to index
          %get3A_531 = tpu.vector_load %arg5[%get3A_530] {strides = array<i32>} : memref<65536xf32, #tpu.memory_space<vmem>>, vector<16xf32>,
          %max3A_532 = arith.maximumf %max3A_524, %get3A_531 : vector<16xf32>
          %mul3A_533 = arith.constant 1024 : i32
          %mul3A_534 = arith.muli %scan3A_187, %mul3A_533 : i32
          %add3A_535 = arith.addi %mul3A_30, %mul3A_534 : i32
          %add3A_536 = arith.constant 688 : i32
          %add3A_537 = arith.addi %add3A_535, %add3A_536 : i32
          %get3A_538 = arith.index_cast %add3A_537 : i32 to index
          %get3A_539 = tpu.vector_load %arg5[%get3A_538] {strides = array<i32>} : memref<65536xf32, #tpu.memory_space<vmem>>, vector<16xf32>,
          %max3A_540 = arith.maximumf %max3A_532, %get3A_539 : vector<16xf32>
          %mul3A_541 = arith.constant 1024 : i32
          %mul3A_542 = arith.muli %scan3A_187, %mul3A_541 : i32
          %add3A_543 = arith.addi %mul3A_30, %mul3A_542 : i32
          %add3A_544 = arith.constant 704 : i32
          %add3A_545 = arith.addi %add3A_543, %add3A_544 : i32
          %get3A_546 = arith.index_cast %add3A_545 : i32 to index
          %get3A_547 = tpu.vector_load %arg5[%get3A_546] {strides = array<i32>} : memref<65536xf32, #tpu.memory_space<vmem>>, vector<16xf32>,
          %max3A_548 = arith.maximumf %max3A_540, %get3A_547 : vector<16xf32>
          %mul3A_549 = arith.constant 1024 : i32
          %mul3A_550 = arith.muli %scan3A_187, %mul3A_549 : i32
          %add3A_551 = arith.addi %mul3A_30, %mul3A_550 : i32
          %add3A_552 = arith.constant 720 : i32
          %add3A_553 = arith.addi %add3A_551, %add3A_552 : i32
          %get3A_554 = arith.index_cast %add3A_553 : i32 to index
          %get3A_555 = tpu.vector_load %arg5[%get3A_554] {strides = array<i32>} : memref<65536xf32, #tpu.memory_space<vmem>>, vector<16xf32>,
          %max3A_556 = arith.maximumf %max3A_548, %get3A_555 : vector<16xf32>
          %mul3A_557 = arith.constant 1024 : i32
          %mul3A_558 = arith.muli %scan3A_187, %mul3A_557 : i32
          %add3A_559 = arith.addi %mul3A_30, %mul3A_558 : i32
          %add3A_560 = arith.constant 736 : i32
          %add3A_561 = arith.addi %add3A_559, %add3A_560 : i32
          %get3A_562 = arith.index_cast %add3A_561 : i32 to index
          %get3A_563 = tpu.vector_load %arg5[%get3A_562] {strides = array<i32>} : memref<65536xf32, #tpu.memory_space<vmem>>, vector<16xf32>,
          %max3A_564 = arith.maximumf %max3A_556, %get3A_563 : vector<16xf32>
          %mul3A_565 = arith.constant 1024 : i32
          %mul3A_566 = arith.muli %scan3A_187, %mul3A_565 : i32
          %add3A_567 = arith.addi %mul3A_30, %mul3A_566 : i32
          %add3A_568 = arith.constant 752 : i32
          %add3A_569 = arith.addi %add3A_567, %add3A_568 : i32
          %get3A_570 = arith.index_cast %add3A_569 : i32 to index
          %get3A_571 = tpu.vector_load %arg5[%get3A_570] {strides = array<i32>} : memref<65536xf32, #tpu.memory_space<vmem>>, vector<16xf32>,
          %max3A_572 = arith.maximumf %max3A_564, %get3A_571 : vector<16xf32>
          %mul3A_573 = arith.constant 1024 : i32
          %mul3A_574 = arith.muli %scan3A_187, %mul3A_573 : i32
          %add3A_575 = arith.addi %mul3A_30, %mul3A_574 : i32
          %add3A_576 = arith.constant 768 : i32
          %add3A_577 = arith.addi %add3A_575, %add3A_576 : i32
          %get3A_578 = arith.index_cast %add3A_577 : i32 to index
          %get3A_579 = tpu.vector_load %arg5[%get3A_578] {strides = array<i32>} : memref<65536xf32, #tpu.memory_space<vmem>>, vector<16xf32>,
          %max3A_580 = arith.maximumf %max3A_572, %get3A_579 : vector<16xf32>
          %mul3A_581 = arith.constant 1024 : i32
          %mul3A_582 = arith.muli %scan3A_187, %mul3A_581 : i32
          %add3A_583 = arith.addi %mul3A_30, %mul3A_582 : i32
          %add3A_584 = arith.constant 784 : i32
          %add3A_585 = arith.addi %add3A_583, %add3A_584 : i32
          %get3A_586 = arith.index_cast %add3A_585 : i32 to index
          %get3A_587 = tpu.vector_load %arg5[%get3A_586] {strides = array<i32>} : memref<65536xf32, #tpu.memory_space<vmem>>, vector<16xf32>,
          %max3A_588 = arith.maximumf %max3A_580, %get3A_587 : vector<16xf32>
          %mul3A_589 = arith.constant 1024 : i32
          %mul3A_590 = arith.muli %scan3A_187, %mul3A_589 : i32
          %add3A_591 = arith.addi %mul3A_30, %mul3A_590 : i32
          %add3A_592 = arith.constant 800 : i32
          %add3A_593 = arith.addi %add3A_591, %add3A_592 : i32
          %get3A_594 = arith.index_cast %add3A_593 : i32 to index
          %get3A_595 = tpu.vector_load %arg5[%get3A_594] {strides = array<i32>} : memref<65536xf32, #tpu.memory_space<vmem>>, vector<16xf32>,
          %max3A_596 = arith.maximumf %max3A_588, %get3A_595 : vector<16xf32>
          %mul3A_597 = arith.constant 1024 : i32
          %mul3A_598 = arith.muli %scan3A_187, %mul3A_597 : i32
          %add3A_599 = arith.addi %mul3A_30, %mul3A_598 : i32
          %add3A_600 = arith.constant 816 : i32
          %add3A_601 = arith.addi %add3A_599, %add3A_600 : i32
          %get3A_602 = arith.index_cast %add3A_601 : i32 to index
          %get3A_603 = tpu.vector_load %arg5[%get3A_602] {strides = array<i32>} : memref<65536xf32, #tpu.memory_space<vmem>>, vector<16xf32>,
          %max3A_604 = arith.maximumf %max3A_596, %get3A_603 : vector<16xf32>
          %mul3A_605 = arith.constant 1024 : i32
          %mul3A_606 = arith.muli %scan3A_187, %mul3A_605 : i32
          %add3A_607 = arith.addi %mul3A_30, %mul3A_606 : i32
          %add3A_608 = arith.constant 832 : i32
          %add3A_609 = arith.addi %add3A_607, %add3A_608 : i32
          %get3A_610 = arith.index_cast %add3A_609 : i32 to index
          %get3A_611 = tpu.vector_load %arg5[%get3A_610] {strides = array<i32>} : memref<65536xf32, #tpu.memory_space<vmem>>, vector<16xf32>,
          %max3A_612 = arith.maximumf %max3A_604, %get3A_611 : vector<16xf32>
          %mul3A_613 = arith.constant 1024 : i32
          %mul3A_614 = arith.muli %scan3A_187, %mul3A_613 : i32
          %add3A_615 = arith.addi %mul3A_30, %mul3A_614 : i32
          %add3A_616 = arith.constant 848 : i32
          %add3A_617 = arith.addi %add3A_615, %add3A_616 : i32
          %get3A_618 = arith.index_cast %add3A_617 : i32 to index
          %get3A_619 = tpu.vector_load %arg5[%get3A_618] {strides = array<i32>} : memref<65536xf32, #tpu.memory_space<vmem>>, vector<16xf32>,
          %max3A_620 = arith.maximumf %max3A_612, %get3A_619 : vector<16xf32>
          %mul3A_621 = arith.constant 1024 : i32
          %mul3A_622 = arith.muli %scan3A_187, %mul3A_621 : i32
          %add3A_623 = arith.addi %mul3A_30, %mul3A_622 : i32
          %add3A_624 = arith.constant 864 : i32
          %add3A_625 = arith.addi %add3A_623, %add3A_624 : i32
          %get3A_626 = arith.index_cast %add3A_625 : i32 to index
          %get3A_627 = tpu.vector_load %arg5[%get3A_626] {strides = array<i32>} : memref<65536xf32, #tpu.memory_space<vmem>>, vector<16xf32>,
          %max3A_628 = arith.maximumf %max3A_620, %get3A_627 : vector<16xf32>
          %mul3A_629 = arith.constant 1024 : i32
          %mul3A_630 = arith.muli %scan3A_187, %mul3A_629 : i32
          %add3A_631 = arith.addi %mul3A_30, %mul3A_630 : i32
          %add3A_632 = arith.constant 880 : i32
          %add3A_633 = arith.addi %add3A_631, %add3A_632 : i32
          %get3A_634 = arith.index_cast %add3A_633 : i32 to index
          %get3A_635 = tpu.vector_load %arg5[%get3A_634] {strides = array<i32>} : memref<65536xf32, #tpu.memory_space<vmem>>, vector<16xf32>,
          %max3A_636 = arith.maximumf %max3A_628, %get3A_635 : vector<16xf32>
          %mul3A_637 = arith.constant 1024 : i32
          %mul3A_638 = arith.muli %scan3A_187, %mul3A_637 : i32
          %add3A_639 = arith.addi %mul3A_30, %mul3A_638 : i32
          %add3A_640 = arith.constant 896 : i32
          %add3A_641 = arith.addi %add3A_639, %add3A_640 : i32
          %get3A_642 = arith.index_cast %add3A_641 : i32 to index
          %get3A_643 = tpu.vector_load %arg5[%get3A_642] {strides = array<i32>} : memref<65536xf32, #tpu.memory_space<vmem>>, vector<16xf32>,
          %max3A_644 = arith.maximumf %max3A_636, %get3A_643 : vector<16xf32>
          %mul3A_645 = arith.constant 1024 : i32
          %mul3A_646 = arith.muli %scan3A_187, %mul3A_645 : i32
          %add3A_647 = arith.addi %mul3A_30, %mul3A_646 : i32
          %add3A_648 = arith.constant 912 : i32
          %add3A_649 = arith.addi %add3A_647, %add3A_648 : i32
          %get3A_650 = arith.index_cast %add3A_649 : i32 to index
          %get3A_651 = tpu.vector_load %arg5[%get3A_650] {strides = array<i32>} : memref<65536xf32, #tpu.memory_space<vmem>>, vector<16xf32>,
          %max3A_652 = arith.maximumf %max3A_644, %get3A_651 : vector<16xf32>
          %mul3A_653 = arith.constant 1024 : i32
          %mul3A_654 = arith.muli %scan3A_187, %mul3A_653 : i32
          %add3A_655 = arith.addi %mul3A_30, %mul3A_654 : i32
          %add3A_656 = arith.constant 928 : i32
          %add3A_657 = arith.addi %add3A_655, %add3A_656 : i32
          %get3A_658 = arith.index_cast %add3A_657 : i32 to index
          %get3A_659 = tpu.vector_load %arg5[%get3A_658] {strides = array<i32>} : memref<65536xf32, #tpu.memory_space<vmem>>, vector<16xf32>,
          %max3A_660 = arith.maximumf %max3A_652, %get3A_659 : vector<16xf32>
          %mul3A_661 = arith.constant 1024 : i32
          %mul3A_662 = arith.muli %scan3A_187, %mul3A_661 : i32
          %add3A_663 = arith.addi %mul3A_30, %mul3A_662 : i32
          %add3A_664 = arith.constant 944 : i32
          %add3A_665 = arith.addi %add3A_663, %add3A_664 : i32
          %get3A_666 = arith.index_cast %add3A_665 : i32 to index
          %get3A_667 = tpu.vector_load %arg5[%get3A_666] {strides = array<i32>} : memref<65536xf32, #tpu.memory_space<vmem>>, vector<16xf32>,
          %max3A_668 = arith.maximumf %max3A_660, %get3A_667 : vector<16xf32>
          %mul3A_669 = arith.constant 1024 : i32
          %mul3A_670 = arith.muli %scan3A_187, %mul3A_669 : i32
          %add3A_671 = arith.addi %mul3A_30, %mul3A_670 : i32
          %add3A_672 = arith.constant 960 : i32
          %add3A_673 = arith.addi %add3A_671, %add3A_672 : i32
          %get3A_674 = arith.index_cast %add3A_673 : i32 to index
          %get3A_675 = tpu.vector_load %arg5[%get3A_674] {strides = array<i32>} : memref<65536xf32, #tpu.memory_space<vmem>>, vector<16xf32>,
          %max3A_676 = arith.maximumf %max3A_668, %get3A_675 : vector<16xf32>
          %mul3A_677 = arith.constant 1024 : i32
          %mul3A_678 = arith.muli %scan3A_187, %mul3A_677 : i32
          %add3A_679 = arith.addi %mul3A_30, %mul3A_678 : i32
          %add3A_680 = arith.constant 976 : i32
          %add3A_681 = arith.addi %add3A_679, %add3A_680 : i32
          %get3A_682 = arith.index_cast %add3A_681 : i32 to index
          %get3A_683 = tpu.vector_load %arg5[%get3A_682] {strides = array<i32>} : memref<65536xf32, #tpu.memory_space<vmem>>, vector<16xf32>,
          %max3A_684 = arith.maximumf %max3A_676, %get3A_683 : vector<16xf32>
          %mul3A_685 = arith.constant 1024 : i32
          %mul3A_686 = arith.muli %scan3A_187, %mul3A_685 : i32
          %add3A_687 = arith.addi %mul3A_30, %mul3A_686 : i32
          %add3A_688 = arith.constant 992 : i32
          %add3A_689 = arith.addi %add3A_687, %add3A_688 : i32
          %get3A_690 = arith.index_cast %add3A_689 : i32 to index
          %get3A_691 = tpu.vector_load %arg5[%get3A_690] {strides = array<i32>} : memref<65536xf32, #tpu.memory_space<vmem>>, vector<16xf32>,
          %max3A_692 = arith.maximumf %max3A_684, %get3A_691 : vector<16xf32>
          %mul3A_693 = arith.constant 1024 : i32
          %mul3A_694 = arith.muli %scan3A_187, %mul3A_693 : i32
          %add3A_695 = arith.addi %mul3A_30, %mul3A_694 : i32
          %add3A_696 = arith.constant 1008 : i32
          %add3A_697 = arith.addi %add3A_695, %add3A_696 : i32
          %get3A_698 = arith.index_cast %add3A_697 : i32 to index
          %get3A_699 = tpu.vector_load %arg5[%get3A_698] {strides = array<i32>} : memref<65536xf32, #tpu.memory_space<vmem>>, vector<16xf32>,
          %max3A_700 = arith.maximumf %max3A_692, %get3A_699 : vector<16xf32>
          %max3A_701 = arith.maximumf %scan3A_188, %max3A_700 : vector<16xf32>
          %min3A_702 = arith.minimumf %scan3A_188, %max3A_700 : vector<16xf32>
          %max3A_703 = arith.maximumf %scan3A_189, %min3A_702 : vector<16xf32>
          %min3A_704 = arith.minimumf %scan3A_189, %min3A_702 : vector<16xf32>
          %max3A_705 = arith.maximumf %scan3A_190, %min3A_704 : vector<16xf32>
          %min3A_706 = arith.minimumf %scan3A_190, %min3A_704 : vector<16xf32>
          %max3A_707 = arith.maximumf %scan3A_191, %min3A_706 : vector<16xf32>
          scf.yield %max3A_701, %max3A_703, %max3A_705, %max3A_707 : vector<16xf32>, vector<16xf32>, vector<16xf32>, vector<16xf32>
        }
        %scan3A_165 = arith.constant 32 : i32
        %broadcast_in_dim3A_166 = arith.constant 0.000000e+00 : f32
        %broadcast_in_dim3A_167 = vector.broadcast %broadcast_in_dim3A_166 : f32 to vector<16xf32>
        %reduce_min3A = arith.constant true
        %reduce_min3A_168 = vector.broadcast %reduce_min3A : i1 to vector<16xi1>
        %reduce_min3A_169 = tpu.scan <min>, %scan3A_164#3 masked %reduce_min3A_168 : vector<16xf32>, vector<16xi1> -> vector<16xf32>
        %reduce_min3A_170 = vector.extract %reduce_min3A_169[15] : f32 from vector<16xf32>
        %add3A_171 = vector.broadcast %reduce_min3A_170 : f32 to vector<16xf32>
        %add3A_172 = arith.addf %broadcast_in_dim3A_167, %add3A_171 : vector<16xf32>
        %scan3A_173 = arith.constant 0 : i32
        %scan3A_174 = arith.constant 128 : i32
        %scan3A_175 = arith.addi %scan3A_173, %scan3A_174 : i32
        %scan3A_176 = arith.constant 1 : i32
        %scan3A_177:2 = scf.for %scan3A_187 = %scan3A_173 to %scan3A_175 step %scan3A_176 iter_args(%scan3A_188 = %broadcast_in_dim3A_1, %scan3A_189 = %broadcast_in_dim3A_1) -> (vector<16xi32>, vector<16xi32>)  : i32 {
          %mul3A_190 = arith.constant 16 : i32
          %mul3A_191 = arith.muli %scan3A_187, %mul3A_190 : i32
          %add3A_192 = arith.constant 0 : i32
          %add3A_193 = arith.addi %mul3A_191, %add3A_192 : i32
          %mul3A_194 = arith.constant 16 : i32
          %mul3A_195 = arith.muli %add3A_193, %mul3A_194 : i32
          %add3A_196 = arith.addi %mul3A_30, %mul3A_195 : i32
          %get3A_197 = arith.index_cast %add3A_196 : i32 to index
          %get3A_198 = tpu.vector_load %arg5[%get3A_197] {strides = array<i32>} : memref<65536xf32, #tpu.memory_space<vmem>>, vector<16xf32>,
          %add3A_199 = arith.constant 1 : i32
          %add3A_200 = arith.addi %mul3A_191, %add3A_199 : i32
          %mul3A_201 = arith.constant 16 : i32
          %mul3A_202 = arith.muli %add3A_200, %mul3A_201 : i32
          %add3A_203 = arith.addi %mul3A_30, %mul3A_202 : i32
          %get3A_204 = arith.index_cast %add3A_203 : i32 to index
          %get3A_205 = tpu.vector_load %arg5[%get3A_204] {strides = array<i32>} : memref<65536xf32, #tpu.memory_space<vmem>>, vector<16xf32>,
          %add3A_206 = arith.constant 2 : i32
          %add3A_207 = arith.addi %mul3A_191, %add3A_206 : i32
          %mul3A_208 = arith.constant 16 : i32
          %mul3A_209 = arith.muli %add3A_207, %mul3A_208 : i32
          %add3A_210 = arith.addi %mul3A_30, %mul3A_209 : i32
          %get3A_211 = arith.index_cast %add3A_210 : i32 to index
          %get3A_212 = tpu.vector_load %arg5[%get3A_211] {strides = array<i32>} : memref<65536xf32, #tpu.memory_space<vmem>>, vector<16xf32>,
          %add3A_213 = arith.constant 3 : i32
          %add3A_214 = arith.addi %mul3A_191, %add3A_213 : i32
          %mul3A_215 = arith.constant 16 : i32
          %mul3A_216 = arith.muli %add3A_214, %mul3A_215 : i32
          %add3A_217 = arith.addi %mul3A_30, %mul3A_216 : i32
          %get3A_218 = arith.index_cast %add3A_217 : i32 to index
          %get3A_219 = tpu.vector_load %arg5[%get3A_218] {strides = array<i32>} : memref<65536xf32, #tpu.memory_space<vmem>>, vector<16xf32>,
          %add3A_220 = arith.constant 4 : i32
          %add3A_221 = arith.addi %mul3A_191, %add3A_220 : i32
          %mul3A_222 = arith.constant 16 : i32
          %mul3A_223 = arith.muli %add3A_221, %mul3A_222 : i32
          %add3A_224 = arith.addi %mul3A_30, %mul3A_223 : i32
          %get3A_225 = arith.index_cast %add3A_224 : i32 to index
          %get3A_226 = tpu.vector_load %arg5[%get3A_225] {strides = array<i32>} : memref<65536xf32, #tpu.memory_space<vmem>>, vector<16xf32>,
          %add3A_227 = arith.constant 5 : i32
          %add3A_228 = arith.addi %mul3A_191, %add3A_227 : i32
          %mul3A_229 = arith.constant 16 : i32
          %mul3A_230 = arith.muli %add3A_228, %mul3A_229 : i32
          %add3A_231 = arith.addi %mul3A_30, %mul3A_230 : i32
          %get3A_232 = arith.index_cast %add3A_231 : i32 to index
          %get3A_233 = tpu.vector_load %arg5[%get3A_232] {strides = array<i32>} : memref<65536xf32, #tpu.memory_space<vmem>>, vector<16xf32>,
          %add3A_234 = arith.constant 6 : i32
          %add3A_235 = arith.addi %mul3A_191, %add3A_234 : i32
          %mul3A_236 = arith.constant 16 : i32
          %mul3A_237 = arith.muli %add3A_235, %mul3A_236 : i32
          %add3A_238 = arith.addi %mul3A_30, %mul3A_237 : i32
          %get3A_239 = arith.index_cast %add3A_238 : i32 to index
          %get3A_240 = tpu.vector_load %arg5[%get3A_239] {strides = array<i32>} : memref<65536xf32, #tpu.memory_space<vmem>>, vector<16xf32>,
          %add3A_241 = arith.constant 7 : i32
          %add3A_242 = arith.addi %mul3A_191, %add3A_241 : i32
          %mul3A_243 = arith.constant 16 : i32
          %mul3A_244 = arith.muli %add3A_242, %mul3A_243 : i32
          %add3A_245 = arith.addi %mul3A_30, %mul3A_244 : i32
          %get3A_246 = arith.index_cast %add3A_245 : i32 to index
          %get3A_247 = tpu.vector_load %arg5[%get3A_246] {strides = array<i32>} : memref<65536xf32, #tpu.memory_space<vmem>>, vector<16xf32>,
          %add3A_248 = arith.constant 8 : i32
          %add3A_249 = arith.addi %mul3A_191, %add3A_248 : i32
          %mul3A_250 = arith.constant 16 : i32
          %mul3A_251 = arith.muli %add3A_249, %mul3A_250 : i32
          %add3A_252 = arith.addi %mul3A_30, %mul3A_251 : i32
          %get3A_253 = arith.index_cast %add3A_252 : i32 to index
          %get3A_254 = tpu.vector_load %arg5[%get3A_253] {strides = array<i32>} : memref<65536xf32, #tpu.memory_space<vmem>>, vector<16xf32>,
          %add3A_255 = arith.constant 9 : i32
          %add3A_256 = arith.addi %mul3A_191, %add3A_255 : i32
          %mul3A_257 = arith.constant 16 : i32
          %mul3A_258 = arith.muli %add3A_256, %mul3A_257 : i32
          %add3A_259 = arith.addi %mul3A_30, %mul3A_258 : i32
          %get3A_260 = arith.index_cast %add3A_259 : i32 to index
          %get3A_261 = tpu.vector_load %arg5[%get3A_260] {strides = array<i32>} : memref<65536xf32, #tpu.memory_space<vmem>>, vector<16xf32>,
          %add3A_262 = arith.constant 10 : i32
          %add3A_263 = arith.addi %mul3A_191, %add3A_262 : i32
          %mul3A_264 = arith.constant 16 : i32
          %mul3A_265 = arith.muli %add3A_263, %mul3A_264 : i32
          %add3A_266 = arith.addi %mul3A_30, %mul3A_265 : i32
          %get3A_267 = arith.index_cast %add3A_266 : i32 to index
          %get3A_268 = tpu.vector_load %arg5[%get3A_267] {strides = array<i32>} : memref<65536xf32, #tpu.memory_space<vmem>>, vector<16xf32>,
          %add3A_269 = arith.constant 11 : i32
          %add3A_270 = arith.addi %mul3A_191, %add3A_269 : i32
          %mul3A_271 = arith.constant 16 : i32
          %mul3A_272 = arith.muli %add3A_270, %mul3A_271 : i32
          %add3A_273 = arith.addi %mul3A_30, %mul3A_272 : i32
          %get3A_274 = arith.index_cast %add3A_273 : i32 to index
          %get3A_275 = tpu.vector_load %arg5[%get3A_274] {strides = array<i32>} : memref<65536xf32, #tpu.memory_space<vmem>>, vector<16xf32>,
          %add3A_276 = arith.constant 12 : i32
          %add3A_277 = arith.addi %mul3A_191, %add3A_276 : i32
          %mul3A_278 = arith.constant 16 : i32
          %mul3A_279 = arith.muli %add3A_277, %mul3A_278 : i32
          %add3A_280 = arith.addi %mul3A_30, %mul3A_279 : i32
          %get3A_281 = arith.index_cast %add3A_280 : i32 to index
          %get3A_282 = tpu.vector_load %arg5[%get3A_281] {strides = array<i32>} : memref<65536xf32, #tpu.memory_space<vmem>>, vector<16xf32>,
          %add3A_283 = arith.constant 13 : i32
          %add3A_284 = arith.addi %mul3A_191, %add3A_283 : i32
          %mul3A_285 = arith.constant 16 : i32
          %mul3A_286 = arith.muli %add3A_284, %mul3A_285 : i32
          %add3A_287 = arith.addi %mul3A_30, %mul3A_286 : i32
          %get3A_288 = arith.index_cast %add3A_287 : i32 to index
          %get3A_289 = tpu.vector_load %arg5[%get3A_288] {strides = array<i32>} : memref<65536xf32, #tpu.memory_space<vmem>>, vector<16xf32>,
          %add3A_290 = arith.constant 14 : i32
          %add3A_291 = arith.addi %mul3A_191, %add3A_290 : i32
          %mul3A_292 = arith.constant 16 : i32
          %mul3A_293 = arith.muli %add3A_291, %mul3A_292 : i32
          %add3A_294 = arith.addi %mul3A_30, %mul3A_293 : i32
          %get3A_295 = arith.index_cast %add3A_294 : i32 to index
          %get3A_296 = tpu.vector_load %arg5[%get3A_295] {strides = array<i32>} : memref<65536xf32, #tpu.memory_space<vmem>>, vector<16xf32>,
          %add3A_297 = arith.constant 15 : i32
          %add3A_298 = arith.addi %mul3A_191, %add3A_297 : i32
          %mul3A_299 = arith.constant 16 : i32
          %mul3A_300 = arith.muli %add3A_298, %mul3A_299 : i32
          %add3A_301 = arith.addi %mul3A_30, %mul3A_300 : i32
          %get3A_302 = arith.index_cast %add3A_301 : i32 to index
          %get3A_303 = tpu.vector_load %arg5[%get3A_302] {strides = array<i32>} : memref<65536xf32, #tpu.memory_space<vmem>>, vector<16xf32>,
          %ge3A_304 = arith.cmpf oge, %get3A_198, %add3A_172 : vector<16xf32>
          %add3A_305 = arith.constant 0 : i32
          %add3A_306 = arith.addi %mul3A_191, %add3A_305 : i32
          %mul3A_307 = arith.constant 16 : i32
          %mul3A_308 = arith.muli %add3A_306, %mul3A_307 : i32
          %add3A_309 = vector.broadcast %mul3A_308 : i32 to vector<16xi32>
          %add3A_310 = arith.addi %iota3A, %add3A_309 : vector<16xi32>
          %and3A_311 = arith.constant 31 : i32
          %and3A_312 = vector.broadcast %and3A_311 : i32 to vector<16xi32>
          %and3A_313 = arith.andi %scan3A_188, %and3A_312 : vector<16xi32>
          %add3A_314 = arith.constant 0 : i32
          %add3A_315 = vector.broadcast %add3A_314 : i32 to vector<16xi32>
          %add3A_316 = arith.addi %and3A_313, %add3A_315 : vector<16xi32>
          tpu.vector_store_idx %arg7[%add3A_316, %iota3A], %add3A_310 masked %ge3A_304 : memref<64x16xi32, #tpu.memory_space<vmem>>[vector<16xi32>, vector<16xi32>], vector<16xi32>, vector<16xi1>
          %convert_element_type3A_317 = arith.extui %ge3A_304 : vector<16xi1> to vector<16xi32>
          %add3A_318 = arith.addi %scan3A_188, %convert_element_type3A_317 : vector<16xi32>
          %ge3A_319 = arith.cmpf oge, %get3A_205, %add3A_172 : vector<16xf32>
          %add3A_320 = arith.constant 1 : i32
          %add3A_321 = arith.addi %mul3A_191, %add3A_320 : i32
          %mul3A_322 = arith.constant 16 : i32
          %mul3A_323 = arith.muli %add3A_321, %mul3A_322 : i32
          %add3A_324 = vector.broadcast %mul3A_323 : i32 to vector<16xi32>
          %add3A_325 = arith.addi %iota3A, %add3A_324 : vector<16xi32>
          %and3A_326 = arith.constant 31 : i32
          %and3A_327 = vector.broadcast %and3A_326 : i32 to vector<16xi32>
          %and3A_328 = arith.andi %scan3A_189, %and3A_327 : vector<16xi32>
          %add3A_329 = arith.constant 32 : i32
          %add3A_330 = vector.broadcast %add3A_329 : i32 to vector<16xi32>
          %add3A_331 = arith.addi %and3A_328, %add3A_330 : vector<16xi32>
          tpu.vector_store_idx %arg7[%add3A_331, %iota3A], %add3A_325 masked %ge3A_319 : memref<64x16xi32, #tpu.memory_space<vmem>>[vector<16xi32>, vector<16xi32>], vector<16xi32>, vector<16xi1>
          %convert_element_type3A_332 = arith.extui %ge3A_319 : vector<16xi1> to vector<16xi32>
          %add3A_333 = arith.addi %scan3A_189, %convert_element_type3A_332 : vector<16xi32>
          %ge3A_334 = arith.cmpf oge, %get3A_212, %add3A_172 : vector<16xf32>
          %add3A_335 = arith.constant 2 : i32
          %add3A_336 = arith.addi %mul3A_191, %add3A_335 : i32
          %mul3A_337 = arith.constant 16 : i32
          %mul3A_338 = arith.muli %add3A_336, %mul3A_337 : i32
          %add3A_339 = vector.broadcast %mul3A_338 : i32 to vector<16xi32>
          %add3A_340 = arith.addi %iota3A, %add3A_339 : vector<16xi32>
          %and3A_341 = arith.constant 31 : i32
          %and3A_342 = vector.broadcast %and3A_341 : i32 to vector<16xi32>
          %and3A_343 = arith.andi %add3A_318, %and3A_342 : vector<16xi32>
          %add3A_344 = arith.constant 0 : i32
          %add3A_345 = vector.broadcast %add3A_344 : i32 to vector<16xi32>
          %add3A_346 = arith.addi %and3A_343, %add3A_345 : vector<16xi32>
          tpu.vector_store_idx %arg7[%add3A_346, %iota3A], %add3A_340 masked %ge3A_334 : memref<64x16xi32, #tpu.memory_space<vmem>>[vector<16xi32>, vector<16xi32>], vector<16xi32>, vector<16xi1>
          %convert_element_type3A_347 = arith.extui %ge3A_334 : vector<16xi1> to vector<16xi32>
          %add3A_348 = arith.addi %add3A_318, %convert_element_type3A_347 : vector<16xi32>
          %ge3A_349 = arith.cmpf oge, %get3A_219, %add3A_172 : vector<16xf32>
          %add3A_350 = arith.constant 3 : i32
          %add3A_351 = arith.addi %mul3A_191, %add3A_350 : i32
          %mul3A_352 = arith.constant 16 : i32
          %mul3A_353 = arith.muli %add3A_351, %mul3A_352 : i32
          %add3A_354 = vector.broadcast %mul3A_353 : i32 to vector<16xi32>
          %add3A_355 = arith.addi %iota3A, %add3A_354 : vector<16xi32>
          %and3A_356 = arith.constant 31 : i32
          %and3A_357 = vector.broadcast %and3A_356 : i32 to vector<16xi32>
          %and3A_358 = arith.andi %add3A_333, %and3A_357 : vector<16xi32>
          %add3A_359 = arith.constant 32 : i32
          %add3A_360 = vector.broadcast %add3A_359 : i32 to vector<16xi32>
          %add3A_361 = arith.addi %and3A_358, %add3A_360 : vector<16xi32>
          tpu.vector_store_idx %arg7[%add3A_361, %iota3A], %add3A_355 masked %ge3A_349 : memref<64x16xi32, #tpu.memory_space<vmem>>[vector<16xi32>, vector<16xi32>], vector<16xi32>, vector<16xi1>
          %convert_element_type3A_362 = arith.extui %ge3A_349 : vector<16xi1> to vector<16xi32>
          %add3A_363 = arith.addi %add3A_333, %convert_element_type3A_362 : vector<16xi32>
          %ge3A_364 = arith.cmpf oge, %get3A_226, %add3A_172 : vector<16xf32>
          %add3A_365 = arith.constant 4 : i32
          %add3A_366 = arith.addi %mul3A_191, %add3A_365 : i32
          %mul3A_367 = arith.constant 16 : i32
          %mul3A_368 = arith.muli %add3A_366, %mul3A_367 : i32
          %add3A_369 = vector.broadcast %mul3A_368 : i32 to vector<16xi32>
          %add3A_370 = arith.addi %iota3A, %add3A_369 : vector<16xi32>
          %and3A_371 = arith.constant 31 : i32
          %and3A_372 = vector.broadcast %and3A_371 : i32 to vector<16xi32>
          %and3A_373 = arith.andi %add3A_348, %and3A_372 : vector<16xi32>
          %add3A_374 = arith.constant 0 : i32
          %add3A_375 = vector.broadcast %add3A_374 : i32 to vector<16xi32>
          %add3A_376 = arith.addi %and3A_373, %add3A_375 : vector<16xi32>
          tpu.vector_store_idx %arg7[%add3A_376, %iota3A], %add3A_370 masked %ge3A_364 : memref<64x16xi32, #tpu.memory_space<vmem>>[vector<16xi32>, vector<16xi32>], vector<16xi32>, vector<16xi1>
          %convert_element_type3A_377 = arith.extui %ge3A_364 : vector<16xi1> to vector<16xi32>
          %add3A_378 = arith.addi %add3A_348, %convert_element_type3A_377 : vector<16xi32>
          %ge3A_379 = arith.cmpf oge, %get3A_233, %add3A_172 : vector<16xf32>
          %add3A_380 = arith.constant 5 : i32
          %add3A_381 = arith.addi %mul3A_191, %add3A_380 : i32
          %mul3A_382 = arith.constant 16 : i32
          %mul3A_383 = arith.muli %add3A_381, %mul3A_382 : i32
          %add3A_384 = vector.broadcast %mul3A_383 : i32 to vector<16xi32>
          %add3A_385 = arith.addi %iota3A, %add3A_384 : vector<16xi32>
          %and3A_386 = arith.constant 31 : i32
          %and3A_387 = vector.broadcast %and3A_386 : i32 to vector<16xi32>
          %and3A_388 = arith.andi %add3A_363, %and3A_387 : vector<16xi32>
          %add3A_389 = arith.constant 32 : i32
          %add3A_390 = vector.broadcast %add3A_389 : i32 to vector<16xi32>
          %add3A_391 = arith.addi %and3A_388, %add3A_390 : vector<16xi32>
          tpu.vector_store_idx %arg7[%add3A_391, %iota3A], %add3A_385 masked %ge3A_379 : memref<64x16xi32, #tpu.memory_space<vmem>>[vector<16xi32>, vector<16xi32>], vector<16xi32>, vector<16xi1>
          %convert_element_type3A_392 = arith.extui %ge3A_379 : vector<16xi1> to vector<16xi32>
          %add3A_393 = arith.addi %add3A_363, %convert_element_type3A_392 : vector<16xi32>
          %ge3A_394 = arith.cmpf oge, %get3A_240, %add3A_172 : vector<16xf32>
          %add3A_395 = arith.constant 6 : i32
          %add3A_396 = arith.addi %mul3A_191, %add3A_395 : i32
          %mul3A_397 = arith.constant 16 : i32
          %mul3A_398 = arith.muli %add3A_396, %mul3A_397 : i32
          %add3A_399 = vector.broadcast %mul3A_398 : i32 to vector<16xi32>
          %add3A_400 = arith.addi %iota3A, %add3A_399 : vector<16xi32>
          %and3A_401 = arith.constant 31 : i32
          %and3A_402 = vector.broadcast %and3A_401 : i32 to vector<16xi32>
          %and3A_403 = arith.andi %add3A_378, %and3A_402 : vector<16xi32>
          %add3A_404 = arith.constant 0 : i32
          %add3A_405 = vector.broadcast %add3A_404 : i32 to vector<16xi32>
          %add3A_406 = arith.addi %and3A_403, %add3A_405 : vector<16xi32>
          tpu.vector_store_idx %arg7[%add3A_406, %iota3A], %add3A_400 masked %ge3A_394 : memref<64x16xi32, #tpu.memory_space<vmem>>[vector<16xi32>, vector<16xi32>], vector<16xi32>, vector<16xi1>
          %convert_element_type3A_407 = arith.extui %ge3A_394 : vector<16xi1> to vector<16xi32>
          %add3A_408 = arith.addi %add3A_378, %convert_element_type3A_407 : vector<16xi32>
          %ge3A_409 = arith.cmpf oge, %get3A_247, %add3A_172 : vector<16xf32>
          %add3A_410 = arith.constant 7 : i32
          %add3A_411 = arith.addi %mul3A_191, %add3A_410 : i32
          %mul3A_412 = arith.constant 16 : i32
          %mul3A_413 = arith.muli %add3A_411, %mul3A_412 : i32
          %add3A_414 = vector.broadcast %mul3A_413 : i32 to vector<16xi32>
          %add3A_415 = arith.addi %iota3A, %add3A_414 : vector<16xi32>
          %and3A_416 = arith.constant 31 : i32
          %and3A_417 = vector.broadcast %and3A_416 : i32 to vector<16xi32>
          %and3A_418 = arith.andi %add3A_393, %and3A_417 : vector<16xi32>
          %add3A_419 = arith.constant 32 : i32
          %add3A_420 = vector.broadcast %add3A_419 : i32 to vector<16xi32>
          %add3A_421 = arith.addi %and3A_418, %add3A_420 : vector<16xi32>
          tpu.vector_store_idx %arg7[%add3A_421, %iota3A], %add3A_415 masked %ge3A_409 : memref<64x16xi32, #tpu.memory_space<vmem>>[vector<16xi32>, vector<16xi32>], vector<16xi32>, vector<16xi1>
          %convert_element_type3A_422 = arith.extui %ge3A_409 : vector<16xi1> to vector<16xi32>
          %add3A_423 = arith.addi %add3A_393, %convert_element_type3A_422 : vector<16xi32>
          %ge3A_424 = arith.cmpf oge, %get3A_254, %add3A_172 : vector<16xf32>
          %add3A_425 = arith.constant 8 : i32
          %add3A_426 = arith.addi %mul3A_191, %add3A_425 : i32
          %mul3A_427 = arith.constant 16 : i32
          %mul3A_428 = arith.muli %add3A_426, %mul3A_427 : i32
          %add3A_429 = vector.broadcast %mul3A_428 : i32 to vector<16xi32>
          %add3A_430 = arith.addi %iota3A, %add3A_429 : vector<16xi32>
          %and3A_431 = arith.constant 31 : i32
          %and3A_432 = vector.broadcast %and3A_431 : i32 to vector<16xi32>
          %and3A_433 = arith.andi %add3A_408, %and3A_432 : vector<16xi32>
          %add3A_434 = arith.constant 0 : i32
          %add3A_435 = vector.broadcast %add3A_434 : i32 to vector<16xi32>
          %add3A_436 = arith.addi %and3A_433, %add3A_435 : vector<16xi32>
          tpu.vector_store_idx %arg7[%add3A_436, %iota3A], %add3A_430 masked %ge3A_424 : memref<64x16xi32, #tpu.memory_space<vmem>>[vector<16xi32>, vector<16xi32>], vector<16xi32>, vector<16xi1>
          %convert_element_type3A_437 = arith.extui %ge3A_424 : vector<16xi1> to vector<16xi32>
          %add3A_438 = arith.addi %add3A_408, %convert_element_type3A_437 : vector<16xi32>
          %ge3A_439 = arith.cmpf oge, %get3A_261, %add3A_172 : vector<16xf32>
          %add3A_440 = arith.constant 9 : i32
          %add3A_441 = arith.addi %mul3A_191, %add3A_440 : i32
          %mul3A_442 = arith.constant 16 : i32
          %mul3A_443 = arith.muli %add3A_441, %mul3A_442 : i32
          %add3A_444 = vector.broadcast %mul3A_443 : i32 to vector<16xi32>
          %add3A_445 = arith.addi %iota3A, %add3A_444 : vector<16xi32>
          %and3A_446 = arith.constant 31 : i32
          %and3A_447 = vector.broadcast %and3A_446 : i32 to vector<16xi32>
          %and3A_448 = arith.andi %add3A_423, %and3A_447 : vector<16xi32>
          %add3A_449 = arith.constant 32 : i32
          %add3A_450 = vector.broadcast %add3A_449 : i32 to vector<16xi32>
          %add3A_451 = arith.addi %and3A_448, %add3A_450 : vector<16xi32>
          tpu.vector_store_idx %arg7[%add3A_451, %iota3A], %add3A_445 masked %ge3A_439 : memref<64x16xi32, #tpu.memory_space<vmem>>[vector<16xi32>, vector<16xi32>], vector<16xi32>, vector<16xi1>
          %convert_element_type3A_452 = arith.extui %ge3A_439 : vector<16xi1> to vector<16xi32>
          %add3A_453 = arith.addi %add3A_423, %convert_element_type3A_452 : vector<16xi32>
          %ge3A_454 = arith.cmpf oge, %get3A_268, %add3A_172 : vector<16xf32>
          %add3A_455 = arith.constant 10 : i32
          %add3A_456 = arith.addi %mul3A_191, %add3A_455 : i32
          %mul3A_457 = arith.constant 16 : i32
          %mul3A_458 = arith.muli %add3A_456, %mul3A_457 : i32
          %add3A_459 = vector.broadcast %mul3A_458 : i32 to vector<16xi32>
          %add3A_460 = arith.addi %iota3A, %add3A_459 : vector<16xi32>
          %and3A_461 = arith.constant 31 : i32
          %and3A_462 = vector.broadcast %and3A_461 : i32 to vector<16xi32>
          %and3A_463 = arith.andi %add3A_438, %and3A_462 : vector<16xi32>
          %add3A_464 = arith.constant 0 : i32
          %add3A_465 = vector.broadcast %add3A_464 : i32 to vector<16xi32>
          %add3A_466 = arith.addi %and3A_463, %add3A_465 : vector<16xi32>
          tpu.vector_store_idx %arg7[%add3A_466, %iota3A], %add3A_460 masked %ge3A_454 : memref<64x16xi32, #tpu.memory_space<vmem>>[vector<16xi32>, vector<16xi32>], vector<16xi32>, vector<16xi1>
          %convert_element_type3A_467 = arith.extui %ge3A_454 : vector<16xi1> to vector<16xi32>
          %add3A_468 = arith.addi %add3A_438, %convert_element_type3A_467 : vector<16xi32>
          %ge3A_469 = arith.cmpf oge, %get3A_275, %add3A_172 : vector<16xf32>
          %add3A_470 = arith.constant 11 : i32
          %add3A_471 = arith.addi %mul3A_191, %add3A_470 : i32
          %mul3A_472 = arith.constant 16 : i32
          %mul3A_473 = arith.muli %add3A_471, %mul3A_472 : i32
          %add3A_474 = vector.broadcast %mul3A_473 : i32 to vector<16xi32>
          %add3A_475 = arith.addi %iota3A, %add3A_474 : vector<16xi32>
          %and3A_476 = arith.constant 31 : i32
          %and3A_477 = vector.broadcast %and3A_476 : i32 to vector<16xi32>
          %and3A_478 = arith.andi %add3A_453, %and3A_477 : vector<16xi32>
          %add3A_479 = arith.constant 32 : i32
          %add3A_480 = vector.broadcast %add3A_479 : i32 to vector<16xi32>
          %add3A_481 = arith.addi %and3A_478, %add3A_480 : vector<16xi32>
          tpu.vector_store_idx %arg7[%add3A_481, %iota3A], %add3A_475 masked %ge3A_469 : memref<64x16xi32, #tpu.memory_space<vmem>>[vector<16xi32>, vector<16xi32>], vector<16xi32>, vector<16xi1>
          %convert_element_type3A_482 = arith.extui %ge3A_469 : vector<16xi1> to vector<16xi32>
          %add3A_483 = arith.addi %add3A_453, %convert_element_type3A_482 : vector<16xi32>
          %ge3A_484 = arith.cmpf oge, %get3A_282, %add3A_172 : vector<16xf32>
          %add3A_485 = arith.constant 12 : i32
          %add3A_486 = arith.addi %mul3A_191, %add3A_485 : i32
          %mul3A_487 = arith.constant 16 : i32
          %mul3A_488 = arith.muli %add3A_486, %mul3A_487 : i32
          %add3A_489 = vector.broadcast %mul3A_488 : i32 to vector<16xi32>
          %add3A_490 = arith.addi %iota3A, %add3A_489 : vector<16xi32>
          %and3A_491 = arith.constant 31 : i32
          %and3A_492 = vector.broadcast %and3A_491 : i32 to vector<16xi32>
          %and3A_493 = arith.andi %add3A_468, %and3A_492 : vector<16xi32>
          %add3A_494 = arith.constant 0 : i32
          %add3A_495 = vector.broadcast %add3A_494 : i32 to vector<16xi32>
          %add3A_496 = arith.addi %and3A_493, %add3A_495 : vector<16xi32>
          tpu.vector_store_idx %arg7[%add3A_496, %iota3A], %add3A_490 masked %ge3A_484 : memref<64x16xi32, #tpu.memory_space<vmem>>[vector<16xi32>, vector<16xi32>], vector<16xi32>, vector<16xi1>
          %convert_element_type3A_497 = arith.extui %ge3A_484 : vector<16xi1> to vector<16xi32>
          %add3A_498 = arith.addi %add3A_468, %convert_element_type3A_497 : vector<16xi32>
          %ge3A_499 = arith.cmpf oge, %get3A_289, %add3A_172 : vector<16xf32>
          %add3A_500 = arith.constant 13 : i32
          %add3A_501 = arith.addi %mul3A_191, %add3A_500 : i32
          %mul3A_502 = arith.constant 16 : i32
          %mul3A_503 = arith.muli %add3A_501, %mul3A_502 : i32
          %add3A_504 = vector.broadcast %mul3A_503 : i32 to vector<16xi32>
          %add3A_505 = arith.addi %iota3A, %add3A_504 : vector<16xi32>
          %and3A_506 = arith.constant 31 : i32
          %and3A_507 = vector.broadcast %and3A_506 : i32 to vector<16xi32>
          %and3A_508 = arith.andi %add3A_483, %and3A_507 : vector<16xi32>
          %add3A_509 = arith.constant 32 : i32
          %add3A_510 = vector.broadcast %add3A_509 : i32 to vector<16xi32>
          %add3A_511 = arith.addi %and3A_508, %add3A_510 : vector<16xi32>
          tpu.vector_store_idx %arg7[%add3A_511, %iota3A], %add3A_505 masked %ge3A_499 : memref<64x16xi32, #tpu.memory_space<vmem>>[vector<16xi32>, vector<16xi32>], vector<16xi32>, vector<16xi1>
          %convert_element_type3A_512 = arith.extui %ge3A_499 : vector<16xi1> to vector<16xi32>
          %add3A_513 = arith.addi %add3A_483, %convert_element_type3A_512 : vector<16xi32>
          %ge3A_514 = arith.cmpf oge, %get3A_296, %add3A_172 : vector<16xf32>
          %add3A_515 = arith.constant 14 : i32
          %add3A_516 = arith.addi %mul3A_191, %add3A_515 : i32
          %mul3A_517 = arith.constant 16 : i32
          %mul3A_518 = arith.muli %add3A_516, %mul3A_517 : i32
          %add3A_519 = vector.broadcast %mul3A_518 : i32 to vector<16xi32>
          %add3A_520 = arith.addi %iota3A, %add3A_519 : vector<16xi32>
          %and3A_521 = arith.constant 31 : i32
          %and3A_522 = vector.broadcast %and3A_521 : i32 to vector<16xi32>
          %and3A_523 = arith.andi %add3A_498, %and3A_522 : vector<16xi32>
          %add3A_524 = arith.constant 0 : i32
          %add3A_525 = vector.broadcast %add3A_524 : i32 to vector<16xi32>
          %add3A_526 = arith.addi %and3A_523, %add3A_525 : vector<16xi32>
          tpu.vector_store_idx %arg7[%add3A_526, %iota3A], %add3A_520 masked %ge3A_514 : memref<64x16xi32, #tpu.memory_space<vmem>>[vector<16xi32>, vector<16xi32>], vector<16xi32>, vector<16xi1>
          %convert_element_type3A_527 = arith.extui %ge3A_514 : vector<16xi1> to vector<16xi32>
          %add3A_528 = arith.addi %add3A_498, %convert_element_type3A_527 : vector<16xi32>
          %ge3A_529 = arith.cmpf oge, %get3A_303, %add3A_172 : vector<16xf32>
          %add3A_530 = arith.constant 15 : i32
          %add3A_531 = arith.addi %mul3A_191, %add3A_530 : i32
          %mul3A_532 = arith.constant 16 : i32
          %mul3A_533 = arith.muli %add3A_531, %mul3A_532 : i32
          %add3A_534 = vector.broadcast %mul3A_533 : i32 to vector<16xi32>
          %add3A_535 = arith.addi %iota3A, %add3A_534 : vector<16xi32>
          %and3A_536 = arith.constant 31 : i32
          %and3A_537 = vector.broadcast %and3A_536 : i32 to vector<16xi32>
          %and3A_538 = arith.andi %add3A_513, %and3A_537 : vector<16xi32>
          %add3A_539 = arith.constant 32 : i32
          %add3A_540 = vector.broadcast %add3A_539 : i32 to vector<16xi32>
          %add3A_541 = arith.addi %and3A_538, %add3A_540 : vector<16xi32>
          tpu.vector_store_idx %arg7[%add3A_541, %iota3A], %add3A_535 masked %ge3A_529 : memref<64x16xi32, #tpu.memory_space<vmem>>[vector<16xi32>, vector<16xi32>], vector<16xi32>, vector<16xi1>
          %convert_element_type3A_542 = arith.extui %ge3A_529 : vector<16xi1> to vector<16xi32>
          %add3A_543 = arith.addi %add3A_513, %convert_element_type3A_542 : vector<16xi32>
          scf.yield %add3A_528, %add3A_543 : vector<16xi32>, vector<16xi32>
        }
        %scan3A_178 = arith.constant 128 : i32
        %swap3A_179 = arith.constant 0 : i32
        %swap3A_180 = arith.index_cast %swap3A_179 : i32 to index
        %swap3A_181 = arith.constant 0 : index
        %swap3A_182 = tpu.vector_load %arg8[%swap3A_180, %swap3A_181] {strides = array<i32>} : memref<2x16xi32, #tpu.memory_space<vmem>>, vector<16xi32>,
        tpu.vector_store %arg8[%swap3A_180, %swap3A_181], %scan3A_177#0 {strides = array<i32>} : memref<2x16xi32, #tpu.memory_space<vmem>>, vector<16xi32>,
        %swap3A_183 = arith.constant 1 : i32
        %swap3A_184 = arith.index_cast %swap3A_183 : i32 to index
        %swap3A_185 = arith.constant 0 : index
        %swap3A_186 = tpu.vector_load %arg8[%swap3A_184, %swap3A_185] {strides = array<i32>} : memref<2x16xi32, #tpu.memory_space<vmem>>, vector<16xi32>,
        tpu.vector_store %arg8[%swap3A_184, %swap3A_185], %scan3A_177#1 {strides = array<i32>} : memref<2x16xi32, #tpu.memory_space<vmem>>, vector<16xi32>,
      } else {
      }
      %get3A = arith.constant 0 : i32
      %get3A_82 = arith.index_cast %get3A : i32 to index
      %get3A_83 = arith.constant 0 : index
      %get3A_84 = tpu.vector_load %arg8[%get3A_82, %get3A_83] {strides = array<i32>} : memref<2x16xi32, #tpu.memory_space<vmem>>, vector<16xi32>,
      %get3A_85 = arith.constant 1 : i32
      %get3A_86 = arith.index_cast %get3A_85 : i32 to index
      %get3A_87 = arith.constant 0 : index
      %get3A_88 = tpu.vector_load %arg8[%get3A_86, %get3A_87] {strides = array<i32>} : memref<2x16xi32, #tpu.memory_space<vmem>>, vector<16xi32>,
      %reduce_max3A_89 = arith.constant true
      %reduce_max3A_90 = vector.broadcast %reduce_max3A_89 : i1 to vector<16xi1>
      %reduce_max3A_91 = arith.constant -2147483648 : i32
      %reduce_max3A_92 = vector.broadcast %reduce_max3A_91 : i32 to vector<16xi32>
      %reduce_max3A_93 = arith.xori %get3A_84, %reduce_max3A_92 : vector<16xi32>
      %reduce_max3A_94 = tpu.scan <max>, %reduce_max3A_93 masked %reduce_max3A_90 : vector<16xi32>, vector<16xi1> -> vector<16xi32>
      %reduce_max3A_95 = arith.xori %reduce_max3A_94, %reduce_max3A_92 : vector<16xi32>
      %reduce_max3A_96 = vector.extract %reduce_max3A_95[15] : i32 from vector<16xi32>
      %min3A = arith.constant 32 : i32
      %min3A_97 = arith.minsi %reduce_max3A_96, %min3A : i32
      %while3A = arith.constant 0 : i32
      %while3A_98 = arith.constant 0 : i32
      %while3A_99 = arith.subi %min3A_97, %while3A : i32
      %while3A_100 = arith.addi %while3A, %while3A_99 : i32
      %while3A_101 = arith.constant 1 : i32
      %while3A_102 = arith.divsi %while3A_99, %while3A_101 : i32
      %while3A_103 = arith.muli %while3A_102, %while3A_101 : i32
      %while3A_104 = arith.addi %while3A, %while3A_103 : i32
      %while3A_105 = arith.constant 1 : i32
      %while3A_106 = scf.for %while3A_160 = %while3A to %while3A_104 step %while3A_105 iter_args(%while3A_161 = %while3A_98) -> (i32)  : i32 {
        %add3A_162 = arith.constant 0 : i32
        %add3A_163 = arith.addi %add3A_162, %while3A_160 : i32
        %get3A_164 = arith.index_cast %add3A_163 : i32 to index
        %get3A_165 = arith.constant 0 : index
        %get3A_166 = tpu.vector_load %arg7[%get3A_164, %get3A_165] {strides = array<i32>} : memref<64x16xi32, #tpu.memory_space<vmem>>, vector<16xi32>,
        %gt3A = vector.broadcast %while3A_160 : i32 to vector<16xi32>
        %gt3A_167 = arith.cmpi sgt, %get3A_84, %gt3A : vector<16xi32>
        %add3A_168 = vector.broadcast %mul3A_30 : i32 to vector<16xi32>
        %add3A_169 = arith.addi %add3A_168, %get3A_166 : vector<16xi32>
        %gather3A = tpu.vector_load_idx %arg5[%add3A_169] masked %gt3A_167 : memref<65536xf32, #tpu.memory_space<vmem>>[vector<16xi32>], vector<16xf32>, vector<16xi1>
        %jit3A = arith.constant 0xFF800000 : f32
        %broadcast_in_dim3A_170 = vector.broadcast %jit3A : f32 to vector<16xf32>
        %select_n3A = arith.select %gt3A_167, %gather3A, %broadcast_in_dim3A_170 : vector<16xi1>, vector<16xf32>
        %add3A_171 = arith.constant 0 : i32
        %add3A_172 = arith.addi %add3A_171, %while3A_160 : i32
        %swap3A_173 = arith.index_cast %add3A_172 : i32 to index
        %swap3A_174 = arith.constant 0 : index
        %swap3A_175 = tpu.vector_load %arg6[%swap3A_173, %swap3A_174] {strides = array<i32>} : memref<64x16xf32, #tpu.memory_space<vmem>>, vector<16xf32>,
        tpu.vector_store %arg6[%swap3A_173, %swap3A_174], %select_n3A {strides = array<i32>} : memref<64x16xf32, #tpu.memory_space<vmem>>, vector<16xf32>,
        %while3A_176 = arith.constant 0 : i32
        scf.yield %while3A_176 : i32
      }
      %while3A_107 = arith.constant 1 : i32
      %while3A_108 = scf.for %while3A_160 = %while3A_104 to %while3A_100 step %while3A_107 iter_args(%while3A_161 = %while3A_106) -> (i32)  : i32 {
        %add3A_162 = arith.constant 0 : i32
        %add3A_163 = arith.addi %add3A_162, %while3A_160 : i32
        %get3A_164 = arith.index_cast %add3A_163 : i32 to index
        %get3A_165 = arith.constant 0 : index
        %get3A_166 = tpu.vector_load %arg7[%get3A_164, %get3A_165] {strides = array<i32>} : memref<64x16xi32, #tpu.memory_space<vmem>>, vector<16xi32>,
        %gt3A = vector.broadcast %while3A_160 : i32 to vector<16xi32>
        %gt3A_167 = arith.cmpi sgt, %get3A_84, %gt3A : vector<16xi32>
        %add3A_168 = vector.broadcast %mul3A_30 : i32 to vector<16xi32>
        %add3A_169 = arith.addi %add3A_168, %get3A_166 : vector<16xi32>
        %gather3A = tpu.vector_load_idx %arg5[%add3A_169] masked %gt3A_167 : memref<65536xf32, #tpu.memory_space<vmem>>[vector<16xi32>], vector<16xf32>, vector<16xi1>
        %jit3A = arith.constant 0xFF800000 : f32
        %broadcast_in_dim3A_170 = vector.broadcast %jit3A : f32 to vector<16xf32>
        %select_n3A = arith.select %gt3A_167, %gather3A, %broadcast_in_dim3A_170 : vector<16xi1>, vector<16xf32>
        %add3A_171 = arith.constant 0 : i32
        %add3A_172 = arith.addi %add3A_171, %while3A_160 : i32
        %swap3A_173 = arith.index_cast %add3A_172 : i32 to index
        %swap3A_174 = arith.constant 0 : index
        %swap3A_175 = tpu.vector_load %arg6[%swap3A_173, %swap3A_174] {strides = array<i32>} : memref<64x16xf32, #tpu.memory_space<vmem>>, vector<16xf32>,
        tpu.vector_store %arg6[%swap3A_173, %swap3A_174], %select_n3A {strides = array<i32>} : memref<64x16xf32, #tpu.memory_space<vmem>>, vector<16xf32>,
        %while3A_176 = arith.constant 0 : i32
        scf.yield %while3A_176 : i32
      }
      %while3A_109 = arith.constant 0 : i32
      %while3A_110 = arith.constant 0 : i32
      %while3A_111 = arith.subi %min3A_97, %while3A_110 : i32
      %while3A_112 = arith.addi %while3A_110, %while3A_111 : i32
      %while3A_113 = arith.constant 1 : i32
      %while3A_114 = arith.divsi %while3A_111, %while3A_113 : i32
      %while3A_115 = arith.muli %while3A_114, %while3A_113 : i32
      %while3A_116 = arith.addi %while3A_110, %while3A_115 : i32
      %while3A_117 = arith.constant 1 : i32
      scf.for %while3A_160 = %while3A_110 to %while3A_116 step %while3A_117  : i32 {
        %sub3A = arith.constant 1 : i32
        %sub3A_161 = arith.subi %min3A_97, %sub3A : i32
        %while3A_162 = arith.constant 0 : i32
        %while3A_163 = arith.subi %sub3A_161, %while3A_162 : i32
        %while3A_164 = arith.addi %while3A_162, %while3A_163 : i32
        %while3A_165 = arith.constant 1 : i32
        %while3A_166 = arith.divsi %while3A_163, %while3A_165 : i32
        %while3A_167 = arith.muli %while3A_166, %while3A_165 : i32
        %while3A_168 = arith.addi %while3A_162, %while3A_167 : i32
        %while3A_169 = arith.constant 1 : i32
        scf.for %while3A_171 = %while3A_162 to %while3A_168 step %while3A_169  : i32 {
          %add3A_172 = arith.constant 0 : i32
          %add3A_173 = arith.addi %add3A_172, %while3A_171 : i32
          %get3A_174 = arith.index_cast %add3A_173 : i32 to index
          %get3A_175 = arith.constant 0 : index
          %get3A_176 = tpu.vector_load %arg6[%get3A_174, %get3A_175] {strides = array<i32>} : memref<64x16xf32, #tpu.memory_space<vmem>>, vector<16xf32>,
          %add3A_177 = arith.constant 1 : i32
          %add3A_178 = arith.addi %add3A_173, %add3A_177 : i32
          %get3A_179 = arith.index_cast %add3A_178 : i32 to index
          %get3A_180 = arith.constant 0 : index
          %get3A_181 = tpu.vector_load %arg6[%get3A_179, %get3A_180] {strides = array<i32>} : memref<64x16xf32, #tpu.memory_space<vmem>>, vector<16xf32>,
          %get3A_182 = arith.index_cast %add3A_173 : i32 to index
          %get3A_183 = arith.constant 0 : index
          %get3A_184 = tpu.vector_load %arg7[%get3A_182, %get3A_183] {strides = array<i32>} : memref<64x16xi32, #tpu.memory_space<vmem>>, vector<16xi32>,
          %add3A_185 = arith.constant 1 : i32
          %add3A_186 = arith.addi %add3A_173, %add3A_185 : i32
          %get3A_187 = arith.index_cast %add3A_186 : i32 to index
          %get3A_188 = arith.constant 0 : index
          %get3A_189 = tpu.vector_load %arg7[%get3A_187, %get3A_188] {strides = array<i32>} : memref<64x16xi32, #tpu.memory_space<vmem>>, vector<16xi32>,
          %gt3A = arith.cmpf ogt, %get3A_181, %get3A_176 : vector<16xf32>
          %select_n3A = arith.select %gt3A, %get3A_181, %get3A_176 : vector<16xi1>, vector<16xf32>
          %swap3A_190 = arith.index_cast %add3A_173 : i32 to index
          %swap3A_191 = arith.constant 0 : index
          %swap3A_192 = tpu.vector_load %arg6[%swap3A_190, %swap3A_191] {strides = array<i32>} : memref<64x16xf32, #tpu.memory_space<vmem>>, vector<16xf32>,
          tpu.vector_store %arg6[%swap3A_190, %swap3A_191], %select_n3A {strides = array<i32>} : memref<64x16xf32, #tpu.memory_space<vmem>>, vector<16xf32>,
          %select_n3A_193 = arith.select %gt3A, %get3A_176, %get3A_181 : vector<16xi1>, vector<16xf32>
          %add3A_194 = arith.constant 1 : i32
          %add3A_195 = arith.addi %add3A_173, %add3A_194 : i32
          %swap3A_196 = arith.index_cast %add3A_195 : i32 to index
          %swap3A_197 = arith.constant 0 : index
          %swap3A_198 = tpu.vector_load %arg6[%swap3A_196, %swap3A_197] {strides = array<i32>} : memref<64x16xf32, #tpu.memory_space<vmem>>, vector<16xf32>,
          tpu.vector_store %arg6[%swap3A_196, %swap3A_197], %select_n3A_193 {strides = array<i32>} : memref<64x16xf32, #tpu.memory_space<vmem>>, vector<16xf32>,
          %select_n3A_199 = arith.select %gt3A, %get3A_189, %get3A_184 : vector<16xi1>, vector<16xi32>
          %swap3A_200 = arith.index_cast %add3A_173 : i32 to index
          %swap3A_201 = arith.constant 0 : index
          %swap3A_202 = tpu.vector_load %arg7[%swap3A_200, %swap3A_201] {strides = array<i32>} : memref<64x16xi32, #tpu.memory_space<vmem>>, vector<16xi32>,
          tpu.vector_store %arg7[%swap3A_200, %swap3A_201], %select_n3A_199 {strides = array<i32>} : memref<64x16xi32, #tpu.memory_space<vmem>>, vector<16xi32>,
          %select_n3A_203 = arith.select %gt3A, %get3A_184, %get3A_189 : vector<16xi1>, vector<16xi32>
          %add3A_204 = arith.constant 1 : i32
          %add3A_205 = arith.addi %add3A_173, %add3A_204 : i32
          %swap3A_206 = arith.index_cast %add3A_205 : i32 to index
          %swap3A_207 = arith.constant 0 : index
          %swap3A_208 = tpu.vector_load %arg7[%swap3A_206, %swap3A_207] {strides = array<i32>} : memref<64x16xi32, #tpu.memory_space<vmem>>, vector<16xi32>,
          tpu.vector_store %arg7[%swap3A_206, %swap3A_207], %select_n3A_203 {strides = array<i32>} : memref<64x16xi32, #tpu.memory_space<vmem>>, vector<16xi32>,
        }
        %while3A_170 = arith.constant 1 : i32
        scf.for %while3A_171 = %while3A_168 to %while3A_164 step %while3A_170  : i32 {
          %add3A_172 = arith.constant 0 : i32
          %add3A_173 = arith.addi %add3A_172, %while3A_171 : i32
          %get3A_174 = arith.index_cast %add3A_173 : i32 to index
          %get3A_175 = arith.constant 0 : index
          %get3A_176 = tpu.vector_load %arg6[%get3A_174, %get3A_175] {strides = array<i32>} : memref<64x16xf32, #tpu.memory_space<vmem>>, vector<16xf32>,
          %add3A_177 = arith.constant 1 : i32
          %add3A_178 = arith.addi %add3A_173, %add3A_177 : i32
          %get3A_179 = arith.index_cast %add3A_178 : i32 to index
          %get3A_180 = arith.constant 0 : index
          %get3A_181 = tpu.vector_load %arg6[%get3A_179, %get3A_180] {strides = array<i32>} : memref<64x16xf32, #tpu.memory_space<vmem>>, vector<16xf32>,
          %get3A_182 = arith.index_cast %add3A_173 : i32 to index
          %get3A_183 = arith.constant 0 : index
          %get3A_184 = tpu.vector_load %arg7[%get3A_182, %get3A_183] {strides = array<i32>} : memref<64x16xi32, #tpu.memory_space<vmem>>, vector<16xi32>,
          %add3A_185 = arith.constant 1 : i32
          %add3A_186 = arith.addi %add3A_173, %add3A_185 : i32
          %get3A_187 = arith.index_cast %add3A_186 : i32 to index
          %get3A_188 = arith.constant 0 : index
          %get3A_189 = tpu.vector_load %arg7[%get3A_187, %get3A_188] {strides = array<i32>} : memref<64x16xi32, #tpu.memory_space<vmem>>, vector<16xi32>,
          %gt3A = arith.cmpf ogt, %get3A_181, %get3A_176 : vector<16xf32>
          %select_n3A = arith.select %gt3A, %get3A_181, %get3A_176 : vector<16xi1>, vector<16xf32>
          %swap3A_190 = arith.index_cast %add3A_173 : i32 to index
          %swap3A_191 = arith.constant 0 : index
          %swap3A_192 = tpu.vector_load %arg6[%swap3A_190, %swap3A_191] {strides = array<i32>} : memref<64x16xf32, #tpu.memory_space<vmem>>, vector<16xf32>,
          tpu.vector_store %arg6[%swap3A_190, %swap3A_191], %select_n3A {strides = array<i32>} : memref<64x16xf32, #tpu.memory_space<vmem>>, vector<16xf32>,
          %select_n3A_193 = arith.select %gt3A, %get3A_176, %get3A_181 : vector<16xi1>, vector<16xf32>
          %add3A_194 = arith.constant 1 : i32
          %add3A_195 = arith.addi %add3A_173, %add3A_194 : i32
          %swap3A_196 = arith.index_cast %add3A_195 : i32 to index
          %swap3A_197 = arith.constant 0 : index
          %swap3A_198 = tpu.vector_load %arg6[%swap3A_196, %swap3A_197] {strides = array<i32>} : memref<64x16xf32, #tpu.memory_space<vmem>>, vector<16xf32>,
          tpu.vector_store %arg6[%swap3A_196, %swap3A_197], %select_n3A_193 {strides = array<i32>} : memref<64x16xf32, #tpu.memory_space<vmem>>, vector<16xf32>,
          %select_n3A_199 = arith.select %gt3A, %get3A_189, %get3A_184 : vector<16xi1>, vector<16xi32>
          %swap3A_200 = arith.index_cast %add3A_173 : i32 to index
          %swap3A_201 = arith.constant 0 : index
          %swap3A_202 = tpu.vector_load %arg7[%swap3A_200, %swap3A_201] {strides = array<i32>} : memref<64x16xi32, #tpu.memory_space<vmem>>, vector<16xi32>,
          tpu.vector_store %arg7[%swap3A_200, %swap3A_201], %select_n3A_199 {strides = array<i32>} : memref<64x16xi32, #tpu.memory_space<vmem>>, vector<16xi32>,
          %select_n3A_203 = arith.select %gt3A, %get3A_184, %get3A_189 : vector<16xi1>, vector<16xi32>
          %add3A_204 = arith.constant 1 : i32
          %add3A_205 = arith.addi %add3A_173, %add3A_204 : i32
          %swap3A_206 = arith.index_cast %add3A_205 : i32 to index
          %swap3A_207 = arith.constant 0 : index
          %swap3A_208 = tpu.vector_load %arg7[%swap3A_206, %swap3A_207] {strides = array<i32>} : memref<64x16xi32, #tpu.memory_space<vmem>>, vector<16xi32>,
          tpu.vector_store %arg7[%swap3A_206, %swap3A_207], %select_n3A_203 {strides = array<i32>} : memref<64x16xi32, #tpu.memory_space<vmem>>, vector<16xi32>,
        }
      }
      %while3A_118 = arith.constant 1 : i32
      scf.for %while3A_160 = %while3A_116 to %while3A_112 step %while3A_118  : i32 {
        %sub3A = arith.constant 1 : i32
        %sub3A_161 = arith.subi %min3A_97, %sub3A : i32
        %while3A_162 = arith.constant 0 : i32
        %while3A_163 = arith.subi %sub3A_161, %while3A_162 : i32
        %while3A_164 = arith.addi %while3A_162, %while3A_163 : i32
        %while3A_165 = arith.constant 1 : i32
        %while3A_166 = arith.divsi %while3A_163, %while3A_165 : i32
        %while3A_167 = arith.muli %while3A_166, %while3A_165 : i32
        %while3A_168 = arith.addi %while3A_162, %while3A_167 : i32
        %while3A_169 = arith.constant 1 : i32
        scf.for %while3A_171 = %while3A_162 to %while3A_168 step %while3A_169  : i32 {
          %add3A_172 = arith.constant 0 : i32
          %add3A_173 = arith.addi %add3A_172, %while3A_171 : i32
          %get3A_174 = arith.index_cast %add3A_173 : i32 to index
          %get3A_175 = arith.constant 0 : index
          %get3A_176 = tpu.vector_load %arg6[%get3A_174, %get3A_175] {strides = array<i32>} : memref<64x16xf32, #tpu.memory_space<vmem>>, vector<16xf32>,
          %add3A_177 = arith.constant 1 : i32
          %add3A_178 = arith.addi %add3A_173, %add3A_177 : i32
          %get3A_179 = arith.index_cast %add3A_178 : i32 to index
          %get3A_180 = arith.constant 0 : index
          %get3A_181 = tpu.vector_load %arg6[%get3A_179, %get3A_180] {strides = array<i32>} : memref<64x16xf32, #tpu.memory_space<vmem>>, vector<16xf32>,
          %get3A_182 = arith.index_cast %add3A_173 : i32 to index
          %get3A_183 = arith.constant 0 : index
          %get3A_184 = tpu.vector_load %arg7[%get3A_182, %get3A_183] {strides = array<i32>} : memref<64x16xi32, #tpu.memory_space<vmem>>, vector<16xi32>,
          %add3A_185 = arith.constant 1 : i32
          %add3A_186 = arith.addi %add3A_173, %add3A_185 : i32
          %get3A_187 = arith.index_cast %add3A_186 : i32 to index
          %get3A_188 = arith.constant 0 : index
          %get3A_189 = tpu.vector_load %arg7[%get3A_187, %get3A_188] {strides = array<i32>} : memref<64x16xi32, #tpu.memory_space<vmem>>, vector<16xi32>,
          %gt3A = arith.cmpf ogt, %get3A_181, %get3A_176 : vector<16xf32>
          %select_n3A = arith.select %gt3A, %get3A_181, %get3A_176 : vector<16xi1>, vector<16xf32>
          %swap3A_190 = arith.index_cast %add3A_173 : i32 to index
          %swap3A_191 = arith.constant 0 : index
          %swap3A_192 = tpu.vector_load %arg6[%swap3A_190, %swap3A_191] {strides = array<i32>} : memref<64x16xf32, #tpu.memory_space<vmem>>, vector<16xf32>,
          tpu.vector_store %arg6[%swap3A_190, %swap3A_191], %select_n3A {strides = array<i32>} : memref<64x16xf32, #tpu.memory_space<vmem>>, vector<16xf32>,
          %select_n3A_193 = arith.select %gt3A, %get3A_176, %get3A_181 : vector<16xi1>, vector<16xf32>
          %add3A_194 = arith.constant 1 : i32
          %add3A_195 = arith.addi %add3A_173, %add3A_194 : i32
          %swap3A_196 = arith.index_cast %add3A_195 : i32 to index
          %swap3A_197 = arith.constant 0 : index
          %swap3A_198 = tpu.vector_load %arg6[%swap3A_196, %swap3A_197] {strides = array<i32>} : memref<64x16xf32, #tpu.memory_space<vmem>>, vector<16xf32>,
          tpu.vector_store %arg6[%swap3A_196, %swap3A_197], %select_n3A_193 {strides = array<i32>} : memref<64x16xf32, #tpu.memory_space<vmem>>, vector<16xf32>,
          %select_n3A_199 = arith.select %gt3A, %get3A_189, %get3A_184 : vector<16xi1>, vector<16xi32>
          %swap3A_200 = arith.index_cast %add3A_173 : i32 to index
          %swap3A_201 = arith.constant 0 : index
          %swap3A_202 = tpu.vector_load %arg7[%swap3A_200, %swap3A_201] {strides = array<i32>} : memref<64x16xi32, #tpu.memory_space<vmem>>, vector<16xi32>,
          tpu.vector_store %arg7[%swap3A_200, %swap3A_201], %select_n3A_199 {strides = array<i32>} : memref<64x16xi32, #tpu.memory_space<vmem>>, vector<16xi32>,
          %select_n3A_203 = arith.select %gt3A, %get3A_184, %get3A_189 : vector<16xi1>, vector<16xi32>
          %add3A_204 = arith.constant 1 : i32
          %add3A_205 = arith.addi %add3A_173, %add3A_204 : i32
          %swap3A_206 = arith.index_cast %add3A_205 : i32 to index
          %swap3A_207 = arith.constant 0 : index
          %swap3A_208 = tpu.vector_load %arg7[%swap3A_206, %swap3A_207] {strides = array<i32>} : memref<64x16xi32, #tpu.memory_space<vmem>>, vector<16xi32>,
          tpu.vector_store %arg7[%swap3A_206, %swap3A_207], %select_n3A_203 {strides = array<i32>} : memref<64x16xi32, #tpu.memory_space<vmem>>, vector<16xi32>,
        }
        %while3A_170 = arith.constant 1 : i32
        scf.for %while3A_171 = %while3A_168 to %while3A_164 step %while3A_170  : i32 {
          %add3A_172 = arith.constant 0 : i32
          %add3A_173 = arith.addi %add3A_172, %while3A_171 : i32
          %get3A_174 = arith.index_cast %add3A_173 : i32 to index
          %get3A_175 = arith.constant 0 : index
          %get3A_176 = tpu.vector_load %arg6[%get3A_174, %get3A_175] {strides = array<i32>} : memref<64x16xf32, #tpu.memory_space<vmem>>, vector<16xf32>,
          %add3A_177 = arith.constant 1 : i32
          %add3A_178 = arith.addi %add3A_173, %add3A_177 : i32
          %get3A_179 = arith.index_cast %add3A_178 : i32 to index
          %get3A_180 = arith.constant 0 : index
          %get3A_181 = tpu.vector_load %arg6[%get3A_179, %get3A_180] {strides = array<i32>} : memref<64x16xf32, #tpu.memory_space<vmem>>, vector<16xf32>,
          %get3A_182 = arith.index_cast %add3A_173 : i32 to index
          %get3A_183 = arith.constant 0 : index
          %get3A_184 = tpu.vector_load %arg7[%get3A_182, %get3A_183] {strides = array<i32>} : memref<64x16xi32, #tpu.memory_space<vmem>>, vector<16xi32>,
          %add3A_185 = arith.constant 1 : i32
          %add3A_186 = arith.addi %add3A_173, %add3A_185 : i32
          %get3A_187 = arith.index_cast %add3A_186 : i32 to index
          %get3A_188 = arith.constant 0 : index
          %get3A_189 = tpu.vector_load %arg7[%get3A_187, %get3A_188] {strides = array<i32>} : memref<64x16xi32, #tpu.memory_space<vmem>>, vector<16xi32>,
          %gt3A = arith.cmpf ogt, %get3A_181, %get3A_176 : vector<16xf32>
          %select_n3A = arith.select %gt3A, %get3A_181, %get3A_176 : vector<16xi1>, vector<16xf32>
          %swap3A_190 = arith.index_cast %add3A_173 : i32 to index
          %swap3A_191 = arith.constant 0 : index
          %swap3A_192 = tpu.vector_load %arg6[%swap3A_190, %swap3A_191] {strides = array<i32>} : memref<64x16xf32, #tpu.memory_space<vmem>>, vector<16xf32>,
          tpu.vector_store %arg6[%swap3A_190, %swap3A_191], %select_n3A {strides = array<i32>} : memref<64x16xf32, #tpu.memory_space<vmem>>, vector<16xf32>,
          %select_n3A_193 = arith.select %gt3A, %get3A_176, %get3A_181 : vector<16xi1>, vector<16xf32>
          %add3A_194 = arith.constant 1 : i32
          %add3A_195 = arith.addi %add3A_173, %add3A_194 : i32
          %swap3A_196 = arith.index_cast %add3A_195 : i32 to index
          %swap3A_197 = arith.constant 0 : index
          %swap3A_198 = tpu.vector_load %arg6[%swap3A_196, %swap3A_197] {strides = array<i32>} : memref<64x16xf32, #tpu.memory_space<vmem>>, vector<16xf32>,
          tpu.vector_store %arg6[%swap3A_196, %swap3A_197], %select_n3A_193 {strides = array<i32>} : memref<64x16xf32, #tpu.memory_space<vmem>>, vector<16xf32>,
          %select_n3A_199 = arith.select %gt3A, %get3A_189, %get3A_184 : vector<16xi1>, vector<16xi32>
          %swap3A_200 = arith.index_cast %add3A_173 : i32 to index
          %swap3A_201 = arith.constant 0 : index
          %swap3A_202 = tpu.vector_load %arg7[%swap3A_200, %swap3A_201] {strides = array<i32>} : memref<64x16xi32, #tpu.memory_space<vmem>>, vector<16xi32>,
          tpu.vector_store %arg7[%swap3A_200, %swap3A_201], %select_n3A_199 {strides = array<i32>} : memref<64x16xi32, #tpu.memory_space<vmem>>, vector<16xi32>,
          %select_n3A_203 = arith.select %gt3A, %get3A_184, %get3A_189 : vector<16xi1>, vector<16xi32>
          %add3A_204 = arith.constant 1 : i32
          %add3A_205 = arith.addi %add3A_173, %add3A_204 : i32
          %swap3A_206 = arith.index_cast %add3A_205 : i32 to index
          %swap3A_207 = arith.constant 0 : index
          %swap3A_208 = tpu.vector_load %arg7[%swap3A_206, %swap3A_207] {strides = array<i32>} : memref<64x16xi32, #tpu.memory_space<vmem>>, vector<16xi32>,
          tpu.vector_store %arg7[%swap3A_206, %swap3A_207], %select_n3A_203 {strides = array<i32>} : memref<64x16xi32, #tpu.memory_space<vmem>>, vector<16xi32>,
        }
      }
      %reduce_max3A_119 = arith.constant true
      %reduce_max3A_120 = vector.broadcast %reduce_max3A_119 : i1 to vector<16xi1>
      %reduce_max3A_121 = arith.constant -2147483648 : i32
      %reduce_max3A_122 = vector.broadcast %reduce_max3A_121 : i32 to vector<16xi32>
      %reduce_max3A_123 = arith.xori %get3A_88, %reduce_max3A_122 : vector<16xi32>
      %reduce_max3A_124 = tpu.scan <max>, %reduce_max3A_123 masked %reduce_max3A_120 : vector<16xi32>, vector<16xi1> -> vector<16xi32>
      %reduce_max3A_125 = arith.xori %reduce_max3A_124, %reduce_max3A_122 : vector<16xi32>
      %reduce_max3A_126 = vector.extract %reduce_max3A_125[15] : i32 from vector<16xi32>
      %min3A_127 = arith.constant 32 : i32
      %min3A_128 = arith.minsi %reduce_max3A_126, %min3A_127 : i32
      %while3A_129 = arith.constant 0 : i32
      %while3A_130 = arith.constant 0 : i32
      %while3A_131 = arith.subi %min3A_128, %while3A_129 : i32
      %while3A_132 = arith.addi %while3A_129, %while3A_131 : i32
      %while3A_133 = arith.constant 1 : i32
      %while3A_134 = arith.divsi %while3A_131, %while3A_133 : i32
      %while3A_135 = arith.muli %while3A_134, %while3A_133 : i32
      %while3A_136 = arith.addi %while3A_129, %while3A_135 : i32
      %while3A_137 = arith.constant 1 : i32
      %while3A_138 = scf.for %while3A_160 = %while3A_129 to %while3A_136 step %while3A_137 iter_args(%while3A_161 = %while3A_130) -> (i32)  : i32 {
        %add3A_162 = arith.constant 32 : i32
        %add3A_163 = arith.addi %add3A_162, %while3A_160 : i32
        %get3A_164 = arith.index_cast %add3A_163 : i32 to index
        %get3A_165 = arith.constant 0 : index
        %get3A_166 = tpu.vector_load %arg7[%get3A_164, %get3A_165] {strides = array<i32>} : memref<64x16xi32, #tpu.memory_space<vmem>>, vector<16xi32>,
        %gt3A = vector.broadcast %while3A_160 : i32 to vector<16xi32>
        %gt3A_167 = arith.cmpi sgt, %get3A_88, %gt3A : vector<16xi32>
        %add3A_168 = vector.broadcast %mul3A_30 : i32 to vector<16xi32>
        %add3A_169 = arith.addi %add3A_168, %get3A_166 : vector<16xi32>
        %gather3A = tpu.vector_load_idx %arg5[%add3A_169] masked %gt3A_167 : memref<65536xf32, #tpu.memory_space<vmem>>[vector<16xi32>], vector<16xf32>, vector<16xi1>
        %jit3A = arith.constant 0xFF800000 : f32
        %broadcast_in_dim3A_170 = vector.broadcast %jit3A : f32 to vector<16xf32>
        %select_n3A = arith.select %gt3A_167, %gather3A, %broadcast_in_dim3A_170 : vector<16xi1>, vector<16xf32>
        %add3A_171 = arith.constant 32 : i32
        %add3A_172 = arith.addi %add3A_171, %while3A_160 : i32
        %swap3A_173 = arith.index_cast %add3A_172 : i32 to index
        %swap3A_174 = arith.constant 0 : index
        %swap3A_175 = tpu.vector_load %arg6[%swap3A_173, %swap3A_174] {strides = array<i32>} : memref<64x16xf32, #tpu.memory_space<vmem>>, vector<16xf32>,
        tpu.vector_store %arg6[%swap3A_173, %swap3A_174], %select_n3A {strides = array<i32>} : memref<64x16xf32, #tpu.memory_space<vmem>>, vector<16xf32>,
        %while3A_176 = arith.constant 0 : i32
        scf.yield %while3A_176 : i32
      }
      %while3A_139 = arith.constant 1 : i32
      %while3A_140 = scf.for %while3A_160 = %while3A_136 to %while3A_132 step %while3A_139 iter_args(%while3A_161 = %while3A_138) -> (i32)  : i32 {
        %add3A_162 = arith.constant 32 : i32
        %add3A_163 = arith.addi %add3A_162, %while3A_160 : i32
        %get3A_164 = arith.index_cast %add3A_163 : i32 to index
        %get3A_165 = arith.constant 0 : index
        %get3A_166 = tpu.vector_load %arg7[%get3A_164, %get3A_165] {strides = array<i32>} : memref<64x16xi32, #tpu.memory_space<vmem>>, vector<16xi32>,
        %gt3A = vector.broadcast %while3A_160 : i32 to vector<16xi32>
        %gt3A_167 = arith.cmpi sgt, %get3A_88, %gt3A : vector<16xi32>
        %add3A_168 = vector.broadcast %mul3A_30 : i32 to vector<16xi32>
        %add3A_169 = arith.addi %add3A_168, %get3A_166 : vector<16xi32>
        %gather3A = tpu.vector_load_idx %arg5[%add3A_169] masked %gt3A_167 : memref<65536xf32, #tpu.memory_space<vmem>>[vector<16xi32>], vector<16xf32>, vector<16xi1>
        %jit3A = arith.constant 0xFF800000 : f32
        %broadcast_in_dim3A_170 = vector.broadcast %jit3A : f32 to vector<16xf32>
        %select_n3A = arith.select %gt3A_167, %gather3A, %broadcast_in_dim3A_170 : vector<16xi1>, vector<16xf32>
        %add3A_171 = arith.constant 32 : i32
        %add3A_172 = arith.addi %add3A_171, %while3A_160 : i32
        %swap3A_173 = arith.index_cast %add3A_172 : i32 to index
        %swap3A_174 = arith.constant 0 : index
        %swap3A_175 = tpu.vector_load %arg6[%swap3A_173, %swap3A_174] {strides = array<i32>} : memref<64x16xf32, #tpu.memory_space<vmem>>, vector<16xf32>,
        tpu.vector_store %arg6[%swap3A_173, %swap3A_174], %select_n3A {strides = array<i32>} : memref<64x16xf32, #tpu.memory_space<vmem>>, vector<16xf32>,
        %while3A_176 = arith.constant 0 : i32
        scf.yield %while3A_176 : i32
      }
      %while3A_141 = arith.constant 0 : i32
      %while3A_142 = arith.constant 0 : i32
      %while3A_143 = arith.subi %min3A_128, %while3A_142 : i32
      %while3A_144 = arith.addi %while3A_142, %while3A_143 : i32
      %while3A_145 = arith.constant 1 : i32
      %while3A_146 = arith.divsi %while3A_143, %while3A_145 : i32
      %while3A_147 = arith.muli %while3A_146, %while3A_145 : i32
      %while3A_148 = arith.addi %while3A_142, %while3A_147 : i32
      %while3A_149 = arith.constant 1 : i32
      scf.for %while3A_160 = %while3A_142 to %while3A_148 step %while3A_149  : i32 {
        %sub3A = arith.constant 1 : i32
        %sub3A_161 = arith.subi %min3A_128, %sub3A : i32
        %while3A_162 = arith.constant 0 : i32
        %while3A_163 = arith.subi %sub3A_161, %while3A_162 : i32
        %while3A_164 = arith.addi %while3A_162, %while3A_163 : i32
        %while3A_165 = arith.constant 1 : i32
        %while3A_166 = arith.divsi %while3A_163, %while3A_165 : i32
        %while3A_167 = arith.muli %while3A_166, %while3A_165 : i32
        %while3A_168 = arith.addi %while3A_162, %while3A_167 : i32
        %while3A_169 = arith.constant 1 : i32
        scf.for %while3A_171 = %while3A_162 to %while3A_168 step %while3A_169  : i32 {
          %add3A_172 = arith.constant 32 : i32
          %add3A_173 = arith.addi %add3A_172, %while3A_171 : i32
          %get3A_174 = arith.index_cast %add3A_173 : i32 to index
          %get3A_175 = arith.constant 0 : index
          %get3A_176 = tpu.vector_load %arg6[%get3A_174, %get3A_175] {strides = array<i32>} : memref<64x16xf32, #tpu.memory_space<vmem>>, vector<16xf32>,
          %add3A_177 = arith.constant 1 : i32
          %add3A_178 = arith.addi %add3A_173, %add3A_177 : i32
          %get3A_179 = arith.index_cast %add3A_178 : i32 to index
          %get3A_180 = arith.constant 0 : index
          %get3A_181 = tpu.vector_load %arg6[%get3A_179, %get3A_180] {strides = array<i32>} : memref<64x16xf32, #tpu.memory_space<vmem>>, vector<16xf32>,
          %get3A_182 = arith.index_cast %add3A_173 : i32 to index
          %get3A_183 = arith.constant 0 : index
          %get3A_184 = tpu.vector_load %arg7[%get3A_182, %get3A_183] {strides = array<i32>} : memref<64x16xi32, #tpu.memory_space<vmem>>, vector<16xi32>,
          %add3A_185 = arith.constant 1 : i32
          %add3A_186 = arith.addi %add3A_173, %add3A_185 : i32
          %get3A_187 = arith.index_cast %add3A_186 : i32 to index
          %get3A_188 = arith.constant 0 : index
          %get3A_189 = tpu.vector_load %arg7[%get3A_187, %get3A_188] {strides = array<i32>} : memref<64x16xi32, #tpu.memory_space<vmem>>, vector<16xi32>,
          %gt3A = arith.cmpf ogt, %get3A_181, %get3A_176 : vector<16xf32>
          %select_n3A = arith.select %gt3A, %get3A_181, %get3A_176 : vector<16xi1>, vector<16xf32>
          %swap3A_190 = arith.index_cast %add3A_173 : i32 to index
          %swap3A_191 = arith.constant 0 : index
          %swap3A_192 = tpu.vector_load %arg6[%swap3A_190, %swap3A_191] {strides = array<i32>} : memref<64x16xf32, #tpu.memory_space<vmem>>, vector<16xf32>,
          tpu.vector_store %arg6[%swap3A_190, %swap3A_191], %select_n3A {strides = array<i32>} : memref<64x16xf32, #tpu.memory_space<vmem>>, vector<16xf32>,
          %select_n3A_193 = arith.select %gt3A, %get3A_176, %get3A_181 : vector<16xi1>, vector<16xf32>
          %add3A_194 = arith.constant 1 : i32
          %add3A_195 = arith.addi %add3A_173, %add3A_194 : i32
          %swap3A_196 = arith.index_cast %add3A_195 : i32 to index
          %swap3A_197 = arith.constant 0 : index
          %swap3A_198 = tpu.vector_load %arg6[%swap3A_196, %swap3A_197] {strides = array<i32>} : memref<64x16xf32, #tpu.memory_space<vmem>>, vector<16xf32>,
          tpu.vector_store %arg6[%swap3A_196, %swap3A_197], %select_n3A_193 {strides = array<i32>} : memref<64x16xf32, #tpu.memory_space<vmem>>, vector<16xf32>,
          %select_n3A_199 = arith.select %gt3A, %get3A_189, %get3A_184 : vector<16xi1>, vector<16xi32>
          %swap3A_200 = arith.index_cast %add3A_173 : i32 to index
          %swap3A_201 = arith.constant 0 : index
          %swap3A_202 = tpu.vector_load %arg7[%swap3A_200, %swap3A_201] {strides = array<i32>} : memref<64x16xi32, #tpu.memory_space<vmem>>, vector<16xi32>,
          tpu.vector_store %arg7[%swap3A_200, %swap3A_201], %select_n3A_199 {strides = array<i32>} : memref<64x16xi32, #tpu.memory_space<vmem>>, vector<16xi32>,
          %select_n3A_203 = arith.select %gt3A, %get3A_184, %get3A_189 : vector<16xi1>, vector<16xi32>
          %add3A_204 = arith.constant 1 : i32
          %add3A_205 = arith.addi %add3A_173, %add3A_204 : i32
          %swap3A_206 = arith.index_cast %add3A_205 : i32 to index
          %swap3A_207 = arith.constant 0 : index
          %swap3A_208 = tpu.vector_load %arg7[%swap3A_206, %swap3A_207] {strides = array<i32>} : memref<64x16xi32, #tpu.memory_space<vmem>>, vector<16xi32>,
          tpu.vector_store %arg7[%swap3A_206, %swap3A_207], %select_n3A_203 {strides = array<i32>} : memref<64x16xi32, #tpu.memory_space<vmem>>, vector<16xi32>,
        }
        %while3A_170 = arith.constant 1 : i32
        scf.for %while3A_171 = %while3A_168 to %while3A_164 step %while3A_170  : i32 {
          %add3A_172 = arith.constant 32 : i32
          %add3A_173 = arith.addi %add3A_172, %while3A_171 : i32
          %get3A_174 = arith.index_cast %add3A_173 : i32 to index
          %get3A_175 = arith.constant 0 : index
          %get3A_176 = tpu.vector_load %arg6[%get3A_174, %get3A_175] {strides = array<i32>} : memref<64x16xf32, #tpu.memory_space<vmem>>, vector<16xf32>,
          %add3A_177 = arith.constant 1 : i32
          %add3A_178 = arith.addi %add3A_173, %add3A_177 : i32
          %get3A_179 = arith.index_cast %add3A_178 : i32 to index
          %get3A_180 = arith.constant 0 : index
          %get3A_181 = tpu.vector_load %arg6[%get3A_179, %get3A_180] {strides = array<i32>} : memref<64x16xf32, #tpu.memory_space<vmem>>, vector<16xf32>,
          %get3A_182 = arith.index_cast %add3A_173 : i32 to index
          %get3A_183 = arith.constant 0 : index
          %get3A_184 = tpu.vector_load %arg7[%get3A_182, %get3A_183] {strides = array<i32>} : memref<64x16xi32, #tpu.memory_space<vmem>>, vector<16xi32>,
          %add3A_185 = arith.constant 1 : i32
          %add3A_186 = arith.addi %add3A_173, %add3A_185 : i32
          %get3A_187 = arith.index_cast %add3A_186 : i32 to index
          %get3A_188 = arith.constant 0 : index
          %get3A_189 = tpu.vector_load %arg7[%get3A_187, %get3A_188] {strides = array<i32>} : memref<64x16xi32, #tpu.memory_space<vmem>>, vector<16xi32>,
          %gt3A = arith.cmpf ogt, %get3A_181, %get3A_176 : vector<16xf32>
          %select_n3A = arith.select %gt3A, %get3A_181, %get3A_176 : vector<16xi1>, vector<16xf32>
          %swap3A_190 = arith.index_cast %add3A_173 : i32 to index
          %swap3A_191 = arith.constant 0 : index
          %swap3A_192 = tpu.vector_load %arg6[%swap3A_190, %swap3A_191] {strides = array<i32>} : memref<64x16xf32, #tpu.memory_space<vmem>>, vector<16xf32>,
          tpu.vector_store %arg6[%swap3A_190, %swap3A_191], %select_n3A {strides = array<i32>} : memref<64x16xf32, #tpu.memory_space<vmem>>, vector<16xf32>,
          %select_n3A_193 = arith.select %gt3A, %get3A_176, %get3A_181 : vector<16xi1>, vector<16xf32>
          %add3A_194 = arith.constant 1 : i32
          %add3A_195 = arith.addi %add3A_173, %add3A_194 : i32
          %swap3A_196 = arith.index_cast %add3A_195 : i32 to index
          %swap3A_197 = arith.constant 0 : index
          %swap3A_198 = tpu.vector_load %arg6[%swap3A_196, %swap3A_197] {strides = array<i32>} : memref<64x16xf32, #tpu.memory_space<vmem>>, vector<16xf32>,
          tpu.vector_store %arg6[%swap3A_196, %swap3A_197], %select_n3A_193 {strides = array<i32>} : memref<64x16xf32, #tpu.memory_space<vmem>>, vector<16xf32>,
          %select_n3A_199 = arith.select %gt3A, %get3A_189, %get3A_184 : vector<16xi1>, vector<16xi32>
          %swap3A_200 = arith.index_cast %add3A_173 : i32 to index
          %swap3A_201 = arith.constant 0 : index
          %swap3A_202 = tpu.vector_load %arg7[%swap3A_200, %swap3A_201] {strides = array<i32>} : memref<64x16xi32, #tpu.memory_space<vmem>>, vector<16xi32>,
          tpu.vector_store %arg7[%swap3A_200, %swap3A_201], %select_n3A_199 {strides = array<i32>} : memref<64x16xi32, #tpu.memory_space<vmem>>, vector<16xi32>,
          %select_n3A_203 = arith.select %gt3A, %get3A_184, %get3A_189 : vector<16xi1>, vector<16xi32>
          %add3A_204 = arith.constant 1 : i32
          %add3A_205 = arith.addi %add3A_173, %add3A_204 : i32
          %swap3A_206 = arith.index_cast %add3A_205 : i32 to index
          %swap3A_207 = arith.constant 0 : index
          %swap3A_208 = tpu.vector_load %arg7[%swap3A_206, %swap3A_207] {strides = array<i32>} : memref<64x16xi32, #tpu.memory_space<vmem>>, vector<16xi32>,
          tpu.vector_store %arg7[%swap3A_206, %swap3A_207], %select_n3A_203 {strides = array<i32>} : memref<64x16xi32, #tpu.memory_space<vmem>>, vector<16xi32>,
        }
      }
      %while3A_150 = arith.constant 1 : i32
      scf.for %while3A_160 = %while3A_148 to %while3A_144 step %while3A_150  : i32 {
        %sub3A = arith.constant 1 : i32
        %sub3A_161 = arith.subi %min3A_128, %sub3A : i32
        %while3A_162 = arith.constant 0 : i32
        %while3A_163 = arith.subi %sub3A_161, %while3A_162 : i32
        %while3A_164 = arith.addi %while3A_162, %while3A_163 : i32
        %while3A_165 = arith.constant 1 : i32
        %while3A_166 = arith.divsi %while3A_163, %while3A_165 : i32
        %while3A_167 = arith.muli %while3A_166, %while3A_165 : i32
        %while3A_168 = arith.addi %while3A_162, %while3A_167 : i32
        %while3A_169 = arith.constant 1 : i32
        scf.for %while3A_171 = %while3A_162 to %while3A_168 step %while3A_169  : i32 {
          %add3A_172 = arith.constant 32 : i32
          %add3A_173 = arith.addi %add3A_172, %while3A_171 : i32
          %get3A_174 = arith.index_cast %add3A_173 : i32 to index
          %get3A_175 = arith.constant 0 : index
          %get3A_176 = tpu.vector_load %arg6[%get3A_174, %get3A_175] {strides = array<i32>} : memref<64x16xf32, #tpu.memory_space<vmem>>, vector<16xf32>,
          %add3A_177 = arith.constant 1 : i32
          %add3A_178 = arith.addi %add3A_173, %add3A_177 : i32
          %get3A_179 = arith.index_cast %add3A_178 : i32 to index
          %get3A_180 = arith.constant 0 : index
          %get3A_181 = tpu.vector_load %arg6[%get3A_179, %get3A_180] {strides = array<i32>} : memref<64x16xf32, #tpu.memory_space<vmem>>, vector<16xf32>,
          %get3A_182 = arith.index_cast %add3A_173 : i32 to index
          %get3A_183 = arith.constant 0 : index
          %get3A_184 = tpu.vector_load %arg7[%get3A_182, %get3A_183] {strides = array<i32>} : memref<64x16xi32, #tpu.memory_space<vmem>>, vector<16xi32>,
          %add3A_185 = arith.constant 1 : i32
          %add3A_186 = arith.addi %add3A_173, %add3A_185 : i32
          %get3A_187 = arith.index_cast %add3A_186 : i32 to index
          %get3A_188 = arith.constant 0 : index
          %get3A_189 = tpu.vector_load %arg7[%get3A_187, %get3A_188] {strides = array<i32>} : memref<64x16xi32, #tpu.memory_space<vmem>>, vector<16xi32>,
          %gt3A = arith.cmpf ogt, %get3A_181, %get3A_176 : vector<16xf32>
          %select_n3A = arith.select %gt3A, %get3A_181, %get3A_176 : vector<16xi1>, vector<16xf32>
          %swap3A_190 = arith.index_cast %add3A_173 : i32 to index
          %swap3A_191 = arith.constant 0 : index
          %swap3A_192 = tpu.vector_load %arg6[%swap3A_190, %swap3A_191] {strides = array<i32>} : memref<64x16xf32, #tpu.memory_space<vmem>>, vector<16xf32>,
          tpu.vector_store %arg6[%swap3A_190, %swap3A_191], %select_n3A {strides = array<i32>} : memref<64x16xf32, #tpu.memory_space<vmem>>, vector<16xf32>,
          %select_n3A_193 = arith.select %gt3A, %get3A_176, %get3A_181 : vector<16xi1>, vector<16xf32>
          %add3A_194 = arith.constant 1 : i32
          %add3A_195 = arith.addi %add3A_173, %add3A_194 : i32
          %swap3A_196 = arith.index_cast %add3A_195 : i32 to index
          %swap3A_197 = arith.constant 0 : index
          %swap3A_198 = tpu.vector_load %arg6[%swap3A_196, %swap3A_197] {strides = array<i32>} : memref<64x16xf32, #tpu.memory_space<vmem>>, vector<16xf32>,
          tpu.vector_store %arg6[%swap3A_196, %swap3A_197], %select_n3A_193 {strides = array<i32>} : memref<64x16xf32, #tpu.memory_space<vmem>>, vector<16xf32>,
          %select_n3A_199 = arith.select %gt3A, %get3A_189, %get3A_184 : vector<16xi1>, vector<16xi32>
          %swap3A_200 = arith.index_cast %add3A_173 : i32 to index
          %swap3A_201 = arith.constant 0 : index
          %swap3A_202 = tpu.vector_load %arg7[%swap3A_200, %swap3A_201] {strides = array<i32>} : memref<64x16xi32, #tpu.memory_space<vmem>>, vector<16xi32>,
          tpu.vector_store %arg7[%swap3A_200, %swap3A_201], %select_n3A_199 {strides = array<i32>} : memref<64x16xi32, #tpu.memory_space<vmem>>, vector<16xi32>,
          %select_n3A_203 = arith.select %gt3A, %get3A_184, %get3A_189 : vector<16xi1>, vector<16xi32>
          %add3A_204 = arith.constant 1 : i32
          %add3A_205 = arith.addi %add3A_173, %add3A_204 : i32
          %swap3A_206 = arith.index_cast %add3A_205 : i32 to index
          %swap3A_207 = arith.constant 0 : index
          %swap3A_208 = tpu.vector_load %arg7[%swap3A_206, %swap3A_207] {strides = array<i32>} : memref<64x16xi32, #tpu.memory_space<vmem>>, vector<16xi32>,
          tpu.vector_store %arg7[%swap3A_206, %swap3A_207], %select_n3A_203 {strides = array<i32>} : memref<64x16xi32, #tpu.memory_space<vmem>>, vector<16xi32>,
        }
        %while3A_170 = arith.constant 1 : i32
        scf.for %while3A_171 = %while3A_168 to %while3A_164 step %while3A_170  : i32 {
          %add3A_172 = arith.constant 32 : i32
          %add3A_173 = arith.addi %add3A_172, %while3A_171 : i32
          %get3A_174 = arith.index_cast %add3A_173 : i32 to index
          %get3A_175 = arith.constant 0 : index
          %get3A_176 = tpu.vector_load %arg6[%get3A_174, %get3A_175] {strides = array<i32>} : memref<64x16xf32, #tpu.memory_space<vmem>>, vector<16xf32>,
          %add3A_177 = arith.constant 1 : i32
          %add3A_178 = arith.addi %add3A_173, %add3A_177 : i32
          %get3A_179 = arith.index_cast %add3A_178 : i32 to index
          %get3A_180 = arith.constant 0 : index
          %get3A_181 = tpu.vector_load %arg6[%get3A_179, %get3A_180] {strides = array<i32>} : memref<64x16xf32, #tpu.memory_space<vmem>>, vector<16xf32>,
          %get3A_182 = arith.index_cast %add3A_173 : i32 to index
          %get3A_183 = arith.constant 0 : index
          %get3A_184 = tpu.vector_load %arg7[%get3A_182, %get3A_183] {strides = array<i32>} : memref<64x16xi32, #tpu.memory_space<vmem>>, vector<16xi32>,
          %add3A_185 = arith.constant 1 : i32
          %add3A_186 = arith.addi %add3A_173, %add3A_185 : i32
          %get3A_187 = arith.index_cast %add3A_186 : i32 to index
          %get3A_188 = arith.constant 0 : index
          %get3A_189 = tpu.vector_load %arg7[%get3A_187, %get3A_188] {strides = array<i32>} : memref<64x16xi32, #tpu.memory_space<vmem>>, vector<16xi32>,
          %gt3A = arith.cmpf ogt, %get3A_181, %get3A_176 : vector<16xf32>
          %select_n3A = arith.select %gt3A, %get3A_181, %get3A_176 : vector<16xi1>, vector<16xf32>
          %swap3A_190 = arith.index_cast %add3A_173 : i32 to index
          %swap3A_191 = arith.constant 0 : index
          %swap3A_192 = tpu.vector_load %arg6[%swap3A_190, %swap3A_191] {strides = array<i32>} : memref<64x16xf32, #tpu.memory_space<vmem>>, vector<16xf32>,
          tpu.vector_store %arg6[%swap3A_190, %swap3A_191], %select_n3A {strides = array<i32>} : memref<64x16xf32, #tpu.memory_space<vmem>>, vector<16xf32>,
          %select_n3A_193 = arith.select %gt3A, %get3A_176, %get3A_181 : vector<16xi1>, vector<16xf32>
          %add3A_194 = arith.constant 1 : i32
          %add3A_195 = arith.addi %add3A_173, %add3A_194 : i32
          %swap3A_196 = arith.index_cast %add3A_195 : i32 to index
          %swap3A_197 = arith.constant 0 : index
          %swap3A_198 = tpu.vector_load %arg6[%swap3A_196, %swap3A_197] {strides = array<i32>} : memref<64x16xf32, #tpu.memory_space<vmem>>, vector<16xf32>,
          tpu.vector_store %arg6[%swap3A_196, %swap3A_197], %select_n3A_193 {strides = array<i32>} : memref<64x16xf32, #tpu.memory_space<vmem>>, vector<16xf32>,
          %select_n3A_199 = arith.select %gt3A, %get3A_189, %get3A_184 : vector<16xi1>, vector<16xi32>
          %swap3A_200 = arith.index_cast %add3A_173 : i32 to index
          %swap3A_201 = arith.constant 0 : index
          %swap3A_202 = tpu.vector_load %arg7[%swap3A_200, %swap3A_201] {strides = array<i32>} : memref<64x16xi32, #tpu.memory_space<vmem>>, vector<16xi32>,
          tpu.vector_store %arg7[%swap3A_200, %swap3A_201], %select_n3A_199 {strides = array<i32>} : memref<64x16xi32, #tpu.memory_space<vmem>>, vector<16xi32>,
          %select_n3A_203 = arith.select %gt3A, %get3A_184, %get3A_189 : vector<16xi1>, vector<16xi32>
          %add3A_204 = arith.constant 1 : i32
          %add3A_205 = arith.addi %add3A_173, %add3A_204 : i32
          %swap3A_206 = arith.index_cast %add3A_205 : i32 to index
          %swap3A_207 = arith.constant 0 : index
          %swap3A_208 = tpu.vector_load %arg7[%swap3A_206, %swap3A_207] {strides = array<i32>} : memref<64x16xi32, #tpu.memory_space<vmem>>, vector<16xi32>,
          tpu.vector_store %arg7[%swap3A_206, %swap3A_207], %select_n3A_203 {strides = array<i32>} : memref<64x16xi32, #tpu.memory_space<vmem>>, vector<16xi32>,
        }
      }
      %eq3A = arith.constant 0 : i32
      %eq3A_151 = vector.broadcast %eq3A : i32 to vector<16xi32>
      %eq3A_152 = arith.cmpi eq, %iota3A, %eq3A_151 : vector<16xi32>
      %scan3A_153 = arith.constant 0 : i32
      %scan3A_154 = arith.constant 64 : i32
      %scan3A_155 = arith.addi %scan3A_153, %scan3A_154 : i32
      %scan3A_156 = arith.constant 1 : i32
      %scan3A_157:2 = scf.for %scan3A_160 = %scan3A_153 to %scan3A_155 step %scan3A_156 iter_args(%scan3A_161 = %broadcast_in_dim3A_1, %scan3A_162 = %broadcast_in_dim3A_1) -> (vector<16xi32>, vector<16xi32>)  : i32 {
        %lt3A_163 = arith.constant 32 : i32
        %lt3A_164 = vector.broadcast %lt3A_163 : i32 to vector<16xi32>
        %lt3A_165 = arith.cmpi slt, %scan3A_161, %lt3A_164 : vector<16xi32>
        %add3A_166 = arith.constant 0 : i32
        %add3A_167 = vector.broadcast %add3A_166 : i32 to vector<16xi32>
        %add3A_168 = arith.addi %scan3A_161, %add3A_167 : vector<16xi32>
        %gather3A = tpu.vector_load_idx %arg6[%add3A_168, %iota3A] masked %lt3A_165 : memref<64x16xf32, #tpu.memory_space<vmem>>[vector<16xi32>, vector<16xi32>], vector<16xf32>, vector<16xi1>
        %add3A_169 = arith.constant 0 : i32
        %add3A_170 = vector.broadcast %add3A_169 : i32 to vector<16xi32>
        %add3A_171 = arith.addi %scan3A_161, %add3A_170 : vector<16xi32>
        %gather3A_172 = tpu.vector_load_idx %arg7[%add3A_171, %iota3A] masked %lt3A_165 : memref<64x16xi32, #tpu.memory_space<vmem>>[vector<16xi32>, vector<16xi32>], vector<16xi32>, vector<16xi1>
        %jit3A = arith.constant 0xFF800000 : f32
        %broadcast_in_dim3A_173 = vector.broadcast %jit3A : f32 to vector<16xf32>
        %select_n3A = arith.select %lt3A_165, %gather3A, %broadcast_in_dim3A_173 : vector<16xi1>, vector<16xf32>
        %lt3A_174 = arith.constant 32 : i32
        %lt3A_175 = vector.broadcast %lt3A_174 : i32 to vector<16xi32>
        %lt3A_176 = arith.cmpi slt, %scan3A_162, %lt3A_175 : vector<16xi32>
        %add3A_177 = arith.constant 32 : i32
        %add3A_178 = vector.broadcast %add3A_177 : i32 to vector<16xi32>
        %add3A_179 = arith.addi %scan3A_162, %add3A_178 : vector<16xi32>
        %gather3A_180 = tpu.vector_load_idx %arg6[%add3A_179, %iota3A] masked %lt3A_176 : memref<64x16xf32, #tpu.memory_space<vmem>>[vector<16xi32>, vector<16xi32>], vector<16xf32>, vector<16xi1>
        %add3A_181 = arith.constant 32 : i32
        %add3A_182 = vector.broadcast %add3A_181 : i32 to vector<16xi32>
        %add3A_183 = arith.addi %scan3A_162, %add3A_182 : vector<16xi32>
        %gather3A_184 = tpu.vector_load_idx %arg7[%add3A_183, %iota3A] masked %lt3A_176 : memref<64x16xi32, #tpu.memory_space<vmem>>[vector<16xi32>, vector<16xi32>], vector<16xi32>, vector<16xi1>
        %jit3A_185 = arith.constant 0xFF800000 : f32
        %broadcast_in_dim3A_186 = vector.broadcast %jit3A_185 : f32 to vector<16xf32>
        %select_n3A_187 = arith.select %lt3A_176, %gather3A_180, %broadcast_in_dim3A_186 : vector<16xi1>, vector<16xf32>
        %max3A_188 = arith.maximumf %select_n3A, %select_n3A_187 : vector<16xf32>
        %reduce_max3A_189 = arith.constant true
        %reduce_max3A_190 = vector.broadcast %reduce_max3A_189 : i1 to vector<16xi1>
        %reduce_max3A_191 = tpu.scan <max>, %max3A_188 masked %reduce_max3A_190 : vector<16xf32>, vector<16xi1> -> vector<16xf32>
        %reduce_max3A_192 = vector.extract %reduce_max3A_191[15] : f32 from vector<16xf32>
        %eq3A_193 = vector.broadcast %reduce_max3A_192 : f32 to vector<16xf32>
        %eq3A_194 = arith.cmpf oeq, %select_n3A, %eq3A_193 : vector<16xf32>
        %select_n3A_195 = arith.select %eq3A_194, %gather3A_172, %broadcast_in_dim3A_7 : vector<16xi1>, vector<16xi32>
        %eq3A_196 = vector.broadcast %reduce_max3A_192 : f32 to vector<16xf32>
        %eq3A_197 = arith.cmpf oeq, %select_n3A_187, %eq3A_196 : vector<16xf32>
        %select_n3A_198 = arith.select %eq3A_197, %gather3A_184, %broadcast_in_dim3A_7 : vector<16xi1>, vector<16xi32>
        %min3A_199 = arith.minsi %select_n3A_195, %select_n3A_198 : vector<16xi32>
        %reduce_min3A = arith.constant true
        %reduce_min3A_200 = vector.broadcast %reduce_min3A : i1 to vector<16xi1>
        %reduce_min3A_201 = arith.constant -2147483648 : i32
        %reduce_min3A_202 = vector.broadcast %reduce_min3A_201 : i32 to vector<16xi32>
        %reduce_min3A_203 = arith.xori %min3A_199, %reduce_min3A_202 : vector<16xi32>
        %reduce_min3A_204 = tpu.scan <min>, %reduce_min3A_203 masked %reduce_min3A_200 : vector<16xi32>, vector<16xi1> -> vector<16xi32>
        %reduce_min3A_205 = arith.xori %reduce_min3A_204, %reduce_min3A_202 : vector<16xi32>
        %reduce_min3A_206 = vector.extract %reduce_min3A_205[15] : i32 from vector<16xi32>
        %and3A_207 = arith.constant 15 : i32
        %and3A_208 = arith.andi %reduce_min3A_206, %and3A_207 : i32
        %eq3A_209 = vector.broadcast %and3A_208 : i32 to vector<16xi32>
        %eq3A_210 = arith.cmpi eq, %iota3A, %eq3A_209 : vector<16xi32>
        %eq3A_211 = vector.broadcast %reduce_max3A_192 : f32 to vector<16xf32>
        %eq3A_212 = arith.cmpf oeq, %select_n3A, %eq3A_211 : vector<16xf32>
        %and3A_213 = arith.andi %eq3A_210, %eq3A_212 : vector<16xi1>
        %eq3A_214 = vector.broadcast %reduce_min3A_206 : i32 to vector<16xi32>
        %eq3A_215 = arith.cmpi eq, %gather3A_172, %eq3A_214 : vector<16xi32>
        %and3A_216 = arith.andi %and3A_213, %eq3A_215 : vector<16xi1>
        %convert_element_type3A_217 = arith.extui %and3A_216 : vector<16xi1> to vector<16xi32>
        %add3A_218 = arith.addi %scan3A_161, %convert_element_type3A_217 : vector<16xi32>
        %eq3A_219 = vector.broadcast %reduce_max3A_192 : f32 to vector<16xf32>
        %eq3A_220 = arith.cmpf oeq, %select_n3A_187, %eq3A_219 : vector<16xf32>
        %and3A_221 = arith.andi %eq3A_210, %eq3A_220 : vector<16xi1>
        %eq3A_222 = vector.broadcast %reduce_min3A_206 : i32 to vector<16xi32>
        %eq3A_223 = arith.cmpi eq, %gather3A_184, %eq3A_222 : vector<16xi32>
        %and3A_224 = arith.andi %and3A_221, %eq3A_223 : vector<16xi1>
        %convert_element_type3A_225 = arith.extui %and3A_224 : vector<16xi1> to vector<16xi32>
        %add3A_226 = arith.addi %scan3A_162, %convert_element_type3A_225 : vector<16xi32>
        %add3A_227 = vector.broadcast %scan3A_160 : i32 to vector<16xi32>
        %add3A_228 = arith.addi %broadcast_in_dim3A_1, %add3A_227 : vector<16xi32>
        %add3A_229 = vector.broadcast %reduce_max3A_192 : f32 to vector<16xf32>
        %add3A_230 = arith.addf %broadcast_in_dim3A_5, %add3A_229 : vector<16xf32>
        tpu.vector_store_idx %arg9[%add3A_228], %add3A_230 masked %eq3A_152 : memref<64xf32, #tpu.memory_space<vmem>>[vector<16xi32>], vector<16xf32>, vector<16xi1>
        %add3A_231 = vector.broadcast %reduce_min3A_206 : i32 to vector<16xi32>
        %add3A_232 = arith.addi %broadcast_in_dim3A_1, %add3A_231 : vector<16xi32>
        tpu.vector_store_idx %arg10[%add3A_228], %add3A_232 masked %eq3A_152 : memref<64xi32, #tpu.memory_space<vmem>>[vector<16xi32>], vector<16xi32>, vector<16xi1>
        scf.yield %add3A_218, %add3A_226 : vector<16xi32>, vector<16xi32>
      }
      %scan3A_158 = arith.constant 64 : i32
      "tpu.region"() ({
        %run_scoped3A = tpu.sem_alloc : memref<!tpu.dma_semaphore, #tpu.memory_space<semaphore_mem>>
        %dma_start3A_160 = arith.constant 0 : i32
        %dma_start3A_161 = tpu.memref_slice %arg3[%add3A_27, %dma_start3A_160] : memref<128x64xf32, #tpu.memory_space<hbm>> -> memref<1x64xf32, #tpu.memory_space<hbm>>
        %dma_start3A_162 = tpu.memref_squeeze %dma_start3A_161 : memref<1x64xf32, #tpu.memory_space<hbm>> -> memref<64xf32, #tpu.memory_space<hbm>>
        %dma_start3A_163 = arith.constant 0 : i32
        %dma_start3A_164 = tpu.memref_slice %arg3[%add3A_27, %dma_start3A_163] : memref<128x64xf32, #tpu.memory_space<hbm>> -> memref<1x64xf32, #tpu.memory_space<hbm>>
        %dma_start3A_165 = tpu.memref_squeeze %dma_start3A_164 : memref<1x64xf32, #tpu.memory_space<hbm>> -> memref<64xf32, #tpu.memory_space<hbm>>
        tpu.enqueue_dma source(%arg9 : memref<64xf32, #tpu.memory_space<vmem>>) target(%dma_start3A_165 : memref<64xf32, #tpu.memory_space<hbm>>) target_semaphore(%run_scoped3A : memref<!tpu.dma_semaphore, #tpu.memory_space<semaphore_mem>>)
        %dma_wait3A_166 = arith.constant 0 : i32
        %dma_wait3A_167 = tpu.memref_slice %arg3[%add3A_27, %dma_wait3A_166] : memref<128x64xf32, #tpu.memory_space<hbm>> -> memref<1x64xf32, #tpu.memory_space<hbm>>
        %dma_wait3A_168 = tpu.memref_squeeze %dma_wait3A_167 : memref<1x64xf32, #tpu.memory_space<hbm>> -> memref<64xf32, #tpu.memory_space<hbm>>
        %dma_wait3A_169 = arith.constant 0 : i32
        %dma_wait3A_170 = tpu.memref_slice %arg3[%add3A_27, %dma_wait3A_169] : memref<128x64xf32, #tpu.memory_space<hbm>> -> memref<1x64xf32, #tpu.memory_space<hbm>>
        %dma_wait3A_171 = tpu.memref_squeeze %dma_wait3A_170 : memref<1x64xf32, #tpu.memory_space<hbm>> -> memref<64xf32, #tpu.memory_space<hbm>>
        tpu.wait_dma2 semaphore(%run_scoped3A : memref<!tpu.dma_semaphore, #tpu.memory_space<semaphore_mem>>) src(%arg9 : memref<64xf32, #tpu.memory_space<vmem>>) dst(%dma_wait3A_171 : memref<64xf32, #tpu.memory_space<hbm>>)
        tpu.yield
      }) : () -> ()
      "tpu.region"() ({
        %run_scoped3A = tpu.sem_alloc : memref<!tpu.dma_semaphore, #tpu.memory_space<semaphore_mem>>
        %dma_start3A_160 = arith.constant 0 : i32
        %dma_start3A_161 = tpu.memref_slice %arg4[%add3A_27, %dma_start3A_160] : memref<128x64xi32, #tpu.memory_space<hbm>> -> memref<1x64xi32, #tpu.memory_space<hbm>>
        %dma_start3A_162 = tpu.memref_squeeze %dma_start3A_161 : memref<1x64xi32, #tpu.memory_space<hbm>> -> memref<64xi32, #tpu.memory_space<hbm>>
        %dma_start3A_163 = arith.constant 0 : i32
        %dma_start3A_164 = tpu.memref_slice %arg4[%add3A_27, %dma_start3A_163] : memref<128x64xi32, #tpu.memory_space<hbm>> -> memref<1x64xi32, #tpu.memory_space<hbm>>
        %dma_start3A_165 = tpu.memref_squeeze %dma_start3A_164 : memref<1x64xi32, #tpu.memory_space<hbm>> -> memref<64xi32, #tpu.memory_space<hbm>>
        tpu.enqueue_dma source(%arg10 : memref<64xi32, #tpu.memory_space<vmem>>) target(%dma_start3A_165 : memref<64xi32, #tpu.memory_space<hbm>>) target_semaphore(%run_scoped3A : memref<!tpu.dma_semaphore, #tpu.memory_space<semaphore_mem>>)
        %dma_wait3A_166 = arith.constant 0 : i32
        %dma_wait3A_167 = tpu.memref_slice %arg4[%add3A_27, %dma_wait3A_166] : memref<128x64xi32, #tpu.memory_space<hbm>> -> memref<1x64xi32, #tpu.memory_space<hbm>>
        %dma_wait3A_168 = tpu.memref_squeeze %dma_wait3A_167 : memref<1x64xi32, #tpu.memory_space<hbm>> -> memref<64xi32, #tpu.memory_space<hbm>>
        %dma_wait3A_169 = arith.constant 0 : i32
        %dma_wait3A_170 = tpu.memref_slice %arg4[%add3A_27, %dma_wait3A_169] : memref<128x64xi32, #tpu.memory_space<hbm>> -> memref<1x64xi32, #tpu.memory_space<hbm>>
        %dma_wait3A_171 = tpu.memref_squeeze %dma_wait3A_170 : memref<1x64xi32, #tpu.memory_space<hbm>> -> memref<64xi32, #tpu.memory_space<hbm>>
        tpu.wait_dma2 semaphore(%run_scoped3A : memref<!tpu.dma_semaphore, #tpu.memory_space<semaphore_mem>>) src(%arg10 : memref<64xi32, #tpu.memory_space<vmem>>) dst(%dma_wait3A_171 : memref<64xi32, #tpu.memory_space<hbm>>)
        tpu.yield
      }) : () -> ()
      %scan3A_159 = arith.constant 0 : i32
      scf.yield %scan3A_159 : i32
    }
    %scan3A_24 = arith.constant 4 : i32
    return
  }
}

</mosaic_0001>

<sc_bundles>
// kernel: kernel.3.cloned.1.call-start
scs
__scs_entry_jumppad:
0x0: {  	(pc) =	sbr.rel $0x88, $3  }
0x1: {  	(tag) =	ssettag $0x0;
	lr =	simm.s32 $0x1  }
0x2: {  	[smem:$0x3FA0] =	sst lr;
	_ =	strace $0xD0000000  }
0x3: {  	_ = 	snop  }
0x4: {  	_ = 	snop  }
0x5: {  	_ = 	snop  }
0x6: {  	_ = 	snop  }
0x7: {  	_ = 	snop  }
__scs_overlays_trampoline_lowered:
0x8: {  	[smem:$0x3FAF] =	sst s0  }
0x9: {  	[smem:$0x3FB0] =	sst s1  }
0xa: {  	[smem:$0x3FB1] =	sst s2  }
0xb: {  	[smem:$0x3FB2] =	sst s3  }
0xc: {  	[smem:$0x3FB3] =	sst s4  }
0xd: {  	[smem:$0x3FB4] =	sst s5  }
0xe: {  	[smem:$0x3FB5] =	sst s6  }
0xf: {  	[smem:$0x3FB6] =	sst s7  }
0x10: {  	[smem:$0x3FB7] =	sst s8  }
0x11: {  	[smem:$0x3FB8] =	sst s9;
	s0 =	simm.s32 @!p0 $0x0  }
0x12: {  	s1 =	sld [smem:$0x3F9E];
	s0 =	simm.s32 @p0 $0x1  }
0x13: {  	[smem:$0x3FB9] =	sst s0;
	s0 =	simm.s32 @!p1 $0x0  }
0x14: {  	s2 =	sld [smem:$0x3F9D];
	s0 =	simm.s32 @p1 $0x1  }
0x15: {  	[smem:$0x3FBA] =	sst s0;
	s0 =	simm.s32 @!p2 $0x0  }
0x16: {  	s3 =	sld [smem:$0x3FDB];
	s0 =	simm.s32 @p2 $0x1  }
0x17: {  	s4 =	simm.s32 $0x1BF5;
	[smem:$0x3FBC] =	sst s0  }
0x18: {  	s0 =	sld [smem:$0x3F9F];
	_ =	swait.ge [sflag:s4], $0x0  }
0x19: {  	s7 =	sld [smem:$0x3FA0]  }
0x1a: {  	s8 =	sadd.s32 $0xFFFFE003, lr  }
0x1b: {  	s9 =	sadd.s32 $0xFFFFFEF7, lr;
	s5 =	simm.s32 $0xFFFFFFFF;
	p2 =	slt.u32 s8, $0xFFFFF086  }
0x1c: {  	p1 =	slt.u32 s9, $0xF7A;
	s5 =	simm.s32 @!p2 $0x0  }
0x1d: {  	s5 =	simm.s32 @p1 $0x1;
	p0 =	seq.s32 s7, s2  }
0x1e: {  	s7 =	smul.u32 @!p0 $0xF7A, s2;
	p2 =	seq.s32 @!p0 s5, $0x0  }
0x1f: {  	s9 =	smul.u32 $0xF7A, s1;
	s8 =	simm.s32 @!p0 $0x1BF5;
	p2 =	por !p2, p0  }
0x20: {  	[sflag:s8] =	ssyncset.s32 @!p0 $0xFFFFF086;
	s6 =	sadd.s32 @!p0 s3, s7;
	s7 =	simm.s32 @!p0 $0x108  }
0x21: {  	s3 =	sadd.s32 s3, s9;
	s6 =	sadd.s32 @!p0 $0x88, s6;
	s7 =	simm.s32 @p2 $0x1082  }
0x22: {  	[simem:s7], [sflag:s8] =	dma.local @!p0 [hbm:s6], $0xF7A  }
0x23: {  	s9 =	sor.u32 $0xD0000000, s2;
	s6 =	simm.s32 $0x108;
	_ =	swait.ge @!p0 [sflag:s8], $0x0  }
0x24: {  	s3 =	sadd.s32 $0x88, s3;
	s6 =	simm.s32 @!p1 $0x1082;
	[sflag:s4] =	ssyncset.s32 $0xFFFFF086  }
0x25: {  	[simem:s6], [sflag:s4] =	dma.local [hbm:s3], $0xF7A  }
0x26: {  	[smem:$0x3FA0] =	sst s1;
	(tag) =	ssettag s2;
	_ =	strace s9  }
0x27: {  	s1 =	sld [smem:$0x3FB0]  }
0x28: {  	s2 =	sld [smem:$0x3FB1]  }
0x29: {  	s4 =	sld [smem:$0x3FB3]  }
0x2a: {  	p0 =	seq.s32 s5, $0x0;
	s5 =	sld [smem:$0x3FB4]  }
0x2b: {  	s6 =	sld [smem:$0x3FB5]  }
0x2c: {  	s7 =	sld [smem:$0x3FB6]  }
0x2d: {  	s3 =	simm.s32 $0x108;
	s8 =	sld [smem:$0x3FB7]  }
0x2e: {  	s3 =	simm.s32 @!p0 $0x1082;
	s9 =	sld [smem:$0x3FB8]  }
0x2f: {  	lr =	sadd.s32 s0, s3;
	s0 =	sld [smem:$0x3FAF]  }
0x30: {  	s3 =	sld [smem:$0x3FB2]  }
0x31: {  	[smem:$0x3FBB] =	sst s10  }
0x32: {  	s10 =	sld [smem:$0x3FB9];
	_ =	sdelay $0x3  }
0x33: {  	p0 =	seq.s32 s10, $0x1;
	s10 =	sld [smem:$0x3FBB];
	_ =	sdelay $0x3  }
0x34: {  	[smem:$0x3FBB] =	sst s10  }
0x35: {  	s10 =	sld [smem:$0x3FBA];
	_ =	sdelay $0x3  }
0x36: {  	p1 =	seq.s32 s10, $0x1;
	s10 =	sld [smem:$0x3FBB];
	_ =	sdelay $0x3  }
0x37: {  	[smem:$0x3FBB] =	sst s10  }
0x38: {  	s10 =	sld [smem:$0x3FBC]  }
0x39: {  	_ = 	snop;
	(pc) =	sbr.ind lr, $3  }
0x3a: {  	_ = 	snop  }
0x3b: {  	_ = 	snop  }
0x3c: {  	p2 =	seq.s32 s10, $0x1;
	s10 =	sld [smem:$0x3FBB]  }
0x3d: {  	_ =	shalt  }
0x3e: {  	_ =	shalt  }
0x3f: {  	_ =	shalt  }
0x40: {  	_ =	shalt  }
0x41: {  	_ =	shalt  }
0x42: {  	_ =	shalt  }
0x43: {  	_ =	shalt  }
0x44: {  	_ =	shalt  }
0x45: {  	_ =	shalt  }
0x46: {  	_ =	shalt  }
0x47: {  	_ =	shalt  }
0x48: {  	_ =	shalt  }
0x49: {  	_ =	shalt  }
0x4a: {  	_ =	shalt  }
0x4b: {  	_ =	shalt  }
0x4c: {  	_ =	shalt  }
0x4d: {  	_ =	shalt  }
0x4e: {  	_ =	shalt  }
0x4f: {  	_ =	shalt  }
0x50: {  	_ =	shalt  }
0x51: {  	_ =	shalt  }
0x52: {  	_ =	shalt  }
0x53: {  	_ =	shalt  }
0x54: {  	_ =	shalt  }
0x55: {  	_ =	shalt  }
0x56: {  	_ =	shalt  }
0x57: {  	_ =	shalt  }
0x58: {  	_ =	shalt  }
0x59: {  	_ =	shalt  }
0x5a: {  	_ =	shalt  }
0x5b: {  	_ =	shalt  }
0x5c: {  	_ =	shalt  }
0x5d: {  	_ =	shalt  }
0x5e: {  	_ =	shalt  }
0x5f: {  	_ =	shalt  }
0x60: {  	_ =	shalt  }
0x61: {  	_ =	shalt  }
0x62: {  	_ =	shalt  }
0x63: {  	_ =	shalt  }
0x64: {  	_ =	shalt  }
0x65: {  	_ =	shalt  }
0x66: {  	_ =	shalt  }
0x67: {  	_ =	shalt  }
0x68: {  	_ =	shalt  }
0x69: {  	_ =	shalt  }
0x6a: {  	_ =	shalt  }
0x6b: {  	_ =	shalt  }
0x6c: {  	_ =	shalt  }
0x6d: {  	_ =	shalt  }
0x6e: {  	_ =	shalt  }
0x6f: {  	_ =	shalt  }
0x70: {  	_ =	shalt  }
0x71: {  	_ =	shalt  }
0x72: {  	_ =	shalt  }
0x73: {  	_ =	shalt  }
0x74: {  	_ =	shalt  }
0x75: {  	_ =	shalt  }
0x76: {  	_ =	shalt  }
0x77: {  	_ =	shalt  }
0x78: {  	_ =	shalt  }
0x79: {  	_ =	shalt  }
0x7a: {  	_ =	shalt  }
0x7b: {  	_ =	shalt  }
0x7c: {  	_ =	shalt  }
0x7d: {  	_ =	shalt  }
0x7e: {  	_ =	shalt  }
0x7f: {  	_ =	shalt  }
0x80: {  	_ =	shalt  }
0x81: {  	_ =	shalt  }
0x82: {  	_ =	shalt  }
0x83: {  	_ =	shalt  }
0x84: {  	_ =	shalt  }
0x85: {  	_ =	shalt  }
0x86: {  	_ =	shalt  }
0x87: {  	_ =	shalt  }
.Lfunc_end0:
.L_simem_size_0:
called_computation_lowered:
.L_overlay_start_0:
0x88: {  	s2 =	sld [smem:$0x3FD9]  }
0x89: {  	s3 =	sld [smem:$0x3FFE];
	_ =	sdelay $0x1  }
0x8a: {  	s1 =	srdreg.scid  }
0x8b: {  	s0 =	sand.u32 $0x1, s1  }
0x8c: {  	s17 =	sshll.u32 s0, $0xA;
	s2 =	sadd.s32 s3, s2  }
0x8d: {  	s2 =	sadd.s32 s2, s17  }
0x8e: {  	[smem:$0x3FC7] =	sst s2  }
0x8f: {  	_ = 	snop  }
0x90: {  	s2 =	sld [smem:$0x3FC9];
	(tm) =	ssettm $0x1  }
0x91: {  	s18 =	sld [smem:$0x3FFB];
	_ =	sdelay $0x3  }
0x92: {  	_ =	strace s18  }
0x93: {  	s3 =	sld [smem:$0x3FFC];
	_ =	sdelay $0x3  }
0x94: {  	_ =	strace s3  }
0x95: {  	s3 =	sld [smem:$0x3FFD];
	_ =	sdelay $0x3  }
0x96: {  	_ =	strace s3  }
0x97: {  	_ =	strace $0x8FFFFFFF  }
0x98: {  	s19 =	sld [smem:$0x3FDB];
	_ =	sdelay $0x1  }
0x99: {  	s4 =	simm.s32 $_scs_section_size  }
0x9a: {  	s5 =	simm.s32 $_size__tile_overlayer_lowered;
	s6 =	simm.s32 $_tile_overlayer_lowered  }
0x9b: {  	s22 =	simm.s32 $0x1BFF;
	s21 =	sshll.u32 s6, $0x1;
	s3 =	sadd.s32 s4, s19  }
0x9c: {  	s7 =	simm.s32 $0x0;
	s20 =	sshll.u32 s5, $0x1;
	s5 =	sadd.s32 s21, s3  }
0x9d: {  	[timem:s7], [sflag:s22] =	dma.local [hbm:s5], s20  }
0x9e: {  	_ =	swait.ge [sflag:s22], s20  }
0x9f: {  	s4 =	ssub.s32 $0x0, s20;
	[sflag:s22] =	ssyncset.done $0x0  }
0xa0: {  	[sflag:s22] =	ssyncadd.s32 s4;
	_ =	sdelay $0x1  }
0xa1: {  	s23 =	simm.s32 $0x1B8B  }
0xa2: {  	_ =	swait.ge [sflag:s23], $0x1  }
0xa3: {  	[sflag:s23] =	ssyncset.done $0x0  }
0xa4: {  	s25 =	simm.s32 $0x1B8E;
	s24 =	sld [smem:$0x3FFE];
	[sflag:s23] =	ssyncadd.s32 $0xFFFFFFFF  }
0xa5: {  	s26 =	simm.s32 $execute0_lowered;
	[smem:$0x3FD2] =	sst s25  }
0xa6: {  	s5 =	sshll.u32 s26, $0x1;
	_ =	strace $0x80000046;
	[dreg:$0x1] =	wrdreg $0xFFFFFFFF  }
0xa7: {  	s28 =	simm.s32 $_size_execute0_lowered;
	s3 =	sadd.s32 s3, s5;
	[dreg:$0x0] =	wrdreg $0x0  }
0xa8: {  	s5 =	sshll.u32 s28, $0x1;
	[dreg:$0x2] =	wrdreg s3  }
0xa9: {  	[dreg:$0x3] =	wrdreg s5  }
0xaa: {  	[dreg:$0x4] =	wrdreg $0xC0  }
0xab: {  	_ =	task [dreg:s7], $0x5FFFF  }
0xac: {  	[dreg:$0x1] =	wrdreg $0xFFFFFFFF  }
0xad: {  	[dreg:$0x0] =	wrdreg $0x60  }
0xae: {  	[dreg:$0x2] =	wrdreg s2  }
0xaf: {  	[dreg:$0x3] =	wrdreg s24  }
0xb0: {  	[dreg:$0x4] =	wrdreg $0x9  }
0xb1: {  	_ =	task.clear_ibuf [dreg:s7], $0x5FFFF;
	_ =	strace $0x90000046  }
0xb2: {  	s29 =	simm.s32 $0x9;
	_ =	strace $0x80000048  }
0xb3: {  	_ =	swait.ge [sflag:s29], $0x1  }
0xb4: {  	[sflag:s29] =	ssyncadd.s32 $0xFFFFFFFF  }
0xb5: {  	_ =	strace $0x90000048  }
0xb6: {  	_ =	sfence  }
0xb7: {  	s30 =	sld [smem:$0x0];
	_ =	sdelay $0x2  }
0xb8: {  	s31 =	sshll.u32 s1, $0xD;
	s1 =	sshrl.u32 s1, $0x2  }
0xb9: {  	s3 =	sand.u32 $0x4000, s31;
	s1 =	sadd.s32 s1, s30  }
0xba: {  	s0 =	sor.u32 s3, s0;
	s1 =	sshll.u32 s1, $0x11  }
0xbb: {  	s0 =	sor.u32 s1, s0  }
0xbc: {  	s0 =	sadd.s32 $0x8F2B, s0  }
0xbd: {  	[sflag:s0] =	ssyncadd.remote.s32 $0x1  }
0xbe: {  	_ =	sfence.sel $0xFFFF  }
0xbf: {  	[dreg:$0x0] =	wrdreg $0xFFFFFFFF;
	(pc) =	sbr.abs _section_cstart, $3  }
0xc0: {  	[dreg:$0x1] =	wrdreg $0xFFFFFFFF  }
0xc1: {  	_ =	task.clear_ibuf [dreg:s7], $0x2FFFF;
	_ =	strace $0x9FFFFFFF  }
0xc2: {  	(tm) =	ssettm $0x7FFFFFFF  }
0xc3: {  	_ =	shalt  }
tec
execute0_lowered:
.L_overlay_start_1:
0x0: {  	(tag) =	ssettag $0x1  }
0x1: {  	s1 =	rddreg [dreg:$0x0]  }
0x2: {  	s3 =	rddreg [dreg:$0x1];
	s4 =	srdreg.scid  }
0x3: {  	s0 =	rddreg [dreg:$0x2];
	s2 =	simm.s32 $0x0;
	s11 =	simm.s32 $0x400  }
0x4: {  	s12 =	simm.s32 $0x1;
	s13 =	simm.s32 $0x12000;
	s14 =	simm.s32 $0x10000  }
0x5: {  	s15 =	simm.s32 $0x14100;
	s16 =	simm.s32 $0x14180;
	s17 =	simm.s32 $0x2  }
0x6: {  	s18 =	simm.s32 $0x0;
	s6 =	sand.u32 $0x1, s4;
	[smem:$0x7FF] =	sst s2  }
0x7: {  	s4 =	sadd.s32 $0x800, s3;
	s5 =	sadd.s32 $0x1000, s3;
	s3 =	stileid.u32  }
.Ltmp0:
0x8: {  	s7 =	ssub.s32 $0x2, s6;
	_ =	strace $0x80000047;
	(pc) =	sbr.rel .LBB2_1-.Ltmp0, $4  }
0x9: {  	s28 =	sshll.u32 s3, $0x3;
	s29 =	sshll.u32 s6, $0x2;
	s10 =	sshll.u32 s6, $0x6  }
0xa: {  	s30 =	sshll.u32 s3, $0xF;
	s8 =	sshrl.u32 s7, $0x1;
	s6 =	sor.u32 s29, s28  }
0xb: {  	v0 =	vlaneseq.u32;
	s31 =	sadd.s32 s1, s10;
	s10 =	simm.s32 $0x80;
	s9 =	ssub.s32 s7, s8  }
0xc: {  	v1 =	vimm.f32 $-Inf;
	v2 =	vimm.s32 $0x0;
	v3 =	vor.u32 $0x1000, v0;
	s7 =	sadd.s32 s30, s31;
	s8 =	sshll.u32 s3, $0x7;
	s9 =	smax.u32 s9, $0x1  }
.LBB2_36:
0xd: {  	s18 =	sadd.s32 $0x1, s18  }
0xe: {  	p0 =	sne.s32 s18, s9  }
.Ltmp1:
0xf: {  	_ = 	snop;
	(pc) =	sbr.rel @!p0 .LBB2_37-.Ltmp1, $1  }
0x10: {  	_ =	sdelay $0x3  }
.LBB2_1:
0x11: {  	[tilespmem:s2], [sflag:$0x1] =	stream.strided.gather [hbm4b:s7+s10], $0x8000, s11, s10, $0x38;
	[tilespmem:$0x14200] =	vst v63  }
0x12: {  	p0 =	por $0x0, $0x0;
	s20 =	simm.s32 $0x0  }
.LBB2_2:
0x13: {  	s19 =	simm.s32 $0x1  }
0x14: {  	s19 =	simm.s32 @!p0 $0x0  }
0x15: {  	s22 =	simm.s32 $0x0;
	s19 =	sshll.u32 s19, $0xF  }
0x16: {  	s21 =	sor.u32 $0x80, s19;
	s23 =	sor.u32 $0x200, s19;
	s19 =	simm.s32 $0x200  }
.LBB2_3:
0x17: {  	p1 =	sne.s32 s19, $0x7E00;
	[tilespmem:s22+$0x10000] =	vst v1;
	s22 =	smov.u32 s19;
	s19 =	sadd.s32 $0x200, s19  }
.Ltmp2:
0x18: {  	(pc) =	sbr.rel @p1 .LBB2_3-.Ltmp2, $2  }
0x19: {  	_ =	sdelay $0x2  }
0x1a: {  	s22 =	sshra.s32 s22, $0x2  }
0x1b: {  	[tilespmem:s22+$0x10000] =	vst v1;
	s25 =	sadd.s32 s6, s20;
	p1 =	seq.s32 s20, $0x3  }
0x1c: {  	s19 =	sadd.s32 $0x1, s20;
	_ =	swait.ge [sflag:s12], $0x8000;
	s22 =	sadd.s32 @!p1 $0x1, s25  }
0x1d: {  	s26 =	sshll.u32 @!p1 s19, $0xF;
	s28 =	simm.s32 @!p1 $0x400;
	s24 =	sshll.u32 @!p1 s22, $0x4  }
0x1e: {  	[sflag:s12] =	ssyncset.done $0x0;
	s22 =	sshll.u32 @!p1 s22, $0xC;
	s24 =	sand.u32 @!p1 $0x70, s24  }
0x1f: {  	s26 =	sand.u32 @!p1 $0x8000, s26;
	s22 =	sand.u32 @!p1 $0xFFF8000, s22;
	s24 =	sadd.s32 @!p1 s1, s24  }
0x20: {  	[sflag:s12] =	ssyncadd.s32 $0xFFFF8000;
	s22 =	sadd.s32 @!p1 s22, s24;
	s24 =	simm.s32 @!p1 $0x80  }
0x21: {  	[tilespmem:s26], [sflag:$0x1] =	stream.strided.gather @!p1 [hbm4b:s22+s24], $0x8000, s28, s24, $0x38;
	[tilespmem:$0x14200] =	vst v63  }
0x22: {  	v4 =	vld [tilespmem:s21+$0x70]  }
0x23: {  	v5 =	vld [tilespmem:s21+$0xFFFFFFA0]  }
0x24: {  	v6 =	vld [tilespmem:s21+$0xFFFFFF80]  }
0x25: {  	v8 =	vld [tilespmem:s21+$0xFFFFFF90]  }
0x26: {  	v10 =	vld [tilespmem:s21+$0x50]  }
0x27: {  	v13 =	vld [tilespmem:s21+$0xFFFFFFB0]  }
0x28: {  	v7 =	vimm.s32 $0x0;
	v16 =	vld [tilespmem:s21+$0x20]  }
0x29: {  	v9 =	vshll.u32 v7, $0x7;
	v21 =	vld [tilespmem:s21+$0x0]  }
0x2a: {  	v9 =	vand.u32 $0xF80, v9;
	s24 =	simm.s32 $0x0;
	v22 =	vld [tilespmem:s21+$0x30]  }
0x2b: {  	v12 =	vor.u32 v0, v9;
	v14 =	vor.u32 v3, v9;
	s26 =	simm.s32 $0x30;
	s28 =	simm.s32 $0x40;
	v11 =	vor.u32 s24, v0  }
0x2c: {  	v60 =	vor.u32 s26, v0;
	v62 =	vor.u32 s28, v0;
	vm0 =	vge.f32 v4, $2.700000050e+00  }
0x2d: {  	vm11 =	vge.f32 v6, $2.700000050e+00;
	vm12 =	vge.f32 v8, $2.700000050e+00;
	vm10 =	vge.f32 v5, $2.700000050e+00  }
0x2e: {  	s30 =	simm.s32 $0x10;
	vm1 =	vge.f32 v10, $2.700000050e+00;
	vm14 =	vge.f32 v13, $2.700000050e+00;
	vm3 =	vge.f32 v16, $2.700000050e+00  }
0x2f: {  	v6 =	vld [tilespmem:s21+$0xFFFFFFC0];
	v16 =	vor.u32 s30, v0;
	vm6 =	vge.f32 v21, $2.700000050e+00;
	vm5 =	vge.f32 v22, $2.700000050e+00  }
0x30: {  	v5 =	vld [tilespmem:s21+$0x40];
	v4 =	vsel vm0, $0x1, v2;
	v9 =	vsel vm11, $0x1, v2;
	v15 =	vsel vm10, $0x1, v2  }
0x31: {  	v13 =	vld [tilespmem:s21+$0x10];
	v19 =	vsel vm14, $0x1, v2;
	v8 =	vadd.s32 v9, v7;
	v9 =	vsel vm12, $0x1, v2  }
0x32: {  	v10 =	vld [tilespmem:s21+$0xFFFFFFE0];
	v7 =	vadd.s32 v9, v7;
	v9 =	vshll.u32 v8, $0x7;
	v8 =	vadd.s32 v15, v8  }
0x33: {  	v24 =	vsel vm6, $0x1, v2;
	v9 =	vand.u32 $0xF80, v9;
	v17 =	vshll.u32 v8, $0x7  }
0x34: {  	v15 =	vld [tilespmem:s21+$0xFFFFFFD0];
	v18 =	vor.u32 v0, v9;
	v9 =	vand.u32 $0xF80, v17;
	v17 =	vshll.u32 v7, $0x7  }
0x35: {  	s31 =	simm.s32 $0x20;
	vm13 =	vge.f32 v6, $2.700000050e+00;
	vm2 =	vge.f32 v5, $2.700000050e+00;
	v5 =	vadd.s32 v19, v7  }
0x36: {  	v6 =	vld [tilespmem:s21+$0xFFFFFFF0];
	v7 =	vsel vm3, $0x1, v2;
	v19 =	vor.u32 s31, v0;
	vm4 =	vge.f32 v13, $2.700000050e+00  }
0x37: {  	vm9 =	vge.f32 v10, $2.700000050e+00;
	v17 =	vand.u32 $0xF80, v17;
	v20 =	vor.u32 v0, v9  }
0x38: {  	v9 =	vsel vm13, $0x1, v2;
	v10 =	vsel vm9, $0x1, v2;
	v25 =	vsel vm4, $0x1, v2  }
0x39: {  	v17 =	vor.u32 v3, v17;
	v23 =	vadd.s32 v9, v8;
	vm7 =	vge.f32 v15, $2.700000050e+00  }
0x3a: {  	v15 =	vshll.u32 v5, $0x7;
	v10 =	vadd.s32 v10, v23;
	v8 =	vsel vm7, $0x1, v2  }
0x3b: {  	v9 =	vadd.s32 v8, v5;
	v5 =	vshll.u32 v23, $0x7;
	vm8 =	vge.f32 v6, $2.700000050e+00  }
0x3c: {  	v6 =	vsel vm2, $0x1, v2;
	v5 =	vand.u32 $0xF80, v5;
	v13 =	vshll.u32 v9, $0x7  }
0x3d: {  	v26 =	vsel vm8, $0x1, v2;
	v8 =	vor.u32 v0, v5;
	v13 =	vand.u32 $0xF80, v13  }
0x3e: {  	v5 =	vld [tilespmem:s21+$0x60];
	v61 =	vadd.s32 v26, v9;
	[tilespmem:v12+s13+$0x0] =	vst.idx.msk vm11, v11;
	v12 =	vand.u32 $0xF80, v15;
	v11 =	vsel vm1, $0x1, v2  }
0x3f: {  	v9 =	vor.u32 v3, v13;
	v13 =	vsel vm5, $0x1, v2;
	[tilespmem:v14+s13+$0x0] =	vst.idx.msk vm12, v16;
	v63 =	vadd.s32 v25, v61  }
0x40: {  	s29 =	simm.s32 $0x50;
	v14 =	vshll.u32 v61, $0x7;
	v12 =	vor.u32 v3, v12;
	v16 =	vshll.u32 v10, $0x7;
	[tilespmem:v18+s13+$0x0] =	vst.idx.msk vm10, v19  }
0x41: {  	s26 =	smov.u32 s21;
	s30 =	sshll.u32 s20, $0xF;
	s31 =	sshll.u32 s25, $0x4;
	v15 =	vand.u32 $0xF80, v14;
	v14 =	vadd.s32 v24, v10;
	v16 =	vand.u32 $0xF80, v16;
	[tilespmem:v17+s13+$0x0] =	vst.idx.msk vm14, v60  }
0x42: {  	s22 =	sand.u32 $0x8000, s30;
	s25 =	simm.s32 $0x100;
	s20 =	sand.u32 $0x70, s31;
	v13 =	vadd.s32 v13, v63;
	v10 =	vor.u32 v3, v15;
	v15 =	vshll.u32 v63, $0x7;
	[tilespmem:v20+s13+$0x0] =	vst.idx.msk vm13, v62  }
.LBB2_5:
0x43: {  	p1 =	sne.s32 s25, $0x7F00  }
0x44: {  	v16 =	vor.u32 v0, v16;
	v17 =	vshll.u32 v14, $0x7;
	v7 =	vadd.s32 v7, v14;
	s26 =	sadd.s32 $0x100, s26;
	s28 =	smov.u32 s25;
	s25 =	sadd.s32 $0x100, s25  }
0x45: {  	s30 =	sadd.s32 $0x60, s24;
	v14 =	vor.u32 s29, v0;
	v15 =	vand.u32 $0xF80, v15;
	v17 =	vand.u32 $0xF80, v17  }
0x46: {  	s29 =	sadd.s32 $0x70, s24;
	[tilespmem:v12+s13+$0x0] =	vst.idx.msk vm7, v14;
	v12 =	vor.u32 s30, v0;
	v14 =	vor.u32 v3, v15;
	v15 =	vshll.u32 v13, $0x7  }
0x47: {  	s30 =	sadd.s32 $0x80, s24;
	[tilespmem:v8+s13+$0x0] =	vst.idx.msk vm9, v12;
	v8 =	vor.u32 s29, v0;
	v12 =	vshll.u32 v7, $0x7;
	v15 =	vand.u32 $0xF80, v15  }
0x48: {  	vm7 =	vge.f32 v5, $2.700000050e+00;
	s29 =	sadd.s32 $0x90, s24;
	[tilespmem:v9+s13+$0x0] =	vst.idx.msk vm8, v8;
	v8 =	vor.u32 s30, v0;
	v9 =	vor.u32 v3, v15  }
0x49: {  	v5 =	vor.u32 s29, v0;
	[tilespmem:v16+s13+$0x0] =	vst.idx.msk vm6, v8;
	v8 =	vadd.s32 v11, v13;
	v11 =	vsel vm7, $0x1, v2  }
0x4a: {  	[tilespmem:v10+s13+$0x0] =	vst.idx.msk vm4, v5;
	v5 =	vor.u32 v0, v17;
	v10 =	vand.u32 $0xF80, v12;
	v12 =	vadd.s32 v4, v8  }
0x4b: {  	v8 =	vshll.u32 v8, $0x7;
	v4 =	vshll.u32 v12, $0x7;
	v10 =	vor.u32 v0, v10  }
0x4c: {  	v6 =	vadd.s32 v6, v7;
	v7 =	vand.u32 $0xF80, v8;
	v4 =	vand.u32 $0xF80, v4  }
0x4d: {  	s29 =	sadd.s32 $0xA0, s24;
	v8 =	vshll.u32 v6, $0x7;
	v6 =	vadd.s32 v11, v6;
	v7 =	vor.u32 v3, v7  }
0x4e: {  	s30 =	sadd.s32 $0xB0, s24;
	v11 =	vor.u32 s29, v0;
	v8 =	vand.u32 $0xF80, v8  }
0x4f: {  	s29 =	sadd.s32 $0xC0, s24;
	v13 =	vshll.u32 v6, $0x7;
	v8 =	vor.u32 v0, v8;
	[tilespmem:v5+s13+$0x0] =	vst.idx.msk vm3, v11;
	v5 =	vor.u32 s30, v0  }
0x50: {  	v11 =	vand.u32 $0xF80, v13;
	s30 =	sadd.s32 $0xD0, s24;
	[tilespmem:v14+s13+$0x0] =	vst.idx.msk vm5, v5;
	v5 =	vor.u32 s29, v0  }
0x51: {  	s29 =	sadd.s32 $0xE0, s24;
	[tilespmem:v10+s13+$0x0] =	vst.idx.msk vm2, v5;
	v5 =	vor.u32 s30, v0  }
0x52: {  	s30 =	sadd.s32 $0xF0, s24;
	s24 =	smov.u32 s28;
	[tilespmem:v9+s13+$0x0] =	vst.idx.msk vm1, v5;
	v5 =	vor.u32 s29, v0  }
0x53: {  	v9 =	vor.u32 s30, v0  }
0x54: {  	[tilespmem:v8+s13+$0x0] =	vst.idx.msk vm7, v5  }
0x55: {  	[tilespmem:v7+s13+$0x0] =	vst.idx.msk vm0, v9  }
0x56: {  	v7 =	vld [tilespmem:s26+$0x70]  }
0x57: {  	v5 =	vld [tilespmem:s26+$0x60]  }
0x58: {  	v8 =	vld [tilespmem:s26+$0xFFFFFFA0]  }
0x59: {  	v9 =	vld [tilespmem:s26+$0xFFFFFF80]  }
0x5a: {  	v10 =	vld [tilespmem:s26+$0xFFFFFF90]  }
0x5b: {  	v13 =	vld [tilespmem:s26+$0xFFFFFFB0]  }
0x5c: {  	v14 =	vld [tilespmem:s26+$0xFFFFFFC0]  }
0x5d: {  	v11 =	vor.u32 v0, v11;
	v16 =	vor.u32 s24, v0;
	vm0 =	vge.f32 v7, $2.700000050e+00;
	v15 =	vld [tilespmem:s26+$0x50]  }
0x5e: {  	v7 =	vld [tilespmem:s26+$0x40];
	vm2 =	vge.f32 v9, $2.700000050e+00;
	v9 =	vor.u32 v3, v4;
	v4 =	vsel vm0, $0x1, v2  }
0x5f: {  	vm4 =	vge.f32 v8, $2.700000050e+00;
	v17 =	vld [tilespmem:s26+$0x30];
	v18 =	vsel vm2, $0x1, v2;
	vm6 =	vge.f32 v10, $2.700000050e+00  }
0x60: {  	v8 =	vld [tilespmem:s26+$0xFFFFFFD0];
	v6 =	vadd.s32 v18, v6;
	v10 =	vsel vm6, $0x1, v2;
	v18 =	vsel vm4, $0x1, v2  }
0x61: {  	v19 =	vld [tilespmem:s26+$0x20];
	v10 =	vadd.s32 v10, v12;
	v12 =	vshll.u32 v6, $0x7;
	v6 =	vadd.s32 v18, v6  }
0x62: {  	v18 =	vld [tilespmem:s26+$0xFFFFFFE0];
	v12 =	vand.u32 $0xF80, v12;
	v20 =	vshll.u32 v6, $0x7;
	vm1 =	vge.f32 v15, $2.700000050e+00  }
0x63: {  	vm5 =	vge.f32 v13, $2.700000050e+00;
	v15 =	vld [tilespmem:s26+$0xFFFFFFF0];
	v12 =	vor.u32 v0, v12;
	v13 =	vand.u32 $0xF80, v20  }
0x64: {  	v22 =	vsel vm5, $0x1, v2;
	vm10 =	vge.f32 v14, $2.700000050e+00;
	v21 =	vshll.u32 v10, $0x7;
	v20 =	vld [tilespmem:s26+$0x10]  }
0x65: {  	s28 =	sadd.s32 $0x10, s24;
	v23 =	vsel vm10, $0x1, v2;
	v21 =	vand.u32 $0xF80, v21;
	v13 =	vor.u32 v0, v13;
	v14 =	vld [tilespmem:s26+$0x0]  }
0x66: {  	[tilespmem:v11+s13+$0x0] =	vst.idx.msk vm2, v16;
	v11 =	vor.u32 v3, v21;
	vm3 =	vge.f32 v19, $2.700000050e+00;
	vm2 =	vge.f32 v7, $2.700000050e+00  }
0x67: {  	s29 =	sadd.s32 $0x20, s24;
	v10 =	vadd.s32 v22, v10;
	v16 =	vor.u32 s28, v0;
	v7 =	vsel vm3, $0x1, v2  }
0x68: {  	vm7 =	vge.f32 v8, $2.700000050e+00;
	[tilespmem:v9+s13+$0x0] =	vst.idx.msk vm6, v16;
	v9 =	vor.u32 s29, v0;
	v16 =	vshll.u32 v10, $0x7  }
0x69: {  	s28 =	sadd.s32 $0x30, s24;
	[tilespmem:v12+s13+$0x0] =	vst.idx.msk vm4, v9;
	v12 =	vadd.s32 v23, v6;
	v6 =	vsel vm7, $0x1, v2;
	vm4 =	vge.f32 v20, $2.700000050e+00  }
0x6a: {  	vm9 =	vge.f32 v18, $2.700000050e+00;
	v10 =	vadd.s32 v6, v10;
	v6 =	vshll.u32 v12, $0x7  }
0x6b: {  	s29 =	sadd.s32 $0x40, s24;
	vm8 =	vge.f32 v15, $2.700000050e+00;
	vm6 =	vge.f32 v14, $2.700000050e+00;
	v8 =	vand.u32 $0xF80, v6  }
0x6c: {  	v14 =	vsel vm9, $0x1, v2;
	v9 =	vshll.u32 v10, $0x7;
	v6 =	vsel vm2, $0x1, v2  }
0x6d: {  	v15 =	vor.u32 s28, v0;
	v19 =	vsel vm4, $0x1, v2;
	v18 =	vsel vm6, $0x1, v2  }
0x6e: {  	v8 =	vor.u32 v0, v8;
	v9 =	vand.u32 $0xF80, v9;
	[tilespmem:v11+s13+$0x0] =	vst.idx.msk vm5, v15;
	v11 =	vsel vm8, $0x1, v2  }
0x6f: {  	v9 =	vor.u32 v3, v9;
	v15 =	vor.u32 s29, v0;
	vm5 =	vge.f32 v17, $2.700000050e+00  }
.Ltmp3:
0x70: {  	v10 =	vadd.s32 v11, v10;
	v11 =	vsel vm1, $0x1, v2;
	[tilespmem:v13+s13+$0x0] =	vst.idx.msk vm10, v15;
	v13 =	vsel vm5, $0x1, v2;
	(pc) =	sbr.rel @p1 .LBB2_5-.Ltmp3, $4  }
0x71: {  	v14 =	vadd.s32 v14, v12;
	v15 =	vand.u32 $0xF80, v16;
	v16 =	vshll.u32 v10, $0x7  }
0x72: {  	v17 =	vadd.s32 v19, v10;
	v12 =	vor.u32 v3, v15;
	v15 =	vand.u32 $0xF80, v16  }
0x73: {  	v16 =	vshll.u32 v14, $0x7;
	v14 =	vadd.s32 v18, v14;
	v10 =	vor.u32 v3, v15  }
0x74: {  	s29 =	sadd.s32 $0x50, s24;
	v13 =	vadd.s32 v13, v17;
	v16 =	vand.u32 $0xF80, v16;
	v15 =	vshll.u32 v17, $0x7  }
0x75: {  	v17 =	vadd.s32 v7, v14;
	vm10 =	vge.f32 v5, $2.700000050e+00  }
0x76: {  	v5 =	vadd.s32 v11, v13;
	v7 =	vsel vm10, $0x1, v2;
	v6 =	vadd.s32 v6, v17  }
0x77: {  	v4 =	vadd.s32 v4, v5;
	v7 =	vadd.s32 v7, v6  }
0x78: {  	vm11 =	vgt.s32 v7, v4  }
0x79: {  	v18 =	vadd.s32 v7, v4;
	v46 =	vsel vm11, v7, v4  }
0x7a: {  	(xrf0) =	vadd.scan.msk.s32 $0xffff, v18;
	v11 =	vxor.u32 $0x80000000, v46  }
0x7b: {  	(xrf0) =	vmax.scan.msk.u32 $0xffff, v11;
	_ =	sdelay $0x4  }
0x7c: {  	v47, _, _ =	vpop (xrf0)  }
0x7d: {  	(v2sf) =	vpush v47, $0xF;
	v48, _, _ =	vpop (xrf0)  }
0x7e: {  	(v2sf) =	vpush v48, $0xF;
	_ =	sdelay $0x6  }
0x7f: {  	v49 =	vor.u32 v0, v16;
	v50 =	vshll.u32 v14, $0x7;
	v51 =	vor.u32 s29, v0  }
0x80: {  	s25 =	sadd.s32 $0x60, s24;
	v15 =	vand.u32 $0xF80, v15;
	s26 =	sadd.s32 $0x70, s24;
	v53 =	vshll.u32 v13, $0x7;
	v14 =	vand.u32 $0xF80, v50  }
0x81: {  	s31 =	sadd.s32 $0x80, s24;
	v52 =	vor.u32 s25, v0;
	v15 =	vor.u32 v3, v15;
	v54 =	vor.u32 s26, v0  }
0x82: {  	s28 =	sadd.s32 $0x90, s24;
	[tilespmem:v12+s13+$0x0] =	vst.idx.msk vm7, v51;
	v55 =	vshll.u32 v17, $0x7;
	v56 =	vor.u32 s31, v0;
	v14 =	vor.u32 v0, v14  }
0x83: {  	v58 =	vor.u32 s28, v0;
	v5 =	vshll.u32 v5, $0x7;
	[tilespmem:v8+s13+$0x0] =	vst.idx.msk vm9, v52;
	v16 =	vand.u32 $0xF80, v55  }
0x84: {  	s29 =	sadd.s32 $0xA0, s24;
	v8 =	vand.u32 $0xF80, v53;
	v6 =	vshll.u32 v6, $0x7;
	[tilespmem:v9+s13+$0x0] =	vst.idx.msk vm8, v54;
	v57 =	vor.u32 v0, v16  }
0x85: {  	s30 =	sadd.s32 $0xB0, s24;
	v59 =	vor.u32 s29, v0;
	s31 =	sadd.s32 $0xC0, s24;
	v8 =	vor.u32 v3, v8;
	v6 =	vand.u32 $0xF80, v6;
	[tilespmem:v49+s13+$0x0] =	vst.idx.msk vm6, v56  }
0x86: {  	v60 =	vor.u32 s30, v0;
	s28 =	sadd.s32 $0xD0, s24;
	s29 =	sadd.s32 $0xE0, s24;
	v5 =	vand.u32 $0xF80, v5;
	v6 =	vor.u32 v0, v6;
	[tilespmem:v10+s13+$0x0] =	vst.idx.msk vm4, v58;
	s30 =	spop (v2sf)  }
0x87: {  	v61 =	vor.u32 s31, v0;
	s31 =	sadd.s32 $0xF0, s24;
	v5 =	vor.u32 v3, v5;
	[tilespmem:v14+s13+$0x0] =	vst.idx.msk vm3, v59;
	p1 =	slt.s32 s30, $0x40;
	s24 =	spop (v2sf)  }
0x88: {  	[tilespmem:v15+s13+$0x0] =	vst.idx.msk vm5, v60;
	p2 =	slt.u32 @!p1 s24, $0x80000021  }
0x89: {  	v62 =	vor.u32 s28, v0;
	[tilespmem:v57+s13+$0x0] =	vst.idx.msk vm2, v61;
	p2 =	por p1, !p2  }
.Ltmp4:
0x8a: {  	[tilespmem:v8+s13+$0x0] =	vst.idx.msk vm1, v62;
	v8 =	vor.u32 s29, v0;
	(pc) =	sbr.rel @!p2 .LBB2_17-.Ltmp4, $4  }
0x8b: {  	v63 =	vor.u32 s31, v0;
	[tilespmem:v6+s13+$0x0] =	vst.idx.msk vm10, v8  }
0x8c: {  	[tilespmem:v5+s13+$0x0] =	vst.idx.msk vm0, v63  }
0x8d: {  	[tilespmem:$0x14000] =	vst v7  }
0x8e: {  	[tilespmem:$0x14080] =	vst v4  }
0x8f: {  	s24 =	simm.s32 $0x0  }
0x90: {  	s24 =	simm.s32 @p1 $0x0  }
0x91: {  	v8 =	vmov s23;
	p3 =	sne.s32 s24, $0x1F000  }
.Ltmp5:
0x92: {  	_ = 	snop;
	(pc) =	sbr.rel @!p3 .LBB2_8-.Ltmp5, $3  }
0x93: {  	_ =	sdelay $0x1  }
0x94: {  	v4 =	vpsel p1, $0xFF800000, v1;
	s23 =	sshra.s32 s24, $0x2  }
0x95: {  	v5 =	vpsel p1, $0xFF800000, v1;
	v6 =	vpsel p1, $0xFF800000, v1;
	v7 =	vpsel p1, $0xFF800000, v1;
	p2 =	por $0x0, $0x0;
	p1 =	por $0x0, $0x0;
	s25 =	sadd.s32 $0x1000, s24;
	v22 =	vld.idx.msk [tilespmem:v8+s23+$0xFFFFFE00 ss:$0x1], $0xffff  }
0x96: {  	_ =	sdelay $0x3  }
0x97: {  	v9 =	vld.idx.msk [tilespmem:v8+s23+$0xFFFFFE10 ss:$0x1], $0xffff  }
0x98: {  	v10 =	vld.idx.msk [tilespmem:v8+s23+$0xFFFFFE20 ss:$0x1], $0xffff  }
0x99: {  	v11 =	vld.idx.msk [tilespmem:v8+s23+$0xFFFFFE30 ss:$0x1], $0xffff  }
0x9a: {  	v12 =	vld.idx.msk [tilespmem:v8+s23+$0xFFFFFE40 ss:$0x1], $0xffff  }
0x9b: {  	v13 =	vld.idx.msk [tilespmem:v8+s23+$0xFFFFFE50 ss:$0x1], $0xffff  }
0x9c: {  	v14 =	vld.idx.msk [tilespmem:v8+s23+$0xFFFFFE60 ss:$0x1], $0xffff  }
0x9d: {  	v15 =	vld.idx.msk [tilespmem:v8+s23+$0xFFFFFE70 ss:$0x1], $0xffff;
	v9 =	vmax.f32 v22, v9  }
0x9e: {  	v39 =	vld.idx.msk [tilespmem:v8+s23+$0xFFFFFEA0 ss:$0x1], $0xffff;
	v9 =	vmax.f32 v9, v10  }
0x9f: {  	v10 =	vld.idx.msk [tilespmem:v8+s23+$0xFFFFFE80 ss:$0x1], $0xffff;
	v9 =	vmax.f32 v9, v11  }
0xa0: {  	v11 =	vld.idx.msk [tilespmem:v8+s23+$0xFFFFFE90 ss:$0x1], $0xffff;
	v9 =	vmax.f32 v9, v12  }
0xa1: {  	v40 =	vld.idx.msk [tilespmem:v8+s23+$0xFFFFFEB0 ss:$0x1], $0xffff;
	v9 =	vmax.f32 v9, v13  }
0xa2: {  	v41 =	vld.idx.msk [tilespmem:v8+s23+$0xFFFFFEC0 ss:$0x1], $0xffff;
	v9 =	vmax.f32 v9, v14  }
0xa3: {  	v42 =	vld.idx.msk [tilespmem:v8+s23+$0xFFFFFF00 ss:$0x1], $0xffff;
	v9 =	vmax.f32 v9, v15  }
0xa4: {  	v15 =	vld.idx.msk [tilespmem:v8+s23+$0xFFFFFED0 ss:$0x1], $0xffff;
	v9 =	vmax.f32 v9, v10  }
0xa5: {  	v10 =	vld.idx.msk [tilespmem:v8+s23+$0xFFFFFEE0 ss:$0x1], $0xffff;
	v9 =	vmax.f32 v9, v11  }
0xa6: {  	v11 =	vld.idx.msk [tilespmem:v8+s23+$0xFFFFFEF0 ss:$0x1], $0xffff;
	v9 =	vmax.f32 v9, v39  }
0xa7: {  	v43 =	vld.idx.msk [tilespmem:v8+s23+$0xFFFFFF10 ss:$0x1], $0xffff;
	v9 =	vmax.f32 v9, v40  }
0xa8: {  	v44 =	vld.idx.msk [tilespmem:v8+s23+$0xFFFFFF20 ss:$0x1], $0xffff;
	v9 =	vmax.f32 v9, v41  }
0xa9: {  	v45 =	vld.idx.msk [tilespmem:v8+s23+$0xFFFFFF60 ss:$0x1], $0xffff;
	v9 =	vmax.f32 v9, v15  }
0xaa: {  	v15 =	vld.idx.msk [tilespmem:v8+s23+$0xFFFFFF30 ss:$0x1], $0xffff;
	v9 =	vmax.f32 v9, v10  }
0xab: {  	v10 =	vld.idx.msk [tilespmem:v8+s23+$0xFFFFFF40 ss:$0x1], $0xffff;
	v9 =	vmax.f32 v9, v11  }
0xac: {  	v11 =	vld.idx.msk [tilespmem:v8+s23+$0xFFFFFF50 ss:$0x1], $0xffff;
	v9 =	vmax.f32 v9, v42  }
0xad: {  	v46 =	vld.idx.msk [tilespmem:v8+s23+$0xFFFFFF70 ss:$0x1], $0xffff;
	v9 =	vmax.f32 v9, v43  }
0xae: {  	v47 =	vld.idx.msk [tilespmem:v8+s23+$0xFFFFFF80 ss:$0x1], $0xffff;
	v9 =	vmax.f32 v9, v44  }
0xaf: {  	v48 =	vld.idx.msk [tilespmem:v8+s23+$0xFFFFFFC0 ss:$0x1], $0xffff;
	v9 =	vmax.f32 v9, v15  }
0xb0: {  	v15 =	vld.idx.msk [tilespmem:v8+s23+$0xFFFFFF90 ss:$0x1], $0xffff;
	v9 =	vmax.f32 v9, v10  }
0xb1: {  	v10 =	vld.idx.msk [tilespmem:v8+s23+$0xFFFFFFA0 ss:$0x1], $0xffff;
	v9 =	vmax.f32 v9, v11  }
0xb2: {  	v11 =	vld.idx.msk [tilespmem:v8+s23+$0xFFFFFFB0 ss:$0x1], $0xffff;
	v9 =	vmax.f32 v9, v45  }
0xb3: {  	v49 =	vld.idx.msk [tilespmem:v8+s23+$0xFFFFFFD0 ss:$0x1], $0xffff;
	v9 =	vmax.f32 v9, v46  }
0xb4: {  	v50 =	vld.idx.msk [tilespmem:v8+s23+$0xFFFFFFE0 ss:$0x1], $0xffff;
	v9 =	vmax.f32 v9, v47  }
0xb5: {  	v51 =	vld.idx.msk [tilespmem:v8+s23+$0x20 ss:$0x1], $0xffff;
	v9 =	vmax.f32 v9, v15  }
0xb6: {  	v15 =	vld.idx.msk [tilespmem:v8+s23+$0xFFFFFFF0 ss:$0x1], $0xffff;
	v9 =	vmax.f32 v9, v10  }
0xb7: {  	v10 =	vld.idx.msk [tilespmem:v8+s23+$0x0 ss:$0x1], $0xffff;
	v9 =	vmax.f32 v9, v11  }
0xb8: {  	v11 =	vld.idx.msk [tilespmem:v8+s23+$0x10 ss:$0x1], $0xffff;
	v9 =	vmax.f32 v9, v48  }
0xb9: {  	v52 =	vld.idx.msk [tilespmem:v8+s23+$0x30 ss:$0x1], $0xffff;
	v9 =	vmax.f32 v9, v49  }
0xba: {  	v53 =	vld.idx.msk [tilespmem:v8+s23+$0x40 ss:$0x1], $0xffff;
	v9 =	vmax.f32 v9, v50  }
0xbb: {  	v54 =	vld.idx.msk [tilespmem:v8+s23+$0x80 ss:$0x1], $0xffff;
	v9 =	vmax.f32 v9, v15  }
0xbc: {  	v15 =	vld.idx.msk [tilespmem:v8+s23+$0x50 ss:$0x1], $0xffff;
	v9 =	vmax.f32 v9, v10  }
0xbd: {  	v10 =	vld.idx.msk [tilespmem:v8+s23+$0x60 ss:$0x1], $0xffff;
	v9 =	vmax.f32 v9, v11  }
0xbe: {  	v11 =	vld.idx.msk [tilespmem:v8+s23+$0x70 ss:$0x1], $0xffff;
	v9 =	vmax.f32 v9, v51  }
0xbf: {  	v55 =	vld.idx.msk [tilespmem:v8+s23+$0x90 ss:$0x1], $0xffff;
	v9 =	vmax.f32 v9, v52  }
0xc0: {  	v56 =	vld.idx.msk [tilespmem:v8+s23+$0xA0 ss:$0x1], $0xffff;
	v9 =	vmax.f32 v9, v53  }
0xc1: {  	v57 =	vld.idx.msk [tilespmem:v8+s23+$0xE0 ss:$0x1], $0xffff;
	v9 =	vmax.f32 v9, v15  }
0xc2: {  	v15 =	vld.idx.msk [tilespmem:v8+s23+$0xB0 ss:$0x1], $0xffff;
	v9 =	vmax.f32 v9, v10  }
0xc3: {  	v10 =	vld.idx.msk [tilespmem:v8+s23+$0xC0 ss:$0x1], $0xffff;
	v9 =	vmax.f32 v9, v11  }
0xc4: {  	v11 =	vld.idx.msk [tilespmem:v8+s23+$0xD0 ss:$0x1], $0xffff;
	v9 =	vmax.f32 v9, v54  }
0xc5: {  	v58 =	vld.idx.msk [tilespmem:v8+s23+$0xF0 ss:$0x1], $0xffff;
	v9 =	vmax.f32 v9, v55  }
0xc6: {  	v59 =	vld.idx.msk [tilespmem:v8+s23+$0x100 ss:$0x1], $0xffff;
	v9 =	vmax.f32 v9, v56  }
0xc7: {  	v60 =	vld.idx.msk [tilespmem:v8+s23+$0x140 ss:$0x1], $0xffff;
	v9 =	vmax.f32 v9, v15  }
0xc8: {  	v15 =	vld.idx.msk [tilespmem:v8+s23+$0x110 ss:$0x1], $0xffff;
	v9 =	vmax.f32 v9, v10  }
0xc9: {  	v10 =	vld.idx.msk [tilespmem:v8+s23+$0x120 ss:$0x1], $0xffff;
	v9 =	vmax.f32 v9, v11  }
0xca: {  	v11 =	vld.idx.msk [tilespmem:v8+s23+$0x130 ss:$0x1], $0xffff;
	v9 =	vmax.f32 v9, v57  }
0xcb: {  	v61 =	vld.idx.msk [tilespmem:v8+s23+$0x150 ss:$0x1], $0xffff;
	v9 =	vmax.f32 v9, v58  }
0xcc: {  	v62 =	vld.idx.msk [tilespmem:v8+s23+$0x160 ss:$0x1], $0xffff;
	v9 =	vmax.f32 v9, v59  }
0xcd: {  	v63 =	vld.idx.msk [tilespmem:v8+s23+$0x1A0 ss:$0x1], $0xffff;
	v9 =	vmax.f32 v9, v15  }
0xce: {  	v15 =	vld.idx.msk [tilespmem:v8+s23+$0x170 ss:$0x1], $0xffff;
	v9 =	vmax.f32 v9, v10  }
0xcf: {  	v10 =	vld.idx.msk [tilespmem:v8+s23+$0x180 ss:$0x1], $0xffff;
	v9 =	vmax.f32 v9, v11  }
0xd0: {  	v11 =	vld.idx.msk [tilespmem:v8+s23+$0x190 ss:$0x1], $0xffff;
	v9 =	vmax.f32 v9, v60  }
0xd1: {  	v16 =	vld.idx.msk [tilespmem:v8+s23+$0x1B0 ss:$0x1], $0xffff;
	p3 =	sne.s32 s25, $0x1F000;
	v9 =	vmax.f32 v9, v61  }
.Ltmp6:
0xd2: {  	v17 =	vld.idx.msk [tilespmem:v8+s23+$0x1C0 ss:$0x1], $0xffff;
	v9 =	vmax.f32 v9, v62;
	(pc) =	sbr.rel @!p3 .LBB2_10-.Ltmp6, $4  }
0xd3: {  	v18 =	vld.idx.msk [tilespmem:v8+s23+$0x1D0 ss:$0x1], $0xffff;
	v9 =	vmax.f32 v9, v15  }
0xd4: {  	v19 =	vld.idx.msk [tilespmem:v8+s23+$0x1E0 ss:$0x1], $0xffff;
	v9 =	vmax.f32 v9, v10  }
0xd5: {  	s24 =	sshra.s32 s25, $0x2;
	v20 =	vld.idx.msk [tilespmem:v8+s23+$0x1F0 ss:$0x1], $0xffff;
	v9 =	vmax.f32 v9, v11  }
0xd6: {  	s25 =	sadd.s32 $0x1000, s25;
	p1 =	por $0x1, $0x1;
	v22 =	vld.idx.msk [tilespmem:v8+s24+$0xFFFFFE00 ss:$0x1], $0xffff;
	v21 =	vmax.f32 v9, v63  }
0xd7: {  	_ =	sdelay $0x3  }
0xd8: {  	v9 =	vld.idx.msk [tilespmem:v8+s24+$0xFFFFFE10 ss:$0x1], $0xffff  }
0xd9: {  	v10 =	vld.idx.msk [tilespmem:v8+s24+$0xFFFFFE20 ss:$0x1], $0xffff  }
0xda: {  	v11 =	vld.idx.msk [tilespmem:v8+s24+$0xFFFFFE30 ss:$0x1], $0xffff  }
0xdb: {  	v12 =	vld.idx.msk [tilespmem:v8+s24+$0xFFFFFE40 ss:$0x1], $0xffff  }
0xdc: {  	v13 =	vld.idx.msk [tilespmem:v8+s24+$0xFFFFFE50 ss:$0x1], $0xffff  }
0xdd: {  	v14 =	vld.idx.msk [tilespmem:v8+s24+$0xFFFFFE60 ss:$0x1], $0xffff;
	v9 =	vmax.f32 v22, v9  }
0xde: {  	v15 =	vld.idx.msk [tilespmem:v8+s24+$0xFFFFFE70 ss:$0x1], $0xffff;
	v9 =	vmax.f32 v9, v10  }
0xdf: {  	v10 =	vld.idx.msk [tilespmem:v8+s24+$0xFFFFFE80 ss:$0x1], $0xffff;
	v9 =	vmax.f32 v9, v11  }
0xe0: {  	v11 =	vld.idx.msk [tilespmem:v8+s24+$0xFFFFFE90 ss:$0x1], $0xffff;
	v9 =	vmax.f32 v9, v12  }
0xe1: {  	v12 =	vld.idx.msk [tilespmem:v8+s24+$0xFFFFFEA0 ss:$0x1], $0xffff;
	v9 =	vmax.f32 v9, v13  }
0xe2: {  	v13 =	vld.idx.msk [tilespmem:v8+s24+$0xFFFFFEB0 ss:$0x1], $0xffff;
	v9 =	vmax.f32 v9, v14  }
0xe3: {  	v14 =	vld.idx.msk [tilespmem:v8+s24+$0xFFFFFEC0 ss:$0x1], $0xffff;
	v9 =	vmax.f32 v9, v15  }
0xe4: {  	v15 =	vld.idx.msk [tilespmem:v8+s24+$0xFFFFFED0 ss:$0x1], $0xffff;
	v9 =	vmax.f32 v9, v10  }
0xe5: {  	v10 =	vld.idx.msk [tilespmem:v8+s24+$0xFFFFFEE0 ss:$0x1], $0xffff;
	v9 =	vmax.f32 v9, v11  }
0xe6: {  	v11 =	vld.idx.msk [tilespmem:v8+s24+$0xFFFFFEF0 ss:$0x1], $0xffff;
	v9 =	vmax.f32 v9, v12  }
0xe7: {  	v12 =	vld.idx.msk [tilespmem:v8+s24+$0xFFFFFF00 ss:$0x1], $0xffff;
	v9 =	vmax.f32 v9, v13  }
0xe8: {  	v13 =	vld.idx.msk [tilespmem:v8+s24+$0xFFFFFF10 ss:$0x1], $0xffff;
	v9 =	vmax.f32 v9, v14  }
0xe9: {  	v14 =	vld.idx.msk [tilespmem:v8+s24+$0xFFFFFF20 ss:$0x1], $0xffff;
	v9 =	vmax.f32 v9, v15  }
0xea: {  	v15 =	vld.idx.msk [tilespmem:v8+s24+$0xFFFFFF30 ss:$0x1], $0xffff;
	v9 =	vmax.f32 v9, v10  }
0xeb: {  	v10 =	vld.idx.msk [tilespmem:v8+s24+$0xFFFFFF40 ss:$0x1], $0xffff;
	v9 =	vmax.f32 v9, v11  }
0xec: {  	v11 =	vld.idx.msk [tilespmem:v8+s24+$0xFFFFFF50 ss:$0x1], $0xffff;
	v9 =	vmax.f32 v9, v12  }
0xed: {  	v12 =	vld.idx.msk [tilespmem:v8+s24+$0xFFFFFF60 ss:$0x1], $0xffff;
	v9 =	vmax.f32 v9, v13  }
0xee: {  	v13 =	vld.idx.msk [tilespmem:v8+s24+$0xFFFFFF70 ss:$0x1], $0xffff;
	v9 =	vmax.f32 v9, v14  }
0xef: {  	v14 =	vld.idx.msk [tilespmem:v8+s24+$0xFFFFFF80 ss:$0x1], $0xffff;
	v9 =	vmax.f32 v9, v15  }
0xf0: {  	v15 =	vld.idx.msk [tilespmem:v8+s24+$0xFFFFFF90 ss:$0x1], $0xffff;
	v9 =	vmax.f32 v9, v10  }
0xf1: {  	v10 =	vld.idx.msk [tilespmem:v8+s24+$0xFFFFFFA0 ss:$0x1], $0xffff;
	v9 =	vmax.f32 v9, v11  }
0xf2: {  	v11 =	vld.idx.msk [tilespmem:v8+s24+$0xFFFFFFB0 ss:$0x1], $0xffff;
	v9 =	vmax.f32 v9, v12  }
0xf3: {  	v12 =	vld.idx.msk [tilespmem:v8+s24+$0xFFFFFFC0 ss:$0x1], $0xffff;
	v9 =	vmax.f32 v9, v13  }
0xf4: {  	v13 =	vld.idx.msk [tilespmem:v8+s24+$0xFFFFFFD0 ss:$0x1], $0xffff;
	v9 =	vmax.f32 v9, v14  }
0xf5: {  	v14 =	vld.idx.msk [tilespmem:v8+s24+$0xFFFFFFE0 ss:$0x1], $0xffff;
	v9 =	vmax.f32 v9, v15  }
0xf6: {  	v15 =	vld.idx.msk [tilespmem:v8+s24+$0xFFFFFFF0 ss:$0x1], $0xffff;
	v9 =	vmax.f32 v9, v10  }
0xf7: {  	v10 =	vld.idx.msk [tilespmem:v8+s24+$0x0 ss:$0x1], $0xffff;
	v9 =	vmax.f32 v9, v11  }
0xf8: {  	v11 =	vld.idx.msk [tilespmem:v8+s24+$0x10 ss:$0x1], $0xffff;
	v9 =	vmax.f32 v9, v12  }
0xf9: {  	v12 =	vld.idx.msk [tilespmem:v8+s24+$0x20 ss:$0x1], $0xffff;
	v9 =	vmax.f32 v9, v13  }
0xfa: {  	v13 =	vld.idx.msk [tilespmem:v8+s24+$0x30 ss:$0x1], $0xffff;
	v9 =	vmax.f32 v9, v14  }
0xfb: {  	v14 =	vld.idx.msk [tilespmem:v8+s24+$0x40 ss:$0x1], $0xffff;
	v9 =	vmax.f32 v9, v15  }
0xfc: {  	v15 =	vld.idx.msk [tilespmem:v8+s24+$0x50 ss:$0x1], $0xffff;
	v9 =	vmax.f32 v9, v10  }
0xfd: {  	v10 =	vld.idx.msk [tilespmem:v8+s24+$0x60 ss:$0x1], $0xffff;
	v9 =	vmax.f32 v9, v11  }
0xfe: {  	v11 =	vld.idx.msk [tilespmem:v8+s24+$0x70 ss:$0x1], $0xffff;
	v9 =	vmax.f32 v9, v12  }
0xff: {  	v12 =	vld.idx.msk [tilespmem:v8+s24+$0x80 ss:$0x1], $0xffff;
	v9 =	vmax.f32 v9, v13  }
0x100: {  	v13 =	vld.idx.msk [tilespmem:v8+s24+$0x90 ss:$0x1], $0xffff;
	v9 =	vmax.f32 v9, v14  }
0x101: {  	v14 =	vld.idx.msk [tilespmem:v8+s24+$0xA0 ss:$0x1], $0xffff;
	v9 =	vmax.f32 v9, v15  }
0x102: {  	v15 =	vld.idx.msk [tilespmem:v8+s24+$0xB0 ss:$0x1], $0xffff;
	v9 =	vmax.f32 v9, v10  }
0x103: {  	v10 =	vld.idx.msk [tilespmem:v8+s24+$0xC0 ss:$0x1], $0xffff;
	v9 =	vmax.f32 v9, v11  }
0x104: {  	v11 =	vld.idx.msk [tilespmem:v8+s24+$0xD0 ss:$0x1], $0xffff;
	v9 =	vmax.f32 v9, v12  }
0x105: {  	v12 =	vld.idx.msk [tilespmem:v8+s24+$0xE0 ss:$0x1], $0xffff;
	v9 =	vmax.f32 v9, v13  }
0x106: {  	v13 =	vld.idx.msk [tilespmem:v8+s24+$0xF0 ss:$0x1], $0xffff;
	v9 =	vmax.f32 v9, v14  }
0x107: {  	v14 =	vld.idx.msk [tilespmem:v8+s24+$0x100 ss:$0x1], $0xffff;
	v9 =	vmax.f32 v9, v15  }
0x108: {  	v15 =	vld.idx.msk [tilespmem:v8+s24+$0x110 ss:$0x1], $0xffff;
	v9 =	vmax.f32 v9, v10  }
0x109: {  	v10 =	vld.idx.msk [tilespmem:v8+s24+$0x120 ss:$0x1], $0xffff;
	v9 =	vmax.f32 v9, v11  }
0x10a: {  	v11 =	vld.idx.msk [tilespmem:v8+s24+$0x130 ss:$0x1], $0xffff;
	v9 =	vmax.f32 v9, v12  }
0x10b: {  	v12 =	vld.idx.msk [tilespmem:v8+s24+$0x140 ss:$0x1], $0xffff;
	v9 =	vmax.f32 v9, v13  }
0x10c: {  	v13 =	vld.idx.msk [tilespmem:v8+s24+$0x150 ss:$0x1], $0xffff;
	v9 =	vmax.f32 v9, v14  }
0x10d: {  	v14 =	vld.idx.msk [tilespmem:v8+s24+$0x160 ss:$0x1], $0xffff;
	v9 =	vmax.f32 v9, v15  }
0x10e: {  	v16 =	vmax.f32 v21, v16;
	v15 =	vld.idx.msk [tilespmem:v8+s24+$0x170 ss:$0x1], $0xffff;
	v9 =	vmax.f32 v9, v10  }
0x10f: {  	v21 =	vld.idx.msk [tilespmem:v8+s24+$0x180 ss:$0x1], $0xffff;
	v10 =	vmax.f32 v16, v17;
	v9 =	vmax.f32 v9, v11  }
0x110: {  	v22 =	vld.idx.msk [tilespmem:v8+s24+$0x190 ss:$0x1], $0xffff;
	v10 =	vmax.f32 v10, v18;
	v9 =	vmax.f32 v9, v12  }
0x111: {  	v10 =	vmax.f32 v10, v19;
	v9 =	vmax.f32 v9, v13  }
0x112: {  	v23 =	vld.idx.msk [tilespmem:v8+s24+$0x1A0 ss:$0x1], $0xffff;
	v11 =	vmax.f32 v10, v20;
	v9 =	vmax.f32 v9, v14  }
0x113: {  	p3 =	sne.s32 s25, $0x1F000;
	v16 =	vld.idx.msk [tilespmem:v8+s24+$0x1B0 ss:$0x1], $0xffff;
	v10 =	vmin.f32 v7, v11;
	v9 =	vmax.f32 v9, v15  }
.Ltmp7:
0x114: {  	v17 =	vld.idx.msk [tilespmem:v8+s24+$0x1C0 ss:$0x1], $0xffff;
	v12 =	vmin.f32 v6, v10;
	v9 =	vmax.f32 v9, v21;
	(pc) =	sbr.rel @!p3 .LBB2_12-.Ltmp7, $4  }
0x115: {  	v18 =	vld.idx.msk [tilespmem:v8+s24+$0x1D0 ss:$0x1], $0xffff;
	v13 =	vmin.f32 v5, v12;
	v14 =	vmax.f32 v9, v22  }
0x116: {  	v19 =	vld.idx.msk [tilespmem:v8+s24+$0x1E0 ss:$0x1], $0xffff  }
0x117: {  	s23 =	sshra.s32 s25, $0x2;
	v20 =	vld.idx.msk [tilespmem:v8+s24+$0x1F0 ss:$0x1], $0xffff;
	v15 =	vmov v5  }
0x118: {  	p2 =	por $0x1, $0x1;
	s24 =	sadd.s32 $0x1000, s25;
	v9 =	vmax.f32 v4, v13;
	v22 =	vld.idx.msk [tilespmem:v8+s23+$0xFFFFFE00 ss:$0x1], $0xffff;
	v21 =	vmax.f32 v14, v23;
	v13 =	vmovc v6;
	v14 =	vmov v7  }
.LBB2_13:
0x119: {  	p3 =	sne.s32 s24, $0x1F000;
	v23 =	vld.idx.msk [tilespmem:v8+s23+$0xFFFFFE10 ss:$0x1], $0xffff;
	v16 =	vmax.f32 v21, v16  }
0x11a: {  	v21 =	vld.idx.msk [tilespmem:v8+s23+$0xFFFFFE20 ss:$0x1], $0xffff;
	v16 =	vmax.f32 v16, v17  }
0x11b: {  	v17 =	vld.idx.msk [tilespmem:v8+s23+$0xFFFFFE30 ss:$0x1], $0xffff;
	v16 =	vmax.f32 v16, v18  }
0x11c: {  	v18 =	vld.idx.msk [tilespmem:v8+s23+$0xFFFFFE40 ss:$0x1], $0xffff;
	v16 =	vmax.f32 v16, v19  }
0x11d: {  	v14 =	vmax.f32 v14, v11;
	v19 =	vld.idx.msk [tilespmem:v8+s23+$0xFFFFFE50 ss:$0x1], $0xffff;
	v11 =	vmax.f32 v16, v20  }
0x11e: {  	v13 =	vmax.f32 v13, v10;
	v16 =	vld.idx.msk [tilespmem:v8+s23+$0xFFFFFE60 ss:$0x1], $0xffff;
	v10 =	vmin.f32 v14, v11  }
0x11f: {  	v15 =	vmax.f32 v15, v12;
	v20 =	vmax.f32 v22, v23;
	v22 =	vld.idx.msk [tilespmem:v8+s23+$0xFFFFFE70 ss:$0x1], $0xffff;
	v12 =	vmin.f32 v13, v10  }
0x120: {  	v20 =	vmax.f32 v20, v21;
	v21 =	vld.idx.msk [tilespmem:v8+s23+$0xFFFFFE80 ss:$0x1], $0xffff;
	v23 =	vmin.f32 v15, v12  }
0x121: {  	v17 =	vmax.f32 v20, v17;
	v20 =	vld.idx.msk [tilespmem:v8+s23+$0xFFFFFE90 ss:$0x1], $0xffff;
	v9 =	vmax.f32 v9, v23  }
0x122: {  	v17 =	vmax.f32 v17, v18;
	v18 =	vld.idx.msk [tilespmem:v8+s23+$0xFFFFFEA0 ss:$0x1], $0xffff  }
0x123: {  	v17 =	vmax.f32 v17, v19;
	v19 =	vld.idx.msk [tilespmem:v8+s23+$0xFFFFFEB0 ss:$0x1], $0xffff  }
0x124: {  	v16 =	vmax.f32 v17, v16;
	v17 =	vld.idx.msk [tilespmem:v8+s23+$0xFFFFFEC0 ss:$0x1], $0xffff  }
0x125: {  	v16 =	vmax.f32 v16, v22;
	v22 =	vld.idx.msk [tilespmem:v8+s23+$0xFFFFFED0 ss:$0x1], $0xffff  }
0x126: {  	v16 =	vmax.f32 v16, v21;
	v21 =	vld.idx.msk [tilespmem:v8+s23+$0xFFFFFEE0 ss:$0x1], $0xffff  }
0x127: {  	v16 =	vmax.f32 v16, v20;
	v20 =	vld.idx.msk [tilespmem:v8+s23+$0xFFFFFEF0 ss:$0x1], $0xffff  }
0x128: {  	v16 =	vmax.f32 v16, v18;
	v18 =	vld.idx.msk [tilespmem:v8+s23+$0xFFFFFF00 ss:$0x1], $0xffff  }
0x129: {  	v16 =	vmax.f32 v16, v19;
	v19 =	vld.idx.msk [tilespmem:v8+s23+$0xFFFFFF10 ss:$0x1], $0xffff  }
0x12a: {  	v16 =	vmax.f32 v16, v17;
	v17 =	vld.idx.msk [tilespmem:v8+s23+$0xFFFFFF20 ss:$0x1], $0xffff  }
0x12b: {  	v16 =	vmax.f32 v16, v22;
	v22 =	vld.idx.msk [tilespmem:v8+s23+$0xFFFFFF30 ss:$0x1], $0xffff  }
0x12c: {  	v16 =	vmax.f32 v16, v21;
	v21 =	vld.idx.msk [tilespmem:v8+s23+$0xFFFFFF40 ss:$0x1], $0xffff  }
0x12d: {  	v16 =	vmax.f32 v16, v20;
	v20 =	vld.idx.msk [tilespmem:v8+s23+$0xFFFFFF50 ss:$0x1], $0xffff  }
0x12e: {  	v16 =	vmax.f32 v16, v18;
	v18 =	vld.idx.msk [tilespmem:v8+s23+$0xFFFFFF60 ss:$0x1], $0xffff  }
0x12f: {  	v16 =	vmax.f32 v16, v19;
	v19 =	vld.idx.msk [tilespmem:v8+s23+$0xFFFFFF70 ss:$0x1], $0xffff  }
0x130: {  	v16 =	vmax.f32 v16, v17;
	v17 =	vld.idx.msk [tilespmem:v8+s23+$0xFFFFFF80 ss:$0x1], $0xffff  }
0x131: {  	v16 =	vmax.f32 v16, v22;
	v22 =	vld.idx.msk [tilespmem:v8+s23+$0xFFFFFF90 ss:$0x1], $0xffff  }
0x132: {  	v16 =	vmax.f32 v16, v21;
	v21 =	vld.idx.msk [tilespmem:v8+s23+$0xFFFFFFA0 ss:$0x1], $0xffff  }
0x133: {  	v16 =	vmax.f32 v16, v20;
	v20 =	vld.idx.msk [tilespmem:v8+s23+$0xFFFFFFB0 ss:$0x1], $0xffff  }
0x134: {  	v16 =	vmax.f32 v16, v18;
	v18 =	vld.idx.msk [tilespmem:v8+s23+$0xFFFFFFC0 ss:$0x1], $0xffff  }
0x135: {  	v16 =	vmax.f32 v16, v19;
	v19 =	vld.idx.msk [tilespmem:v8+s23+$0xFFFFFFD0 ss:$0x1], $0xffff  }
0x136: {  	v16 =	vmax.f32 v16, v17;
	v17 =	vld.idx.msk [tilespmem:v8+s23+$0xFFFFFFE0 ss:$0x1], $0xffff  }
0x137: {  	v16 =	vmax.f32 v16, v22;
	v22 =	vld.idx.msk [tilespmem:v8+s23+$0xFFFFFFF0 ss:$0x1], $0xffff  }
0x138: {  	v16 =	vmax.f32 v16, v21;
	v21 =	vld.idx.msk [tilespmem:v8+s23+$0x0 ss:$0x1], $0xffff  }
0x139: {  	v16 =	vmax.f32 v16, v20;
	v20 =	vld.idx.msk [tilespmem:v8+s23+$0x10 ss:$0x1], $0xffff  }
0x13a: {  	v16 =	vmax.f32 v16, v18;
	v18 =	vld.idx.msk [tilespmem:v8+s23+$0x20 ss:$0x1], $0xffff  }
0x13b: {  	v16 =	vmax.f32 v16, v19;
	v19 =	vld.idx.msk [tilespmem:v8+s23+$0x30 ss:$0x1], $0xffff  }
0x13c: {  	v16 =	vmax.f32 v16, v17;
	v17 =	vld.idx.msk [tilespmem:v8+s23+$0x40 ss:$0x1], $0xffff  }
0x13d: {  	v16 =	vmax.f32 v16, v22;
	v22 =	vld.idx.msk [tilespmem:v8+s23+$0x50 ss:$0x1], $0xffff  }
0x13e: {  	v16 =	vmax.f32 v16, v21;
	v21 =	vld.idx.msk [tilespmem:v8+s23+$0x60 ss:$0x1], $0xffff  }
0x13f: {  	v16 =	vmax.f32 v16, v20;
	v20 =	vld.idx.msk [tilespmem:v8+s23+$0x70 ss:$0x1], $0xffff  }
0x140: {  	v16 =	vmax.f32 v16, v18;
	v18 =	vld.idx.msk [tilespmem:v8+s23+$0x80 ss:$0x1], $0xffff  }
0x141: {  	v16 =	vmax.f32 v16, v19;
	v19 =	vld.idx.msk [tilespmem:v8+s23+$0x90 ss:$0x1], $0xffff  }
0x142: {  	v16 =	vmax.f32 v16, v17;
	v17 =	vld.idx.msk [tilespmem:v8+s23+$0xA0 ss:$0x1], $0xffff  }
0x143: {  	v16 =	vmax.f32 v16, v22;
	v22 =	vld.idx.msk [tilespmem:v8+s23+$0xB0 ss:$0x1], $0xffff  }
0x144: {  	v16 =	vmax.f32 v16, v21;
	v21 =	vld.idx.msk [tilespmem:v8+s23+$0xC0 ss:$0x1], $0xffff  }
0x145: {  	v16 =	vmax.f32 v16, v20;
	v20 =	vld.idx.msk [tilespmem:v8+s23+$0xD0 ss:$0x1], $0xffff  }
0x146: {  	v16 =	vmax.f32 v16, v18;
	v18 =	vld.idx.msk [tilespmem:v8+s23+$0xE0 ss:$0x1], $0xffff  }
0x147: {  	v16 =	vmax.f32 v16, v19;
	v19 =	vld.idx.msk [tilespmem:v8+s23+$0xF0 ss:$0x1], $0xffff  }
0x148: {  	v16 =	vmax.f32 v16, v17;
	v17 =	vld.idx.msk [tilespmem:v8+s23+$0x100 ss:$0x1], $0xffff  }
0x149: {  	v16 =	vmax.f32 v16, v22;
	v22 =	vld.idx.msk [tilespmem:v8+s23+$0x110 ss:$0x1], $0xffff  }
0x14a: {  	v16 =	vmax.f32 v16, v21;
	v21 =	vld.idx.msk [tilespmem:v8+s23+$0x120 ss:$0x1], $0xffff  }
0x14b: {  	v16 =	vmax.f32 v16, v20;
	v20 =	vld.idx.msk [tilespmem:v8+s23+$0x130 ss:$0x1], $0xffff  }
0x14c: {  	v16 =	vmax.f32 v16, v18;
	v18 =	vld.idx.msk [tilespmem:v8+s23+$0x140 ss:$0x1], $0xffff  }
0x14d: {  	v16 =	vmax.f32 v16, v19;
	v19 =	vld.idx.msk [tilespmem:v8+s23+$0x150 ss:$0x1], $0xffff  }
0x14e: {  	v16 =	vmax.f32 v16, v17;
	v17 =	vld.idx.msk [tilespmem:v8+s23+$0x160 ss:$0x1], $0xffff  }
0x14f: {  	v16 =	vmax.f32 v16, v22;
	v22 =	vld.idx.msk [tilespmem:v8+s23+$0x170 ss:$0x1], $0xffff  }
0x150: {  	v16 =	vmax.f32 v16, v21;
	v21 =	vld.idx.msk [tilespmem:v8+s23+$0x180 ss:$0x1], $0xffff  }
0x151: {  	v16 =	vmax.f32 v16, v20;
	v20 =	vld.idx.msk [tilespmem:v8+s23+$0x190 ss:$0x1], $0xffff  }
0x152: {  	v16 =	vmax.f32 v16, v18;
	v23 =	vld.idx.msk [tilespmem:v8+s23+$0x1A0 ss:$0x1], $0xffff  }
0x153: {  	v18 =	vmax.f32 v16, v19;
	v16 =	vld.idx.msk [tilespmem:v8+s23+$0x1B0 ss:$0x1], $0xffff  }
.Ltmp8:
0x154: {  	v18 =	vmax.f32 v18, v17;
	v17 =	vld.idx.msk [tilespmem:v8+s23+$0x1C0 ss:$0x1], $0xffff;
	(pc) =	sbr.rel @p3 .LBB2_13-.Ltmp8, $4  }
0x155: {  	v19 =	vmax.f32 v18, v22;
	v18 =	vld.idx.msk [tilespmem:v8+s23+$0x1D0 ss:$0x1], $0xffff  }
0x156: {  	v21 =	vmax.f32 v19, v21;
	v19 =	vld.idx.msk [tilespmem:v8+s23+$0x1E0 ss:$0x1], $0xffff  }
0x157: {  	v21 =	vmax.f32 v21, v20;
	v20 =	vld.idx.msk [tilespmem:v8+s23+$0x1F0 ss:$0x1], $0xffff;
	s23 =	sshra.s32 s24, $0x2  }
0x158: {  	s24 =	sadd.s32 $0x1000, s24;
	v21 =	vmax.f32 v21, v23;
	v22 =	vld.idx.msk [tilespmem:v8+s23+$0xFFFFFE00 ss:$0x1], $0xffff  }
.LBB2_14:
0x159: {  	_ =	sdelay $0x3  }
0x15a: {  	v23 =	vld.idx.msk [tilespmem:v8+s23+$0xFFFFFE10 ss:$0x1], $0xffff  }
0x15b: {  	v24 =	vld.idx.msk [tilespmem:v8+s23+$0xFFFFFE20 ss:$0x1], $0xffff  }
0x15c: {  	v25 =	vld.idx.msk [tilespmem:v8+s23+$0xFFFFFE30 ss:$0x1], $0xffff  }
0x15d: {  	v26 =	vld.idx.msk [tilespmem:v8+s23+$0xFFFFFE40 ss:$0x1], $0xffff  }
0x15e: {  	v27 =	vld.idx.msk [tilespmem:v8+s23+$0xFFFFFE50 ss:$0x1], $0xffff  }
0x15f: {  	v34 =	vld.idx.msk [tilespmem:v8+s23+$0xFFFFFE60 ss:$0x1], $0xffff;
	v22 =	vmax.f32 v22, v23  }
0x160: {  	v35 =	vld.idx.msk [tilespmem:v8+s23+$0xFFFFFE70 ss:$0x1], $0xffff;
	v22 =	vmax.f32 v22, v24  }
0x161: {  	v36 =	vld.idx.msk [tilespmem:v8+s23+$0xFFFFFE80 ss:$0x1], $0xffff;
	v22 =	vmax.f32 v22, v25  }
0x162: {  	v37 =	vld.idx.msk [tilespmem:v8+s23+$0xFFFFFE90 ss:$0x1], $0xffff;
	v22 =	vmax.f32 v22, v26  }
0x163: {  	v38 =	vld.idx.msk [tilespmem:v8+s23+$0xFFFFFEA0 ss:$0x1], $0xffff;
	v22 =	vmax.f32 v22, v27  }
0x164: {  	v39 =	vld.idx.msk [tilespmem:v8+s23+$0xFFFFFEB0 ss:$0x1], $0xffff;
	v22 =	vmax.f32 v22, v34  }
0x165: {  	v40 =	vld.idx.msk [tilespmem:v8+s23+$0xFFFFFEC0 ss:$0x1], $0xffff;
	v22 =	vmax.f32 v22, v35  }
0x166: {  	v41 =	vld.idx.msk [tilespmem:v8+s23+$0xFFFFFED0 ss:$0x1], $0xffff;
	v22 =	vmax.f32 v22, v36  }
0x167: {  	v42 =	vld.idx.msk [tilespmem:v8+s23+$0xFFFFFEE0 ss:$0x1], $0xffff;
	v22 =	vmax.f32 v22, v37  }
0x168: {  	v43 =	vld.idx.msk [tilespmem:v8+s23+$0xFFFFFEF0 ss:$0x1], $0xffff;
	v22 =	vmax.f32 v22, v38  }
0x169: {  	v44 =	vld.idx.msk [tilespmem:v8+s23+$0xFFFFFF00 ss:$0x1], $0xffff;
	v22 =	vmax.f32 v22, v39  }
0x16a: {  	v45 =	vld.idx.msk [tilespmem:v8+s23+$0xFFFFFF10 ss:$0x1], $0xffff;
	v22 =	vmax.f32 v22, v40  }
0x16b: {  	v46 =	vld.idx.msk [tilespmem:v8+s23+$0xFFFFFF20 ss:$0x1], $0xffff;
	v22 =	vmax.f32 v22, v41  }
0x16c: {  	v47 =	vld.idx.msk [tilespmem:v8+s23+$0xFFFFFF30 ss:$0x1], $0xffff;
	v22 =	vmax.f32 v22, v42  }
0x16d: {  	v48 =	vld.idx.msk [tilespmem:v8+s23+$0xFFFFFF40 ss:$0x1], $0xffff;
	v22 =	vmax.f32 v22, v43  }
0x16e: {  	v49 =	vld.idx.msk [tilespmem:v8+s23+$0xFFFFFF50 ss:$0x1], $0xffff;
	v22 =	vmax.f32 v22, v44  }
0x16f: {  	v50 =	vld.idx.msk [tilespmem:v8+s23+$0xFFFFFF60 ss:$0x1], $0xffff;
	v22 =	vmax.f32 v22, v45  }
0x170: {  	v51 =	vld.idx.msk [tilespmem:v8+s23+$0xFFFFFF70 ss:$0x1], $0xffff;
	v22 =	vmax.f32 v22, v46  }
0x171: {  	v52 =	vld.idx.msk [tilespmem:v8+s23+$0xFFFFFF80 ss:$0x1], $0xffff;
	v22 =	vmax.f32 v22, v47  }
0x172: {  	v53 =	vld.idx.msk [tilespmem:v8+s23+$0xFFFFFF90 ss:$0x1], $0xffff;
	v22 =	vmax.f32 v22, v48  }
0x173: {  	v54 =	vld.idx.msk [tilespmem:v8+s23+$0xFFFFFFA0 ss:$0x1], $0xffff;
	v22 =	vmax.f32 v22, v49  }
0x174: {  	v55 =	vld.idx.msk [tilespmem:v8+s23+$0xFFFFFFB0 ss:$0x1], $0xffff;
	v22 =	vmax.f32 v22, v50  }
0x175: {  	v56 =	vld.idx.msk [tilespmem:v8+s23+$0xFFFFFFC0 ss:$0x1], $0xffff;
	v22 =	vmax.f32 v22, v51  }
0x176: {  	v57 =	vld.idx.msk [tilespmem:v8+s23+$0xFFFFFFD0 ss:$0x1], $0xffff;
	v22 =	vmax.f32 v22, v52  }
0x177: {  	v58 =	vld.idx.msk [tilespmem:v8+s23+$0xFFFFFFE0 ss:$0x1], $0xffff;
	v22 =	vmax.f32 v22, v53  }
0x178: {  	v59 =	vld.idx.msk [tilespmem:v8+s23+$0xFFFFFFF0 ss:$0x1], $0xffff;
	v22 =	vmax.f32 v22, v54  }
0x179: {  	v60 =	vld.idx.msk [tilespmem:v8+s23+$0x0 ss:$0x1], $0xffff;
	v22 =	vmax.f32 v22, v55  }
0x17a: {  	v61 =	vld.idx.msk [tilespmem:v8+s23+$0x10 ss:$0x1], $0xffff;
	v22 =	vmax.f32 v22, v56  }
0x17b: {  	v62 =	vld.idx.msk [tilespmem:v8+s23+$0x20 ss:$0x1], $0xffff;
	v22 =	vmax.f32 v22, v57  }
0x17c: {  	v63 =	vld.idx.msk [tilespmem:v8+s23+$0x30 ss:$0x1], $0xffff;
	v22 =	vmax.f32 v22, v58  }
0x17d: {  	v30 =	vld.idx.msk [tilespmem:v8+s23+$0x40 ss:$0x1], $0xffff;
	v22 =	vmax.f32 v22, v59  }
0x17e: {  	v31 =	vld.idx.msk [tilespmem:v8+s23+$0x50 ss:$0x1], $0xffff;
	v22 =	vmax.f32 v22, v60  }
0x17f: {  	v32 =	vld.idx.msk [tilespmem:v8+s23+$0x60 ss:$0x1], $0xffff;
	v22 =	vmax.f32 v22, v61  }
0x180: {  	v33 =	vld.idx.msk [tilespmem:v8+s23+$0x70 ss:$0x1], $0xffff;
	v22 =	vmax.f32 v22, v62  }
0x181: {  	v34 =	vld.idx.msk [tilespmem:v8+s23+$0x80 ss:$0x1], $0xffff;
	v22 =	vmax.f32 v22, v63  }
0x182: {  	v35 =	vld.idx.msk [tilespmem:v8+s23+$0x90 ss:$0x1], $0xffff;
	v22 =	vmax.f32 v22, v30  }
0x183: {  	v36 =	vld.idx.msk [tilespmem:v8+s23+$0xA0 ss:$0x1], $0xffff;
	v22 =	vmax.f32 v22, v31  }
0x184: {  	v37 =	vld.idx.msk [tilespmem:v8+s23+$0xB0 ss:$0x1], $0xffff;
	v22 =	vmax.f32 v22, v32  }
0x185: {  	v38 =	vld.idx.msk [tilespmem:v8+s23+$0xC0 ss:$0x1], $0xffff;
	v22 =	vmax.f32 v22, v33  }
0x186: {  	v39 =	vld.idx.msk [tilespmem:v8+s23+$0xD0 ss:$0x1], $0xffff;
	v22 =	vmax.f32 v22, v34  }
0x187: {  	v40 =	vld.idx.msk [tilespmem:v8+s23+$0xE0 ss:$0x1], $0xffff;
	v22 =	vmax.f32 v22, v35  }
0x188: {  	v41 =	vld.idx.msk [tilespmem:v8+s23+$0xF0 ss:$0x1], $0xffff;
	v22 =	vmax.f32 v22, v36  }
0x189: {  	v42 =	vld.idx.msk [tilespmem:v8+s23+$0x100 ss:$0x1], $0xffff;
	v22 =	vmax.f32 v22, v37  }
0x18a: {  	v43 =	vld.idx.msk [tilespmem:v8+s23+$0x110 ss:$0x1], $0xffff;
	v22 =	vmax.f32 v22, v38  }
0x18b: {  	v44 =	vld.idx.msk [tilespmem:v8+s23+$0x120 ss:$0x1], $0xffff;
	v22 =	vmax.f32 v22, v39  }
0x18c: {  	v45 =	vld.idx.msk [tilespmem:v8+s23+$0x130 ss:$0x1], $0xffff;
	v22 =	vmax.f32 v22, v40  }
0x18d: {  	v46 =	vld.idx.msk [tilespmem:v8+s23+$0x140 ss:$0x1], $0xffff;
	v22 =	vmax.f32 v22, v41  }
0x18e: {  	v47 =	vld.idx.msk [tilespmem:v8+s23+$0x150 ss:$0x1], $0xffff;
	v22 =	vmax.f32 v22, v42  }
0x18f: {  	v48 =	vld.idx.msk [tilespmem:v8+s23+$0x160 ss:$0x1], $0xffff;
	v22 =	vmax.f32 v22, v43  }
0x190: {  	v49 =	vld.idx.msk [tilespmem:v8+s23+$0x170 ss:$0x1], $0xffff;
	v22 =	vmax.f32 v22, v44  }
0x191: {  	v50 =	vld.idx.msk [tilespmem:v8+s23+$0x180 ss:$0x1], $0xffff;
	v22 =	vmax.f32 v22, v45  }
0x192: {  	v16 =	vmax.f32 @p1 v21, v16;
	v52 =	vld.idx.msk [tilespmem:v8+s23+$0x190 ss:$0x1], $0xffff;
	v51 =	vmax.f32 v22, v46  }
0x193: {  	v16 =	vmax.f32 @p1 v16, v17;
	v53 =	vld.idx.msk [tilespmem:v8+s23+$0x1A0 ss:$0x1], $0xffff;
	v17 =	vmax.f32 v51, v47  }
0x194: {  	v16 =	vmax.f32 @p1 v16, v18;
	v18 =	vld.idx.msk [tilespmem:v8+s23+$0x1B0 ss:$0x1], $0xffff;
	v17 =	vmax.f32 v17, v48  }
0x195: {  	v11 =	vmax.f32 @p2 v14, v11;
	v14 =	vld.idx.msk [tilespmem:v8+s23+$0x1C0 ss:$0x1], $0xffff;
	v10 =	vmax.f32 @p2 v13, v10;
	v17 =	vmax.f32 v17, v49  }
0x196: {  	v12 =	vmax.f32 @p2 v15, v12;
	v16 =	vmax.f32 @p1 v16, v19;
	v19 =	vld.idx.msk [tilespmem:v8+s23+$0x1D0 ss:$0x1], $0xffff;
	v17 =	vmax.f32 v17, v50  }
0x197: {  	v13 =	vld.idx.msk [tilespmem:v8+s23+$0x1E0 ss:$0x1], $0xffff;
	v11 =	vpsel p2, v11, v7;
	v16 =	vmax.f32 @p1 v16, v20;
	v17 =	vmax.f32 v17, v52  }
0x198: {  	v10 =	vpsel p2, v10, v6;
	v20 =	vmin.f32 @p1 v11, v16;
	v8 =	vld.idx.msk [tilespmem:v8+s23+$0x1F0 ss:$0x1], $0xffff;
	v15 =	vmax.f32 v17, v53  }
0x199: {  	v12 =	vpsel p2, v12, v5;
	v17 =	vmin.f32 @p1 v10, v20;
	v15 =	vmax.f32 v15, v18  }
0x19a: {  	v18 =	vmin.f32 @p1 v12, v17;
	v14 =	vmax.f32 v15, v14  }
0x19b: {  	v17 =	vpsel p1, v17, v0;
	v15 =	vpsel p1, v16, v0;
	v14 =	vmax.f32 v14, v19  }
0x19c: {  	v16 =	vpsel p1, v20, v0;
	v11 =	vmax.f32 @p1 v11, v15;
	v13 =	vmax.f32 v14, v13  }
0x19d: {  	v10 =	vmax.f32 @p1 v10, v16;
	v7 =	vpsel p1, v11, v7;
	v8 =	vmax.f32 v13, v8  }
0x19e: {  	v6 =	vpsel p1, v10, v6;
	v7 =	vmin.f32 v7, v8;
	v8 =	vmax.f32 @p1 v12, v17  }
0x19f: {  	v9 =	vmax.f32 @p1 v9, v18;
	v6 =	vmin.f32 v6, v7;
	v5 =	vpsel p1, v8, v5  }
0x1a0: {  	v4 =	vpsel p1, v9, v4;
	v5 =	vmin.f32 v5, v6  }
0x1a1: {  	v4 =	vmax.f32 v4, v5  }
0x1a2: {  	v54 =	vld [tilespmem:s21+$0xFFFFFFD0];
	(xrf0) =	vmin.scan.msk.f32 $0xffff, v4  }
0x1a3: {  	v56 =	vld [tilespmem:s21+$0xFFFFFFF0]  }
0x1a4: {  	v9 =	vld [tilespmem:s21+$0xFFFFFF80]  }
0x1a5: {  	v15 =	vld [tilespmem:s21+$0xFFFFFFB0]  }
0x1a6: {  	v11 =	vld [tilespmem:s21+$0xFFFFFF90]  }
0x1a7: {  	v6 =	vld [tilespmem:s21+$0x70]  }
0x1a8: {  	v5 =	vld [tilespmem:s21+$0x60];
	v4, _, _ =	vpop (xrf0)  }
0x1a9: {  	s24 =	simm.s32 $0x10;
	s25 =	simm.s32 $0x20;
	v13 =	vld [tilespmem:s21+$0x50];
	v4 =	vadd.f32 $0.0e+00, v4  }
0x1aa: {  	s30 =	simm.s32 $0x30;
	v57 =	vor.u32 s24, v0;
	v59 =	vor.u32 s25, v0;
	v7 =	vld [tilespmem:s21+$0xFFFFFFA0];
	v8 =	vimm.s32 $0x0  }
0x1ab: {  	s31 =	simm.s32 $0x40;
	s23 =	simm.s32 $0x0;
	v61 =	vor.u32 s30, v0;
	v17 =	vld [tilespmem:s21+$0x20];
	v10 =	vshll.u32 v8, $0x7;
	v4 =	vbroadcast v4, $0xF  }
0x1ac: {  	v58 =	vld [tilespmem:s21+$0x30];
	v62 =	vor.u32 s31, v0;
	v14 =	vor.u32 s23, v0;
	v10 =	vand.u32 $0xF80, v10  }
0x1ad: {  	v12 =	vor.u32 v0, v10;
	vm0 =	vge.f32 v5, v4;
	vm1 =	vge.f32 v6, v4  }
0x1ae: {  	vm12 =	vge.f32 v9, v4;
	v9 =	vor.u32 v3, v10;
	vm13 =	vge.f32 v11, v4  }
0x1af: {  	vm11 =	vge.f32 v7, v4;
	vm2 =	vge.f32 v13, v4;
	vm14 =	vge.f32 v15, v4  }
0x1b0: {  	vm3 =	vge.f32 v17, v4;
	vm10 =	vge.f32 v54, v4;
	vm9 =	vge.f32 v56, v4  }
0x1b1: {  	v10 =	vld [tilespmem:s21+$0xFFFFFFC0];
	vm5 =	vge.f32 v58, v4;
	v5 =	vsel vm0, $0x1, v2;
	v6 =	vsel vm1, $0x1, v2  }
0x1b2: {  	v13 =	vld [tilespmem:s21+$0x10];
	v16 =	vsel vm12, $0x1, v2;
	v11 =	vsel vm13, $0x1, v2;
	v19 =	vsel vm14, $0x1, v2  }
0x1b3: {  	v60 =	vsel vm3, $0x1, v2;
	v7 =	vadd.s32 v16, v8;
	v16 =	vsel vm11, $0x1, v2  }
0x1b4: {  	v8 =	vadd.s32 v11, v8;
	v11 =	vshll.u32 v7, $0x7;
	v7 =	vadd.s32 v16, v7  }
0x1b5: {  	v20 =	vsel vm10, $0x1, v2;
	v16 =	vld [tilespmem:s21+$0xFFFFFFE0];
	v11 =	vand.u32 $0xF80, v11;
	v18 =	vshll.u32 v7, $0x7  }
0x1b6: {  	v11 =	vor.u32 v0, v11;
	v15 =	vand.u32 $0xF80, v18;
	vm15 =	vge.f32 v10, v4;
	v10 =	vld [tilespmem:s21+$0x0]  }
0x1b7: {  	v18 =	vshll.u32 v8, $0x7;
	v8 =	vadd.s32 v19, v8;
	vm4 =	vge.f32 v13, v4  }
0x1b8: {  	v13 =	vld [tilespmem:s21+$0x40];
	v18 =	vand.u32 $0xF80, v18;
	v15 =	vor.u32 v0, v15;
	v55 =	vsel vm15, $0x1, v2  }
0x1b9: {  	v19 =	vsel vm4, $0x1, v2;
	v20 =	vadd.s32 v20, v8;
	v7 =	vadd.s32 v55, v7  }
0x1ba: {  	v18 =	vor.u32 v3, v18;
	vm8 =	vge.f32 v16, v4;
	v16 =	vshll.u32 v7, $0x7  }
0x1bb: {  	v17 =	vsel vm8, $0x1, v2;
	v16 =	vand.u32 $0xF80, v16;
	vm6 =	vge.f32 v10, v4  }
0x1bc: {  	v10 =	vshll.u32 v8, $0x7;
	v7 =	vadd.s32 v17, v7;
	v17 =	vsel vm9, $0x1, v2  }
0x1bd: {  	vm7 =	vge.f32 v13, v4;
	v8 =	vor.u32 v0, v16;
	v13 =	vshll.u32 v20, $0x7  }
0x1be: {  	[tilespmem:v12+s13+$0x0] =	vst.idx.msk vm12, v14;
	v10 =	vand.u32 $0xF80, v10;
	v63 =	vsel vm6, $0x1, v2;
	v16 =	vadd.s32 v17, v20  }
0x1bf: {  	[tilespmem:v9+s13+$0x0] =	vst.idx.msk vm13, v57;
	v14 =	vand.u32 $0xF80, v13;
	v13 =	vsel vm7, $0x1, v2;
	v10 =	vor.u32 v3, v10  }
0x1c0: {  	[tilespmem:v11+s13+$0x0] =	vst.idx.msk vm11, v59;
	v12 =	vshll.u32 v16, $0x7;
	v9 =	vor.u32 v3, v14;
	v11 =	vadd.s32 v63, v7  }
0x1c1: {  	v14 =	vshll.u32 v7, $0x7;
	v16 =	vadd.s32 v19, v16;
	v17 =	vand.u32 $0xF80, v12  }
0x1c2: {  	[tilespmem:v18+s13+$0x0] =	vst.idx.msk vm14, v61;
	v12 =	vsel vm5, $0x1, v2;
	v7 =	vor.u32 v3, v17;
	v17 =	vshll.u32 v11, $0x7  }
0x1c3: {  	s24 =	simm.s32 $0x100;
	[tilespmem:v15+s13+$0x0] =	vst.idx.msk vm15, v62;
	v11 =	vadd.s32 v60, v11;
	v15 =	vand.u32 $0xF80, v17;
	v17 =	vshll.u32 v16, $0x7  }
.LBB2_15:
0x1c4: {  	p1 =	sne.s32 s24, $0x7F00  }
0x1c5: {  	v14 =	vand.u32 $0xF80, v14;
	v12 =	vadd.s32 v12, v16;
	v13 =	vadd.s32 v13, v11;
	s21 =	sadd.s32 $0x100, s21;
	s25 =	smov.u32 s24;
	s24 =	sadd.s32 $0x100, s24  }
0x1c6: {  	s26 =	sadd.s32 $0x50, s23;
	v15 =	vor.u32 v0, v15;
	v16 =	vand.u32 $0xF80, v17;
	v17 =	vshll.u32 v12, $0x7  }
0x1c7: {  	v16 =	vor.u32 v3, v16;
	v18 =	vshll.u32 v13, $0x7;
	v17 =	vand.u32 $0xF80, v17  }
0x1c8: {  	s28 =	sadd.s32 $0x60, s23;
	v11 =	vshll.u32 v11, $0x7;
	v20 =	vsel vm2, $0x1, v2;
	v19 =	vor.u32 s26, v0  }
0x1c9: {  	s26 =	sadd.s32 $0x70, s23;
	v14 =	vor.u32 v0, v14;
	v12 =	vadd.s32 v20, v12;
	v17 =	vor.u32 v3, v17  }
0x1ca: {  	[tilespmem:v10+s13+$0x0] =	vst.idx.msk vm10, v19;
	v10 =	vand.u32 $0xF80, v11;
	v11 =	vshll.u32 v12, $0x7;
	v12 =	vadd.s32 v6, v12  }
0x1cb: {  	v6 =	vor.u32 s28, v0;
	v10 =	vor.u32 v0, v10;
	v11 =	vand.u32 $0xF80, v11  }
0x1cc: {  	v13 =	vadd.s32 v5, v13;
	s28 =	sadd.s32 $0x80, s23;
	[tilespmem:v8+s13+$0x0] =	vst.idx.msk vm8, v6;
	v6 =	vor.u32 s26, v0;
	v8 =	vand.u32 $0xF80, v18  }
0x1cd: {  	v5 =	vshll.u32 v12, $0x7;
	s26 =	sadd.s32 $0x90, s23;
	[tilespmem:v9+s13+$0x0] =	vst.idx.msk vm9, v6;
	v6 =	vor.u32 s28, v0;
	v8 =	vor.u32 v0, v8  }
0x1ce: {  	v18 =	vand.u32 $0xF80, v5;
	v9 =	vshll.u32 v13, $0x7;
	s28 =	sadd.s32 $0xA0, s23;
	v5 =	vor.u32 s26, v0;
	[tilespmem:v14+s13+$0x0] =	vst.idx.msk vm6, v6  }
0x1cf: {  	s26 =	sadd.s32 $0xB0, s23;
	v6 =	vand.u32 $0xF80, v9;
	[tilespmem:v7+s13+$0x0] =	vst.idx.msk vm4, v5;
	v5 =	vor.u32 s28, v0  }
0x1d0: {  	s28 =	sadd.s32 $0xC0, s23;
	v7 =	vor.u32 v3, v11;
	[tilespmem:v15+s13+$0x0] =	vst.idx.msk vm3, v5;
	v5 =	vor.u32 s26, v0  }
0x1d1: {  	s26 =	sadd.s32 $0xD0, s23;
	[tilespmem:v16+s13+$0x0] =	vst.idx.msk vm5, v5;
	v5 =	vor.u32 s28, v0  }
0x1d2: {  	s28 =	sadd.s32 $0xE0, s23;
	[tilespmem:v10+s13+$0x0] =	vst.idx.msk vm7, v5;
	v5 =	vor.u32 s26, v0  }
0x1d3: {  	s26 =	sadd.s32 $0xF0, s23;
	s23 =	smov.u32 s25;
	[tilespmem:v17+s13+$0x0] =	vst.idx.msk vm2, v5;
	v5 =	vor.u32 s28, v0  }
0x1d4: {  	[tilespmem:v8+s13+$0x0] =	vst.idx.msk vm0, v5;
	v5 =	vor.u32 s26, v0  }
0x1d5: {  	[tilespmem:v7+s13+$0x0] =	vst.idx.msk vm1, v5;
	_ =	sdelay $0x1  }
0x1d6: {  	v7 =	vld [tilespmem:s21+$0x70]  }
0x1d7: {  	v5 =	vld [tilespmem:s21+$0x60]  }
0x1d8: {  	v8 =	vld [tilespmem:s21+$0xFFFFFFA0]  }
0x1d9: {  	v9 =	vld [tilespmem:s21+$0xFFFFFF80]  }
0x1da: {  	v10 =	vld [tilespmem:s21+$0xFFFFFF90]  }
0x1db: {  	v11 =	vld [tilespmem:s21+$0xFFFFFFB0]  }
0x1dc: {  	v15 =	vor.u32 v0, v6;
	v14 =	vld [tilespmem:s21+$0xFFFFFFC0];
	vm0 =	vge.f32 v5, v4  }
0x1dd: {  	v17 =	vor.u32 s23, v0;
	vm1 =	vge.f32 v7, v4;
	v16 =	vld [tilespmem:s21+$0x50];
	v5 =	vsel vm0, $0x1, v2  }
0x1de: {  	v6 =	vsel vm1, $0x1, v2;
	v7 =	vld [tilespmem:s21+$0x40];
	vm3 =	vge.f32 v9, v4;
	v9 =	vor.u32 v3, v18  }
0x1df: {  	vm4 =	vge.f32 v8, v4;
	v18 =	vld [tilespmem:s21+$0x30];
	v19 =	vsel vm3, $0x1, v2;
	vm5 =	vge.f32 v10, v4  }
0x1e0: {  	v8 =	vld [tilespmem:s21+$0xFFFFFFD0];
	v10 =	vadd.s32 v19, v13;
	v13 =	vsel vm5, $0x1, v2;
	v19 =	vsel vm4, $0x1, v2  }
0x1e1: {  	v20 =	vld [tilespmem:s21+$0x20];
	v12 =	vadd.s32 v13, v12;
	v13 =	vshll.u32 v10, $0x7;
	v10 =	vadd.s32 v19, v10  }
0x1e2: {  	v19 =	vld [tilespmem:s21+$0xFFFFFFE0];
	v13 =	vand.u32 $0xF80, v13;
	v21 =	vshll.u32 v10, $0x7;
	vm2 =	vge.f32 v16, v4  }
0x1e3: {  	vm7 =	vge.f32 v11, v4;
	v16 =	vld [tilespmem:s21+$0x10];
	v13 =	vor.u32 v0, v13;
	v11 =	vand.u32 $0xF80, v21  }
0x1e4: {  	v23 =	vsel vm7, $0x1, v2;
	vm11 =	vge.f32 v14, v4;
	v22 =	vshll.u32 v12, $0x7;
	v21 =	vld [tilespmem:s21+$0xFFFFFFF0]  }
0x1e5: {  	s25 =	sadd.s32 $0x10, s23;
	v24 =	vsel vm11, $0x1, v2;
	v22 =	vand.u32 $0xF80, v22;
	v11 =	vor.u32 v0, v11;
	v14 =	vld [tilespmem:s21+$0x0]  }
0x1e6: {  	s26 =	sadd.s32 $0x20, s23;
	v10 =	vadd.s32 v24, v10;
	[tilespmem:v15+s13+$0x0] =	vst.idx.msk vm3, v17;
	v15 =	vor.u32 s25, v0;
	v17 =	vor.u32 v3, v22  }
0x1e7: {  	v12 =	vadd.s32 v23, v12;
	vm3 =	vge.f32 v20, v4;
	[tilespmem:v9+s13+$0x0] =	vst.idx.msk vm5, v15;
	v9 =	vor.u32 s26, v0  }
0x1e8: {  	vm8 =	vge.f32 v19, v4;
	[tilespmem:v13+s13+$0x0] =	vst.idx.msk vm4, v9;
	v9 =	vshll.u32 v10, $0x7;
	vm4 =	vge.f32 v16, v4  }
0x1e9: {  	v19 =	vsel vm3, $0x1, v2;
	v13 =	vsel vm8, $0x1, v2;
	v15 =	vsel vm4, $0x1, v2  }
0x1ea: {  	s25 =	sadd.s32 $0x30, s23;
	v16 =	vshll.u32 v12, $0x7;
	v9 =	vand.u32 $0xF80, v9;
	vm6 =	vge.f32 v14, v4  }
0x1eb: {  	s26 =	sadd.s32 $0x40, s23;
	vm5 =	vge.f32 v18, v4;
	vm9 =	vge.f32 v21, v4;
	v14 =	vor.u32 s25, v0  }
0x1ec: {  	vm10 =	vge.f32 v8, v4;
	[tilespmem:v17+s13+$0x0] =	vst.idx.msk vm7, v14;
	v14 =	vor.u32 s26, v0;
	v17 =	vsel vm9, $0x1, v2  }
0x1ed: {  	v8 =	vsel vm10, $0x1, v2;
	[tilespmem:v11+s13+$0x0] =	vst.idx.msk vm11, v14;
	v11 =	vand.u32 $0xF80, v16;
	v16 =	vsel vm6, $0x1, v2  }
0x1ee: {  	v12 =	vadd.s32 v8, v12;
	v18 =	vadd.s32 v13, v10;
	vm7 =	vge.f32 v7, v4  }
0x1ef: {  	v8 =	vor.u32 v0, v9;
	v7 =	vshll.u32 v12, $0x7;
	v17 =	vadd.s32 v17, v12  }
.Ltmp9:
0x1f0: {  	v7 =	vand.u32 $0xF80, v7;
	v10 =	vor.u32 v3, v11;
	v9 =	vshll.u32 v17, $0x7;
	(pc) =	sbr.rel @p1 .LBB2_15-.Ltmp9, $4  }
0x1f1: {  	v12 =	vsel vm5, $0x1, v2;
	v13 =	vsel vm7, $0x1, v2;
	v11 =	vand.u32 $0xF80, v9  }
0x1f2: {  	v14 =	vshll.u32 v18, $0x7;
	v18 =	vadd.s32 v16, v18;
	v9 =	vor.u32 v3, v7  }
0x1f3: {  	v16 =	vadd.s32 v15, v17;
	v7 =	vor.u32 v3, v11;
	v11 =	vshll.u32 v18, $0x7  }
0x1f4: {  	v17 =	vshll.u32 v16, $0x7;
	v15 =	vand.u32 $0xF80, v11;
	v11 =	vadd.s32 v19, v18  }
0x1f5: {  	_ = 	snop  }
0x1f6: {  	v4 =	vand.u32 $0xF80, v14;
	v12 =	vadd.s32 v12, v16  }
0x1f7: {  	v13 =	vadd.s32 v13, v11;
	v55 =	vor.u32 v0, v15;
	v56 =	vand.u32 $0xF80, v17  }
0x1f8: {  	s21 =	sadd.s32 $0x50, s23;
	v58 =	vshll.u32 v11, $0x7;
	v19 =	vsel vm2, $0x1, v2;
	v4 =	vor.u32 v0, v4  }
0x1f9: {  	s24 =	sadd.s32 $0x60, s23;
	v16 =	vshll.u32 v12, $0x7;
	v15 =	vor.u32 v3, v56;
	v18 =	vor.u32 s21, v0  }
0x1fa: {  	s29 =	sadd.s32 $0x70, s23;
	v57 =	vshll.u32 v13, $0x7;
	v59 =	vor.u32 s24, v0;
	v11 =	vand.u32 $0xF80, v58;
	[tilespmem:v10+s13+$0x0] =	vst.idx.msk vm10, v18  }
0x1fb: {  	s30 =	sadd.s32 $0x80, s23;
	v60 =	vadd.s32 v19, v12;
	v16 =	vand.u32 $0xF80, v16;
	[tilespmem:v8+s13+$0x0] =	vst.idx.msk vm8, v59;
	v8 =	vor.u32 s29, v0  }
0x1fc: {  	s31 =	sadd.s32 $0x90, s23;
	v11 =	vor.u32 v0, v11;
	v61 =	vshll.u32 v60, $0x7;
	[tilespmem:v9+s13+$0x0] =	vst.idx.msk vm9, v8;
	v8 =	vor.u32 s30, v0  }
0x1fd: {  	s25 =	sadd.s32 $0xA0, s23;
	v62 =	vand.u32 $0xF80, v57;
	v16 =	vor.u32 v3, v16;
	[tilespmem:v4+s13+$0x0] =	vst.idx.msk vm6, v8;
	v4 =	vor.u32 s31, v0  }
0x1fe: {  	s26 =	sadd.s32 $0xB0, s23;
	v63 =	vor.u32 v0, v62;
	v8 =	vand.u32 $0xF80, v61;
	[tilespmem:v7+s13+$0x0] =	vst.idx.msk vm4, v4;
	v4 =	vor.u32 s25, v0  }
0x1ff: {  	s28 =	sadd.s32 $0xC0, s23;
	v8 =	vor.u32 v3, v8;
	[tilespmem:v55+s13+$0x0] =	vst.idx.msk vm3, v4;
	v4 =	vor.u32 s26, v0  }
0x200: {  	s29 =	sadd.s32 $0xD0, s23;
	[tilespmem:v15+s13+$0x0] =	vst.idx.msk vm5, v4;
	v4 =	vor.u32 s28, v0  }
0x201: {  	s30 =	sadd.s32 $0xE0, s23;
	[tilespmem:v11+s13+$0x0] =	vst.idx.msk vm7, v4;
	v4 =	vor.u32 s29, v0  }
0x202: {  	s31 =	sadd.s32 $0xF0, s23;
	[tilespmem:v16+s13+$0x0] =	vst.idx.msk vm2, v4;
	v4 =	vor.u32 s30, v0  }
0x203: {  	[tilespmem:v63+s13+$0x0] =	vst.idx.msk vm0, v4;
	v4 =	vor.u32 s31, v0  }
0x204: {  	v7 =	vadd.s32 v5, v13;
	[tilespmem:v8+s13+$0x0] =	vst.idx.msk vm1, v4  }
0x205: {  	v4 =	vadd.s32 v6, v60;
	[tilespmem:$0x14000] =	vst v7  }
0x206: {  	[tilespmem:$0x14080] =	vst v4  }
.LBB2_17:
0x207: {  	v5 =	vxor.u32 $0x80000000, v7  }
0x208: {  	(xrf0) =	vmax.scan.msk.u32 $0xffff, v5;
	_ =	sdelay $0x5  }
0x209: {  	v5, _, _ =	vpop (xrf0)  }
0x20a: {  	(v2sf) =	vpush v5, $0xF;
	_ =	sdelay $0xe  }
0x20b: {  	s23 =	spop (v2sf)  }
0x20c: {  	s21 =	sxor.u32 $0x80000000, s23  }
0x20d: {  	p1 =	slt.s32 s21, $0x1  }
.Ltmp10:
0x20e: {  	_ = 	snop;
	(pc) =	sbr.rel @p1 .LBB2_25-.Ltmp10, $2  }
0x20f: {  	_ =	sdelay $0x2  }
0x210: {  	v5 =	vmov s22  }
0x211: {  	s25 =	simm.s32 $0x12000  }
0x212: {  	v6 =	vld [tilespmem:s25+$0x0];
	_ =	sdelay $0x2  }
0x213: {  	s24 =	simm.s32 $0x0  }
0x214: {  	vm0 =	vgt.s32 v7, s24  }
0x215: {  	v6 =	vadd.s32 v5, v6;
	_ =	sdelay $0x3  }
0x216: {  	p1 =	slt.s32 s21, $0x20  }
0x217: {  	s21 =	simm.s32 @!p1 $0x20;
	v6 =	vld.idx.msk [tilespmem:v6+s2+$0x0], vm0  }
0x218: {  	p1 =	seq.s32 s21, $0x1  }
.Ltmp11:
0x219: {  	_ = 	snop;
	(pc) =	sbr.rel @p1 .LBB2_20-.Ltmp11, $3  }
0x21a: {  	_ =	sdelay $0x1  }
0x21b: {  	s22 =	simm.s32 $0x10000;
	v6 =	vnsel vm0, $0xFF800000, v6  }
0x21c: {  	s24 =	simm.s32 $0x1;
	s25 =	simm.s32 $0x12080;
	[tilespmem:s22+$0x0] =	vst v6  }
.LBB2_19:
0x21d: {  	v6 =	vld [tilespmem:s25+$0x0];
	s26 =	smov.u32 s24;
	s24 =	sadd.s32 $0x1, s24  }
0x21e: {  	p1 =	seq.s32 s21, s24;
	_ =	sdelay $0x2  }
0x21f: {  	vm0 =	vgt.s32 v7, s26  }
0x220: {  	v6 =	vadd.s32 v5, v6;
	_ =	sdelay $0x4  }
0x221: {  	v6 =	vld.idx.msk [tilespmem:v6+s2+$0x0], vm0;
	_ =	sdelay $0x2  }
.Ltmp12:
0x222: {  	(pc) =	sbr.rel @!p1 .LBB2_19-.Ltmp12, $3  }
0x223: {  	_ =	sdelay $0x1  }
0x224: {  	s22 =	sadd.s32 $0x80, s22;
	v6 =	vnsel vm0, $0xFF800000, v6  }
0x225: {  	s25 =	sadd.s32 $0x80, s25;
	[tilespmem:s22+$0x0] =	vst v6  }
.LBB2_20:
0x226: {  	p1 =	seq.s32 s23, $0x80000001  }
.Ltmp13:
0x227: {  	_ = 	snop;
	(pc) =	sbr.rel @p1 .LBB2_25-.Ltmp13, $1  }
0x228: {  	_ =	sdelay $0x3  }
0x229: {  	p1 =	sgt.s32 s21, $0x2;
	s22 =	smov.u32 s21  }
0x22a: {  	s22 =	simm.s32 @!p1 $0x2  }
0x22b: {  	s23 =	simm.s32 $0x0;
	s22 =	sadd.s32 $0xFFFFFFFF, s22  }
.LBB2_22:
0x22c: {  	p1 =	sne.s32 s22, $0x1  }
.Ltmp14:
0x22d: {  	s25 =	simm.s32 $0x10080;
	(pc) =	sbr.rel @!p1 .LBB2_24-.Ltmp14, $4  }
0x22e: {  	v6 =	vld [tilespmem:s25+$0x0]  }
0x22f: {  	v8 =	vld [tilespmem:s25+$0xFFFFFF80]  }
0x230: {  	s24 =	simm.s32 $0x12080  }
0x231: {  	s26 =	sadd.s32 $0xFFFFFFFF, s22;
	v7 =	vld [tilespmem:s24+$0x0]  }
.LBB2_23:
0x232: {  	p1 =	sne.s32 s26, $0x1;
	v9 =	vld [tilespmem:s24+$0xFFFFFF80];
	_ =	sdelay $0x1  }
0x233: {  	vm0 =	vgt.f32 v6, v8  }
0x234: {  	v10 =	vsel vm0, v6, v8  }
0x235: {  	v6 =	vsel vm0, v8, v6;
	[tilespmem:s25+$0xFFFFFF80] =	vst v10  }
0x236: {  	[tilespmem:s25+$0x0] =	vst v6;
	v6 =	vsel vm0, v7, v9;
	v7 =	vsel vm0, v9, v7  }
0x237: {  	[tilespmem:s24+$0x0] =	vst v7  }
.Ltmp15:
0x238: {  	s25 =	sadd.s32 $0x80, s25;
	[tilespmem:s24+$0xFFFFFF80] =	vst v6;
	(pc) =	sbr.rel @p1 .LBB2_23-.Ltmp15, $4  }
0x239: {  	v6 =	vld [tilespmem:s25+$0x0]  }
0x23a: {  	v8 =	vld [tilespmem:s25+$0xFFFFFF80]  }
0x23b: {  	s24 =	sadd.s32 $0x80, s24  }
0x23c: {  	s26 =	sadd.s32 $0xFFFFFFFF, s26;
	v7 =	vld [tilespmem:s24+$0x0]  }
.LBB2_24:
0x23d: {  	v9 =	vld [tilespmem:s24+$0xFFFFFF80]  }
0x23e: {  	s23 =	sadd.s32 $0x1, s23  }
0x23f: {  	p1 =	sne.s32 s23, s21;
	vm0 =	vgt.f32 v6, v8  }
.Ltmp16:
0x240: {  	v10 =	vsel vm0, v6, v8;
	(pc) =	sbr.rel @p1 .LBB2_22-.Ltmp16, $4  }
0x241: {  	v6 =	vsel vm0, v8, v6;
	[tilespmem:s25+$0xFFFFFF80] =	vst v10  }
0x242: {  	[tilespmem:s25+$0x0] =	vst v6;
	v6 =	vsel vm0, v9, v7  }
0x243: {  	v7 =	vsel vm0, v7, v9;
	[tilespmem:s24+$0x0] =	vst v6  }
0x244: {  	[tilespmem:s24+$0xFFFFFF80] =	vst v7  }
.LBB2_25:
0x245: {  	v6 =	vxor.u32 $0x80000000, v4  }
0x246: {  	(xrf0) =	vmax.scan.msk.u32 $0xffff, v6;
	_ =	sdelay $0x5  }
0x247: {  	v6, _, _ =	vpop (xrf0)  }
0x248: {  	(v2sf) =	vpush v6, $0xF;
	_ =	sdelay $0xe  }
0x249: {  	s22 =	spop (v2sf)  }
0x24a: {  	s21 =	sxor.u32 $0x80000000, s22  }
0x24b: {  	p1 =	slt.s32 s21, $0x1  }
.Ltmp17:
0x24c: {  	_ = 	snop;
	(pc) =	sbr.rel @p1 .LBB2_33-.Ltmp17, $1  }
0x24d: {  	_ =	sdelay $0x3  }
0x24e: {  	s25 =	simm.s32 $0x13000  }
0x24f: {  	v6 =	vld [tilespmem:s25+$0x0];
	_ =	sdelay $0x2  }
0x250: {  	s24 =	simm.s32 $0x0  }
0x251: {  	vm0 =	vgt.s32 v4, s24  }
0x252: {  	v6 =	vadd.s32 v5, v6;
	_ =	sdelay $0x3  }
0x253: {  	p1 =	slt.s32 s21, $0x20  }
0x254: {  	s21 =	simm.s32 @!p1 $0x20;
	v6 =	vld.idx.msk [tilespmem:v6+s2+$0x0], vm0  }
0x255: {  	p1 =	seq.s32 s21, $0x1  }
.Ltmp18:
0x256: {  	_ = 	snop;
	(pc) =	sbr.rel @p1 .LBB2_28-.Ltmp18, $3  }
0x257: {  	_ =	sdelay $0x1  }
0x258: {  	s23 =	simm.s32 $0x11000;
	v6 =	vnsel vm0, $0xFF800000, v6  }
0x259: {  	s24 =	simm.s32 $0x1;
	s25 =	simm.s32 $0x13080;
	[tilespmem:s23+$0x0] =	vst v6  }
.LBB2_27:
0x25a: {  	v6 =	vld [tilespmem:s25+$0x0];
	s26 =	smov.u32 s24;
	s24 =	sadd.s32 $0x1, s24  }
0x25b: {  	p1 =	seq.s32 s21, s24;
	_ =	sdelay $0x2  }
0x25c: {  	vm0 =	vgt.s32 v4, s26  }
0x25d: {  	v6 =	vadd.s32 v5, v6;
	_ =	sdelay $0x4  }
0x25e: {  	v6 =	vld.idx.msk [tilespmem:v6+s2+$0x0], vm0;
	_ =	sdelay $0x2  }
.Ltmp19:
0x25f: {  	(pc) =	sbr.rel @!p1 .LBB2_27-.Ltmp19, $3  }
0x260: {  	_ =	sdelay $0x1  }
0x261: {  	s23 =	sadd.s32 $0x80, s23;
	v6 =	vnsel vm0, $0xFF800000, v6  }
0x262: {  	s25 =	sadd.s32 $0x80, s25;
	[tilespmem:s23+$0x0] =	vst v6  }
.LBB2_28:
0x263: {  	p1 =	seq.s32 s22, $0x80000001  }
.Ltmp20:
0x264: {  	_ = 	snop;
	(pc) =	sbr.rel @p1 .LBB2_33-.Ltmp20, $1  }
0x265: {  	_ =	sdelay $0x3  }
0x266: {  	p1 =	sgt.s32 s21, $0x2;
	s22 =	smov.u32 s21  }
0x267: {  	s22 =	simm.s32 @!p1 $0x2  }
0x268: {  	s23 =	simm.s32 $0x0;
	s22 =	sadd.s32 $0xFFFFFFFF, s22  }
.LBB2_30:
0x269: {  	p1 =	sne.s32 s22, $0x1  }
.Ltmp21:
0x26a: {  	s25 =	simm.s32 $0x11080;
	(pc) =	sbr.rel @!p1 .LBB2_32-.Ltmp21, $4  }
0x26b: {  	v4 =	vld [tilespmem:s25+$0x0]  }
0x26c: {  	v6 =	vld [tilespmem:s25+$0xFFFFFF80]  }
0x26d: {  	s24 =	simm.s32 $0x13080  }
0x26e: {  	s26 =	sadd.s32 $0xFFFFFFFF, s22;
	v5 =	vld [tilespmem:s24+$0x0]  }
.LBB2_31:
0x26f: {  	p1 =	sne.s32 s26, $0x1;
	v7 =	vld [tilespmem:s24+$0xFFFFFF80];
	_ =	sdelay $0x1  }
0x270: {  	vm0 =	vgt.f32 v4, v6  }
0x271: {  	v8 =	vsel vm0, v4, v6  }
0x272: {  	v4 =	vsel vm0, v6, v4;
	[tilespmem:s25+$0xFFFFFF80] =	vst v8  }
0x273: {  	[tilespmem:s25+$0x0] =	vst v4;
	v4 =	vsel vm0, v5, v7;
	v5 =	vsel vm0, v7, v5  }
0x274: {  	[tilespmem:s24+$0x0] =	vst v5  }
.Ltmp22:
0x275: {  	s25 =	sadd.s32 $0x80, s25;
	[tilespmem:s24+$0xFFFFFF80] =	vst v4;
	(pc) =	sbr.rel @p1 .LBB2_31-.Ltmp22, $4  }
0x276: {  	v4 =	vld [tilespmem:s25+$0x0]  }
0x277: {  	v6 =	vld [tilespmem:s25+$0xFFFFFF80]  }
0x278: {  	s24 =	sadd.s32 $0x80, s24  }
0x279: {  	s26 =	sadd.s32 $0xFFFFFFFF, s26;
	v5 =	vld [tilespmem:s24+$0x0]  }
.LBB2_32:
0x27a: {  	v7 =	vld [tilespmem:s24+$0xFFFFFF80]  }
0x27b: {  	s23 =	sadd.s32 $0x1, s23  }
0x27c: {  	p1 =	sne.s32 s23, s21;
	vm0 =	vgt.f32 v4, v6  }
.Ltmp23:
0x27d: {  	v8 =	vsel vm0, v4, v6;
	(pc) =	sbr.rel @p1 .LBB2_30-.Ltmp23, $4  }
0x27e: {  	v4 =	vsel vm0, v6, v4;
	[tilespmem:s25+$0xFFFFFF80] =	vst v8  }
0x27f: {  	[tilespmem:s25+$0x0] =	vst v4;
	v4 =	vsel vm0, v7, v5  }
0x280: {  	v5 =	vsel vm0, v5, v7;
	[tilespmem:s24+$0x0] =	vst v4  }
0x281: {  	[tilespmem:s24+$0xFFFFFF80] =	vst v5  }
.LBB2_33:
0x282: {  	v4 =	vimm.s32 $0x0  }
0x283: {  	vm0 =	vlt.s32 v4, $0x20;
	v5 =	vshll.u32 v4, $0x7  }
0x284: {  	v6 =	vadd.s32 v3, v5  }
0x285: {  	v5 =	vor.u32 v0, v5;
	_ =	sdelay $0x3  }
0x286: {  	v7 =	vld.idx.msk [tilespmem:v6+s14+$0x0], vm0  }
0x287: {  	v8 =	vld.idx.msk [tilespmem:v5+s14+$0x0], vm0;
	_ =	sdelay $0x4  }
0x288: {  	v8 =	vnsel vm0, $0xFF800000, v8;
	v7 =	vnsel vm0, $0xFF800000, v7  }
0x289: {  	v9 =	vmax.f32 v8, v7  }
0x28a: {  	(xrf0) =	vmax.scan.msk.f32 $0xffff, v9;
	_ =	sdelay $0x3  }
0x28b: {  	v6 =	vld.idx.msk [tilespmem:v6+s13+$0x0], vm0  }
0x28c: {  	v5 =	vld.idx.msk [tilespmem:v5+s13+$0x0], vm0  }
0x28d: {  	v9, _, _ =	vpop (xrf0)  }
0x28e: {  	v9 =	vbroadcast v9, $0xF;
	_ =	sdelay $0x1  }
0x28f: {  	vm14 =	veq.f32 v8, v9;
	vm1 =	veq.f32 v7, v9  }
0x290: {  	v7 =	vnsel vm14, $0x40000000, v5;
	v8 =	vnsel vm1, $0x40000000, v6  }
0x291: {  	vm2 =	vlt.s32 v7, v8  }
0x292: {  	v7 =	vsel vm2, v7, v8  }
0x293: {  	v7 =	vxor.u32 $0x80000000, v7  }
0x294: {  	(xrf0) =	vmin.scan.msk.u32 $0xffff, v7;
	_ =	sdelay $0x5  }
0x295: {  	v7, _, _ =	vpop (xrf0)  }
0x296: {  	(v2sf) =	vpush v7, $0xF;
	_ =	sdelay $0xd  }
0x297: {  	s21 =	simm.s32 $0x0  }
0x298: {  	v7 =	vmov s21;
	s31 =	spop (v2sf)  }
0x299: {  	s22 =	sand.u32 $0xF, s31  }
0x29a: {  	v8 =	vadd.f32 $0.0e+00, v9;
	s21 =	sxor.u32 $0x80000000, s31;
	v63 =	vmov s22  }
0x29b: {  	vm3 =	veq.s32 v5, s21;
	vm4 =	veq.s32 v6, s21;
	vm15 =	veq.s32 v63, v0  }
0x29c: {  	vm3 =	vmand vm3, vm15;
	vm2 =	vmand vm4, vm15  }
0x29d: {  	[tilespmem:v7+s15+$0x0] =	vst.idx.msk $0x1, v8;
	v5 =	vmov s21;
	vm0 =	vmand vm3, vm14;
	vm1 =	vmand vm2, vm1  }
0x29e: {  	s21 =	simm.s32 $0x1;
	[tilespmem:v7+s16+$0x0] =	vst.idx.msk $0x1, v5;
	v5 =	vimm.s32 $0x0;
	v6 =	vsel vm0, $0x1, v2;
	v7 =	vsel vm1, $0x1, v2  }
.LBB2_34:
0x29f: {  	p1 =	sne.s32 s21, $0x3F;
	v4 =	vadd.s32 v6, v4;
	v5 =	vadd.s32 v7, v5;
	s22 =	smov.u32 s21;
	s21 =	sadd.s32 $0x1, s21  }
0x2a0: {  	vm0 =	vlt.s32 v5, $0x20;
	v6 =	vshll.u32 v5, $0x7  }
0x2a1: {  	vm1 =	vlt.s32 v4, $0x20;
	v7 =	vshll.u32 v4, $0x7;
	v6 =	vadd.s32 v3, v6  }
0x2a2: {  	v7 =	vor.u32 v0, v7;
	_ =	sdelay $0x3  }
0x2a3: {  	v8 =	vld.idx.msk [tilespmem:v6+s14+$0x0], vm0  }
0x2a4: {  	v9 =	vld.idx.msk [tilespmem:v7+s14+$0x0], vm1;
	_ =	sdelay $0x5  }
0x2a5: {  	v8 =	vnsel vm0, $0xFF800000, v8;
	v9 =	vnsel vm1, $0xFF800000, v9  }
0x2a6: {  	v10 =	vmax.f32 v9, v8  }
0x2a7: {  	(xrf0) =	vmax.scan.msk.f32 $0xffff, v10;
	_ =	sdelay $0x2  }
0x2a8: {  	v6 =	vld.idx.msk [tilespmem:v6+s13+$0x0], vm0  }
0x2a9: {  	v7 =	vld.idx.msk [tilespmem:v7+s13+$0x0], vm1;
	_ =	sdelay $0x1  }
0x2aa: {  	v10 =	vmov s22;
	v11, _, _ =	vpop (xrf0)  }
0x2ab: {  	v11 =	vbroadcast v11, $0xF;
	_ =	sdelay $0x1  }
0x2ac: {  	vm0 =	veq.f32 v9, v11;
	vm1 =	veq.f32 v8, v11;
	v8 =	vadd.f32 $0.0e+00, v11  }
0x2ad: {  	v9 =	vnsel vm0, $0x40000000, v7;
	v11 =	vnsel vm1, $0x40000000, v6  }
0x2ae: {  	vm2 =	vlt.s32 v9, v11;
	[tilespmem:v10+s15+$0x0] =	vst.idx.msk $0x1, v8  }
0x2af: {  	v8 =	vsel vm2, v9, v11  }
0x2b0: {  	v8 =	vxor.u32 $0x80000000, v8  }
0x2b1: {  	(xrf0) =	vmin.scan.msk.u32 $0xffff, v8;
	_ =	sdelay $0x5  }
0x2b2: {  	v8, _, _ =	vpop (xrf0)  }
0x2b3: {  	(v2sf) =	vpush v8, $0xF;
	_ =	sdelay $0xe  }
0x2b4: {  	s22 =	spop (v2sf)  }
0x2b5: {  	s23 =	sxor.u32 $0x80000000, s22;
	s22 =	sand.u32 $0xF, s22  }
.Ltmp24:
0x2b6: {  	v8 =	vmov s22;
	v9 =	vmov s23;
	(pc) =	sbr.rel @p1 .LBB2_34-.Ltmp24, $4  }
0x2b7: {  	vm3 =	veq.s32 v7, s23;
	vm4 =	veq.s32 v6, s23;
	vm2 =	veq.s32 v8, v0;
	[tilespmem:v10+s16+$0x0] =	vst.idx.msk $0x1, v9  }
0x2b8: {  	vm3 =	vmand vm3, vm2;
	vm2 =	vmand vm4, vm2  }
0x2b9: {  	vm0 =	vmand vm3, vm0;
	vm1 =	vmand vm2, vm1  }
0x2ba: {  	v6 =	vsel vm0, $0x1, v2;
	v7 =	vsel vm1, $0x1, v2  }
0x2bb: {  	s20 =	sor.u32 s8, s20  }
0x2bc: {  	s21 =	sadd.s32 s4, s20  }
0x2bd: {  	[hbm4b:s21+s2] =	stream.linear.scatter [tilespmem:s15], [sflag:$0x2], $0x80, $0x38;
	[tilespmem:$0x14200] =	vst v63  }
0x2be: {  	_ =	swait.ge [sflag:s17], $0x80  }
0x2bf: {  	[sflag:s17] =	ssyncset.done $0x0  }
0x2c0: {  	p1 =	sne.s32 s19, $0x4;
	s20 =	sadd.s32 s5, s20;
	[sflag:s17] =	ssyncadd.s32 $0xFFFFFF80  }
0x2c1: {  	[hbm4b:s20+s2] =	stream.linear.scatter [tilespmem:s16], [sflag:$0x2], $0x80, $0x38;
	[tilespmem:$0x14200] =	vst v63  }
.Ltmp25:
0x2c2: {  	_ = 	snop;
	(pc) =	sbr.rel @p1 .LBB2_2-.Ltmp25, $4  }
.Ltmp26:
0x2c3: {  	_ = 	snop;
	(pc) =	sbr.rel @!p1 .LBB2_36-.Ltmp26, $4  }
0x2c4: {  	_ =	swait.ge [sflag:s17], $0x80  }
0x2c5: {  	[sflag:s17] =	ssyncset.done $0x0  }
0x2c6: {  	p0 =	por !p0, !p0;
	s20 =	smov.u32 s19;
	[sflag:s17] =	ssyncadd.s32 $0xFFFFFF80  }
0x2c7: {  	_ = 	snop  }
.LBB2_8:
.Ltmp27:
0x2c8: {  	(pc) =	sbr.rel .LBB2_14-.Ltmp27, $2  }
0x2c9: {  	_ =	sdelay $0x2  }
0x2ca: {  	v14 =	vmovc v7;
	v13 =	vmov v6;
	v15 =	vmov v5;
	v9 =	vmov v4  }
.LBB2_10:
.Ltmp28:
0x2cb: {  	(pc) =	sbr.rel .LBB2_14-.Ltmp28, $2  }
0x2cc: {  	_ =	sdelay $0x2  }
0x2cd: {  	s23 =	smov.u32 s24;
	v14 =	vmovc v7;
	v13 =	vmov v6;
	v15 =	vmov v5;
	v9 =	vmov v4  }
.LBB2_12:
.Ltmp29:
0x2ce: {  	(pc) =	sbr.rel .LBB2_14-.Ltmp29, $2  }
0x2cf: {  	_ =	sdelay $0x2  }
0x2d0: {  	v14 =	vmov v7;
	v13 =	vmov v6;
	v15 =	vmov v5  }
.LBB2_37:
0x2d1: {  	_ =	sfence.sel $0x180000  }
0x2d2: {  	[bflag:$0x0] =	sbarrier.arrive $0xFFFF  }
0x2d3: {  	p0 =	sne.s32 s3, $0x0;
	_ =	strace $0x90000047  }
0x2d4: {  	s0 =	sadd.s32 @!p0 $0x100000, s0;
	[bflag:$0x2] =	sbarrier.arrive $0xFFFF  }
0x2d5: {  	[sflag:s0] =	ssyncadd.tile.s32 @!p0 $0x1;
	_ =	shalt  }
.Lfunc_end2:
_tile_overlayer_lowered:
.L_overlay_start_2:
0x2d6: {  	(tag) =	ssettag $0x2  }
0x2d7: {  	s0 =	rddreg [dreg:$0x0];
	s2 =	stileid.u32  }
0x2d8: {  	s1 =	rddreg [dreg:$0x1];
	p0 =	sne.s32 s2, $0x0  }
0x2d9: {  	s3 =	rddreg [dreg:$0x2];
	[bflag:$0x3] =	sbarrier.arrive $0xFFFF;
	s2 =	simm.s32 @!p0 $0x1C02  }
0x2da: {  	[timem:s3], [sflag:s2] =	dma.local @!p0 [hbm:s0], s1  }
0x2db: {  	s0 =	simm.s32 @!p0 $0x2  }
0x2dc: {  	_ =	swait.ge @!p0 [sflag:s0], s1  }
0x2dd: {  	s1 =	ssub.s32 @!p0 $0x0, s1;
	[sflag:s0] =	ssyncset.done @!p0 $0x0  }
0x2de: {  	[sflag:s0] =	ssyncadd.s32 @!p0 s1  }
0x2df: {  	[bflag:$0x3] =	sbarrier.arrive $0xFFFF  }
0x2e0: {  	_ =	shalt  }

</sc_bundles>
